<compile_context>
chip_gen: v7x
topology: tpu7x:2x2x1
jax: 0.10.2.dev20260603
libtpu: 0.0.44.dev20260713+nightly
codegen_flags: <defaults>
</compile_context>

<pallas_src>
import functools

import jax
import jax.numpy as jnp
from jax import lax
from jax.experimental import pallas as pl
from jax.experimental.pallas import tpu as pltpu
from jax.experimental.pallas import tpu_sc as plsc

N_NODES = 10000
IN_FEAT = 128
HIDDEN = 32
NUM_GRAPHS = 64

NC = 2
NS = 16
NW = NC * NS
CH = 128
CPW = 80
CHUNKS = NW * CPW
PAD_E = CHUNKS * CH
NPAD = N_NODES + 240
RPS = NPAD // NS


def _kan_pack(W):
    wc = jnp.concatenate([W[0, :, :, 0].T, W[0, :, :, 1].T], axis=0)
    ws = jnp.concatenate([W[1, :, :, 0].T, W[1, :, :, 1].T], axis=0)
    return wc, ws


def _kan_pack_blockdiag(W):
    eye4 = jnp.eye(4, dtype=jnp.float32)
    return tuple(jnp.kron(eye4, W[h, :, :, g].T)
                 for h in (0, 1) for g in (0, 1))


def _kan_feats(x):
    x2 = 2.0 * x
    return (jnp.concatenate([jnp.cos(x), jnp.cos(x2)], axis=1),
            jnp.concatenate([jnp.sin(x), jnp.sin(x2)], axis=1))


def _kan_packed(hp, wb):
    hp2 = 2.0 * hp
    c = jnp.dot(jnp.cos(hp), wb[0], preferred_element_type=jnp.float32)
    c = c + jnp.dot(jnp.cos(hp2), wb[1], preferred_element_type=jnp.float32)
    s = jnp.dot(jnp.sin(hp), wb[2], preferred_element_type=jnp.float32)
    s = s + jnp.dot(jnp.sin(hp2), wb[3], preferred_element_type=jnp.float32)
    return c + s



def _stage_a_body(x_ref, wkc_ref, wks_ref, wl1t_ref, g1_ref):
    fc, fs = _kan_feats(x_ref[:])
    h0t = (lax.dot_general(wkc_ref[:], fc, (((0,), (1,)), ((), ())),
                           preferred_element_type=jnp.float32)
           + lax.dot_general(wks_ref[:], fs, (((0,), (1,)), ((), ())),
                             preferred_element_type=jnp.float32))
    h0t2 = 2.0 * h0t
    g1t = jnp.dot(wl1t_ref[0], jnp.cos(h0t), preferred_element_type=jnp.float32)
    g1t = g1t + jnp.dot(wl1t_ref[1], jnp.cos(h0t2),
                        preferred_element_type=jnp.float32)
    g1t = g1t + jnp.dot(wl1t_ref[2], jnp.sin(h0t),
                        preferred_element_type=jnp.float32)
    g1t = g1t + jnp.dot(wl1t_ref[3], jnp.sin(h0t2),
                        preferred_element_type=jnp.float32)
    g1_ref[:] = g1t.T


def _stage_b_body(p_ref, wb_ref, g_ref):
    hp = p_ref[0] + p_ref[1]
    g_ref[:] = _kan_packed(hp, [wb_ref[i] for i in range(4)])


def _stage_c_body(p_ref, b_ref, w1c_ref, w1s_ref, w2c_ref, w2s_ref,
                  out_ref):
    hp = p_ref[0] + p_ref[1]
    seg = lax.broadcasted_iota(jnp.int32, (NPAD // 4, NUM_GRAPHS), 1)
    y = jnp.zeros((NUM_GRAPHS, HIDDEN), jnp.float32)
    for j in range(4):
        mj = (b_ref[:, j:j + 1] == seg).astype(jnp.float32)
        y = y + lax.dot_general(
            mj, hp[:, 32 * j:32 * j + 32], (((0,), (0,)), ((), ())),
            preferred_element_type=jnp.float32,
            precision=lax.Precision.HIGHEST)
    yc, ys = _kan_feats(y)
    z = (jnp.dot(yc, w1c_ref[:], preferred_element_type=jnp.float32)
         + jnp.dot(ys, w1s_ref[:], preferred_element_type=jnp.float32))
    z = jnp.where(z >= 0, z, 0.01 * z)
    zc, zs = _kan_feats(z)
    z = (jnp.dot(zc, w2c_ref[:], preferred_element_type=jnp.float32)
         + jnp.dot(zs, w2s_ref[:], preferred_element_type=jnp.float32))
    out_ref[:] = jax.nn.sigmoid(z)



NB = 4
NG = CPW // NB


def _sc_mp_body(g_hbm, src_hbm, dst_hbm, zero_hbm, out_hbm,
                srcs_v, dsts_v, rows_v, stage_v, acc_sh, gsem, ssem):
    c = lax.axis_index("c")
    s = lax.axis_index("s")
    wid = c * NS + s
    pltpu.sync_copy(zero_hbm, stage_v)
    pltpu.sync_copy(stage_v, acc_sh.at[pl.ds(s * RPS, RPS)])
    pltpu.sync_copy(src_hbm.at[:, wid], srcs_v)
    pltpu.sync_copy(dst_hbm.at[:, wid], dsts_v)
    plsc.subcore_barrier()

    def fire_gathers(g, half):
        for b in range(NB):
            pltpu.async_copy(g_hbm.at[srcs_v.at[g * NB + b]],
                             rows_v.at[half].at[b], gsem)

    def drain_gathers(g, half):
        for b in range(NB):
            pltpu.make_async_copy(g_hbm.at[srcs_v.at[g * NB + b]],
                                  rows_v.at[half].at[b], gsem).wait()

    def fire_scatters(g, half):
        for b in range(NB):
            pltpu.async_copy(rows_v.at[half].at[b],
                             acc_sh.at[dsts_v.at[g * NB + b]], ssem, add=True)

    def drain_scatters(g, half):
        for b in range(NB):
            pltpu.make_async_copy(rows_v.at[half].at[b],
                                  acc_sh.at[dsts_v.at[g * NB + b]], ssem).wait()

    fire_gathers(0, 0)

    def body(k, carry):
        g0 = 2 * k

        @pl.when(k > 0)
        def _():
            drain_scatters(g0 - 1, 1)

        fire_gathers(g0 + 1, 1)
        drain_gathers(g0, 0)
        fire_scatters(g0, 0)
        drain_scatters(g0, 0)

        @pl.when(k < NG // 2 - 1)
        def _():
            fire_gathers(g0 + 2, 0)

        drain_gathers(g0 + 1, 1)
        fire_scatters(g0 + 1, 1)
        return carry

    lax.fori_loop(0, NG // 2, body, 0)
    drain_scatters(NG - 1, 1)
    plsc.subcore_barrier()
    pltpu.sync_copy(acc_sh.at[pl.ds(s * RPS, RPS)], stage_v)
    pltpu.sync_copy(stage_v, out_hbm.at[c].at[pl.ds(s * RPS, RPS)])


_sc_mp = functools.partial(
    pl.kernel,
    out_type=jax.ShapeDtypeStruct((NC, NPAD, HIDDEN), jnp.float32),
    mesh=plsc.VectorSubcoreMesh(core_axis_name="c", subcore_axis_name="s"),
    compiler_params=pltpu.CompilerParams(use_tc_tiling_on_sc=False),
    scratch_types=[
        pltpu.VMEM((CPW, CH), jnp.int32),
        pltpu.VMEM((CPW, CH), jnp.int32),
        pltpu.VMEM((2, NB, CH, HIDDEN), jnp.float32),
        pltpu.VMEM((RPS, HIDDEN), jnp.float32),
        pltpu.VMEM_SHARED((NPAD, HIDDEN), jnp.float32),
        pltpu.SemaphoreType.DMA,
        pltpu.SemaphoreType.DMA,
    ],
)(_sc_mp_body)


def kernel(x, edge_index, batch, W_kan, W_l1, W_l2, W1, W2):
    wkc, wks = _kan_pack(W_kan)
    wl1t = jnp.stack([W_l1[h, :, :, g] for h in (0, 1) for g in (0, 1)])
    wl2b = jnp.stack(_kan_pack_blockdiag(W_l2))
    w1c, w1s = _kan_pack(W1)
    w2c, w2s = _kan_pack(W2)
    npk = NPAD // 4

    src = edge_index[0].astype(jnp.int32)
    dst = edge_index[1].astype(jnp.int32)
    n_e = src.shape[0]
    pad = PAD_E - n_e
    src_p = jnp.concatenate(
        [src, jnp.arange(pad, dtype=jnp.int32) % N_NODES]).reshape(CPW, NW, CH)
    dst_p = jnp.concatenate(
        [dst, N_NODES + (jnp.arange(pad, dtype=jnp.int32) % (NPAD - N_NODES))]
    ).reshape(CPW, NW, CH)
    zeros = jnp.zeros((RPS, HIDDEN), jnp.float32)
    batch_p = jnp.concatenate(
        [batch.astype(jnp.int32),
         jnp.full((NPAD - N_NODES,), NUM_GRAPHS, jnp.int32)]
    ).reshape(NPAD // 4, 4)

    blk = 2048
    x_pad = jnp.pad(x, ((0, NPAD - N_NODES), (0, 0)))
    g1p = pl.pallas_call(
        _stage_a_body,
        grid=(NPAD // blk,),
        in_specs=[
            pl.BlockSpec((blk, IN_FEAT), lambda i: (i, 0)),
            pl.BlockSpec((2 * IN_FEAT, HIDDEN), lambda i: (0, 0)),
            pl.BlockSpec((2 * IN_FEAT, HIDDEN), lambda i: (0, 0)),
            pl.BlockSpec((4, HIDDEN, HIDDEN), lambda i: (0, 0, 0)),
        ],
        out_specs=pl.BlockSpec((blk, HIDDEN), lambda i: (i, 0)),
        out_shape=jax.ShapeDtypeStruct((NPAD, HIDDEN), jnp.float32),
    )(x_pad, wkc, wks, wl1t)
    g1 = g1p

    p1 = _sc_mp(g1, src_p, dst_p, zeros)

    g2p = pl.pallas_call(
        _stage_b_body,
        in_specs=[
            pl.BlockSpec((NC, npk, 128), lambda: (0, 0, 0)),
            pl.BlockSpec((4, 128, 128), lambda: (0, 0, 0)),
        ],
        out_specs=pl.BlockSpec((npk, 128), lambda: (0, 0)),
        out_shape=jax.ShapeDtypeStruct((npk, 128), jnp.float32),
    )(p1.reshape(NC, npk, 128), wl2b)
    g2 = g2p.reshape(NPAD, HIDDEN)

    p2 = _sc_mp(g2, src_p, dst_p, zeros)

    out = pl.pallas_call(
        _stage_c_body,
        in_specs=[
            pl.BlockSpec((NC, npk, 128), lambda: (0, 0, 0)),
            pl.BlockSpec((NPAD // 4, 4), lambda: (0, 0)),
            pl.BlockSpec((2 * HIDDEN, HIDDEN), lambda: (0, 0)),
            pl.BlockSpec((2 * HIDDEN, HIDDEN), lambda: (0, 0)),
            pl.BlockSpec((2 * HIDDEN, 1), lambda: (0, 0)),
            pl.BlockSpec((2 * HIDDEN, 1), lambda: (0, 0)),
        ],
        out_specs=pl.BlockSpec((NUM_GRAPHS, 1), lambda: (0, 0)),
        out_shape=jax.ShapeDtypeStruct((NUM_GRAPHS, 1), jnp.float32),
    )(p2.reshape(NC, npk, 128), batch_p, w1c, w1s, w2c, w2s)
    return out

# --- scband reference (transcript-rebuilt; emitter-appended) ---
"""Pipeline reference for scband-ka-gnn-79929341378751 (READ-ONLY COPY).

The authoritative reference and input builder live on the scoring server;
editing this copy changes nothing except your own understanding.
"""

import jax, jax.numpy as jnp
import numpy as np

N_NODES = 10000
N_EDGES = 320000
IN_FEAT = 128
HIDDEN = 32
OUT_FEAT = 32
OUT = 1
GRID = 2
NUM_GRAPHS = 64


def kan_linear(x, coeffs):
    # x: [N, in], coeffs: [2, out, in, grid]
    grid = coeffs.shape[-1]
    k = jnp.arange(1, grid + 1, dtype=x.dtype)  # [G]
    xk = x[:, :, None] * k[None, None, :]       # [N, in, G]
    c = jnp.cos(xk)
    s = jnp.sin(xk)
    y = jnp.einsum('nig,oig->no', c, coeffs[0]) + jnp.einsum('nig,oig->no', s, coeffs[1])
    return y


def fourier_mp(x, edge_index, coeffs, num_nodes):
    # MessagePassing(aggr='add'): message on x_j = x[src], scatter-add to dst
    src = edge_index[0]
    dst = edge_index[1]
    x_j = jnp.take(x, src, axis=0)              # gather [E, hidden]
    m = kan_linear(x_j, coeffs)                 # [E, hidden]
    out = jax.ops.segment_sum(m, dst, num_segments=num_nodes)
    return out


def setup_inputs(seed: int = 0) -> dict:
    key = jax.random.key(seed)
    k1, k2, k3, k4, k5, k6, k7, k8 = jax.random.split(key, 8)
    x = jax.random.normal(k1, (N_NODES, IN_FEAT), dtype=jnp.float32)
    edge_index = jax.random.randint(k2, (2, N_EDGES), 0, N_NODES)
    batch = jnp.sort(jax.random.randint(k3, (N_NODES,), 0, NUM_GRAPHS))
    sc_in = 1.0 / (np.sqrt(IN_FEAT) * np.sqrt(GRID))
    sc_h = 1.0 / (np.sqrt(HIDDEN) * np.sqrt(GRID))
    sc_o = 1.0 / (np.sqrt(OUT_FEAT) * np.sqrt(GRID))
    W_kan = jax.random.normal(k4, (2, HIDDEN, IN_FEAT, GRID), dtype=jnp.float32) * sc_in
    W_l1 = jax.random.normal(k5, (2, HIDDEN, HIDDEN, GRID), dtype=jnp.float32) * sc_h
    W_l2 = jax.random.normal(k6, (2, HIDDEN, HIDDEN, GRID), dtype=jnp.float32) * sc_h
    W1 = jax.random.normal(k7, (2, OUT_FEAT, HIDDEN, GRID), dtype=jnp.float32) * sc_h
    W2 = jax.random.normal(k8, (2, OUT, OUT_FEAT, GRID), dtype=jnp.float32) * sc_o
    return {"x": x, "edge_index": edge_index, "batch": batch,
            "W_kan": W_kan, "W_l1": W_l1, "W_l2": W_l2, "W1": W1, "W2": W2}


def reference(x, edge_index, batch, W_kan, W_l1, W_l2, W1, W2):
    h = kan_linear(x, W_kan)                    # KAN input projection
    h = fourier_mp(h, edge_index, W_l1, x.shape[0])
    h = fourier_mp(h, edge_index, W_l2, x.shape[0])
    # global_add_pool
    y = jax.ops.segment_sum(h, batch, num_segments=NUM_GRAPHS)
    # Readout: KAN_linear -> LeakyReLU -> KAN_linear -> Sigmoid
    z = kan_linear(y, W1)
    z = jnp.where(z >= 0, z, 0.01 * z)
    z = kan_linear(z, W2)
    return jax.nn.sigmoid(z)

if __name__ == "__main__":
    import jax
    _d = setup_inputs()
    print(jax.jit(kernel)(*tuple(_d.values())))

</pallas_src>

<mosaic_0001>
#map = affine_map<(d0, d1) -> (0, 0)>
#map1 = affine_map<(d0, d1) -> (0, 0, 0)>
module attributes {stable_mosaic.version = 14 : i64} {
  func.func @_sc_mp_body(%arg0: i32, %arg1: i32, %arg2: memref<10240x32xf32, #tpu.memory_space<hbm>>, %arg3: memref<80x32x128xi32, #tpu.memory_space<hbm>>, %arg4: memref<80x32x128xi32, #tpu.memory_space<hbm>>, %arg5: memref<640x32xf32, #tpu.memory_space<hbm>>, %arg6: memref<2x10240x32xf32, #tpu.memory_space<hbm>>, %arg7: memref<80x128xi32, #tpu.memory_space<vmem>>, %arg8: memref<80x128xi32, #tpu.memory_space<vmem>>, %arg9: memref<2x4x128x32xf32, #tpu.memory_space<vmem>>, %arg10: memref<640x32xf32, #tpu.memory_space<vmem>>, %arg11: memref<10240x32xf32, #tpu.memory_space<vmem_shared>>, %arg12: memref<!tpu.dma_semaphore, #tpu.memory_space<semaphore_mem>>, %arg13: memref<!tpu.dma_semaphore, #tpu.memory_space<semaphore_mem>>) attributes {dimension_semantics = [#tpu.dimension_semantics<core_parallel>, #tpu.dimension_semantics<subcore_parallel>], iteration_bounds = array<i64: 2, 16>, scalar_prefetch = 0 : i64, scratch_operands = 7 : i64, tpu.core_type = #tpu.core_type<sc_vector_subcore>, window_params = [{transform_indices = #map}, {transform_indices = #map1}, {transform_indices = #map1}, {transform_indices = #map}, {transform_indices = #map1}]} {
    %mul3A = arith.constant 16 : i32
    %mul3A_0 = arith.muli %arg0, %mul3A : i32
    %add3A = arith.addi %mul3A_0, %arg1 : i32
    "tpu.region"() ({
      %run_scoped3A = tpu.sem_alloc : memref<!tpu.dma_semaphore, #tpu.memory_space<semaphore_mem>>
      tpu.enqueue_dma source(%arg5 : memref<640x32xf32, #tpu.memory_space<hbm>>) target(%arg10 : memref<640x32xf32, #tpu.memory_space<vmem>>) target_semaphore(%run_scoped3A : memref<!tpu.dma_semaphore, #tpu.memory_space<semaphore_mem>>)
      tpu.wait_dma2 semaphore(%run_scoped3A : memref<!tpu.dma_semaphore, #tpu.memory_space<semaphore_mem>>) src(%arg5 : memref<640x32xf32, #tpu.memory_space<hbm>>) dst(%arg10 : memref<640x32xf32, #tpu.memory_space<vmem>>)
      tpu.yield
    }) : () -> ()
    %mul3A_1 = arith.constant 640 : i32
    %mul3A_2 = arith.muli %arg1, %mul3A_1 : i32
    "tpu.region"() ({
      %run_scoped3A = tpu.sem_alloc : memref<!tpu.dma_semaphore, #tpu.memory_space<semaphore_mem>>
      %dma_start3A_155 = arith.constant 0 : i32
      %dma_start3A_156 = tpu.memref_slice %arg11[%mul3A_2, %dma_start3A_155] : memref<10240x32xf32, #tpu.memory_space<vmem_shared>> -> memref<640x32xf32, #tpu.memory_space<vmem_shared>>
      %dma_start3A_157 = arith.constant 0 : i32
      %dma_start3A_158 = tpu.memref_slice %arg11[%mul3A_2, %dma_start3A_157] : memref<10240x32xf32, #tpu.memory_space<vmem_shared>> -> memref<640x32xf32, #tpu.memory_space<vmem_shared>>
      tpu.enqueue_dma source(%arg10 : memref<640x32xf32, #tpu.memory_space<vmem>>) target(%dma_start3A_158 : memref<640x32xf32, #tpu.memory_space<vmem_shared>>) target_semaphore(%run_scoped3A : memref<!tpu.dma_semaphore, #tpu.memory_space<semaphore_mem>>)
      %dma_wait3A_159 = arith.constant 0 : i32
      %dma_wait3A_160 = tpu.memref_slice %arg11[%mul3A_2, %dma_wait3A_159] : memref<10240x32xf32, #tpu.memory_space<vmem_shared>> -> memref<640x32xf32, #tpu.memory_space<vmem_shared>>
      %dma_wait3A_161 = arith.constant 0 : i32
      %dma_wait3A_162 = tpu.memref_slice %arg11[%mul3A_2, %dma_wait3A_161] : memref<10240x32xf32, #tpu.memory_space<vmem_shared>> -> memref<640x32xf32, #tpu.memory_space<vmem_shared>>
      tpu.wait_dma2 semaphore(%run_scoped3A : memref<!tpu.dma_semaphore, #tpu.memory_space<semaphore_mem>>) src(%arg10 : memref<640x32xf32, #tpu.memory_space<vmem>>) dst(%dma_wait3A_162 : memref<640x32xf32, #tpu.memory_space<vmem_shared>>)
      tpu.yield
    }) : () -> ()
    "tpu.region"() ({
      %run_scoped3A = tpu.sem_alloc : memref<!tpu.dma_semaphore, #tpu.memory_space<semaphore_mem>>
      %dma_start3A_155 = arith.constant 0 : i32
      %dma_start3A_156 = arith.constant 0 : i32
      %dma_start3A_157 = tpu.memref_slice %arg3[%dma_start3A_155, %add3A, %dma_start3A_156] : memref<80x32x128xi32, #tpu.memory_space<hbm>> -> memref<80x1x128xi32, #tpu.memory_space<hbm>>
      %dma_start3A_158 = tpu.memref_squeeze %dma_start3A_157 : memref<80x1x128xi32, #tpu.memory_space<hbm>> -> memref<80x128xi32, #tpu.memory_space<hbm>>
      %dma_start3A_159 = arith.constant 0 : i32
      %dma_start3A_160 = arith.constant 0 : i32
      %dma_start3A_161 = tpu.memref_slice %arg3[%dma_start3A_159, %add3A, %dma_start3A_160] : memref<80x32x128xi32, #tpu.memory_space<hbm>> -> memref<80x1x128xi32, #tpu.memory_space<hbm>>
      %dma_start3A_162 = tpu.memref_squeeze %dma_start3A_161 : memref<80x1x128xi32, #tpu.memory_space<hbm>> -> memref<80x128xi32, #tpu.memory_space<hbm>>
      tpu.enqueue_dma source(%dma_start3A_162 : memref<80x128xi32, #tpu.memory_space<hbm>>) target(%arg7 : memref<80x128xi32, #tpu.memory_space<vmem>>) target_semaphore(%run_scoped3A : memref<!tpu.dma_semaphore, #tpu.memory_space<semaphore_mem>>)
      %dma_wait3A_163 = arith.constant 0 : i32
      %dma_wait3A_164 = arith.constant 0 : i32
      %dma_wait3A_165 = tpu.memref_slice %arg3[%dma_wait3A_163, %add3A, %dma_wait3A_164] : memref<80x32x128xi32, #tpu.memory_space<hbm>> -> memref<80x1x128xi32, #tpu.memory_space<hbm>>
      %dma_wait3A_166 = tpu.memref_squeeze %dma_wait3A_165 : memref<80x1x128xi32, #tpu.memory_space<hbm>> -> memref<80x128xi32, #tpu.memory_space<hbm>>
      %dma_wait3A_167 = arith.constant 0 : i32
      %dma_wait3A_168 = arith.constant 0 : i32
      %dma_wait3A_169 = tpu.memref_slice %arg3[%dma_wait3A_167, %add3A, %dma_wait3A_168] : memref<80x32x128xi32, #tpu.memory_space<hbm>> -> memref<80x1x128xi32, #tpu.memory_space<hbm>>
      %dma_wait3A_170 = tpu.memref_squeeze %dma_wait3A_169 : memref<80x1x128xi32, #tpu.memory_space<hbm>> -> memref<80x128xi32, #tpu.memory_space<hbm>>
      tpu.wait_dma2 semaphore(%run_scoped3A : memref<!tpu.dma_semaphore, #tpu.memory_space<semaphore_mem>>) src(%dma_wait3A_170 : memref<80x128xi32, #tpu.memory_space<hbm>>) dst(%arg7 : memref<80x128xi32, #tpu.memory_space<vmem>>)
      tpu.yield
    }) : () -> ()
    "tpu.region"() ({
      %run_scoped3A = tpu.sem_alloc : memref<!tpu.dma_semaphore, #tpu.memory_space<semaphore_mem>>
      %dma_start3A_155 = arith.constant 0 : i32
      %dma_start3A_156 = arith.constant 0 : i32
      %dma_start3A_157 = tpu.memref_slice %arg4[%dma_start3A_155, %add3A, %dma_start3A_156] : memref<80x32x128xi32, #tpu.memory_space<hbm>> -> memref<80x1x128xi32, #tpu.memory_space<hbm>>
      %dma_start3A_158 = tpu.memref_squeeze %dma_start3A_157 : memref<80x1x128xi32, #tpu.memory_space<hbm>> -> memref<80x128xi32, #tpu.memory_space<hbm>>
      %dma_start3A_159 = arith.constant 0 : i32
      %dma_start3A_160 = arith.constant 0 : i32
      %dma_start3A_161 = tpu.memref_slice %arg4[%dma_start3A_159, %add3A, %dma_start3A_160] : memref<80x32x128xi32, #tpu.memory_space<hbm>> -> memref<80x1x128xi32, #tpu.memory_space<hbm>>
      %dma_start3A_162 = tpu.memref_squeeze %dma_start3A_161 : memref<80x1x128xi32, #tpu.memory_space<hbm>> -> memref<80x128xi32, #tpu.memory_space<hbm>>
      tpu.enqueue_dma source(%dma_start3A_162 : memref<80x128xi32, #tpu.memory_space<hbm>>) target(%arg8 : memref<80x128xi32, #tpu.memory_space<vmem>>) target_semaphore(%run_scoped3A : memref<!tpu.dma_semaphore, #tpu.memory_space<semaphore_mem>>)
      %dma_wait3A_163 = arith.constant 0 : i32
      %dma_wait3A_164 = arith.constant 0 : i32
      %dma_wait3A_165 = tpu.memref_slice %arg4[%dma_wait3A_163, %add3A, %dma_wait3A_164] : memref<80x32x128xi32, #tpu.memory_space<hbm>> -> memref<80x1x128xi32, #tpu.memory_space<hbm>>
      %dma_wait3A_166 = tpu.memref_squeeze %dma_wait3A_165 : memref<80x1x128xi32, #tpu.memory_space<hbm>> -> memref<80x128xi32, #tpu.memory_space<hbm>>
      %dma_wait3A_167 = arith.constant 0 : i32
      %dma_wait3A_168 = arith.constant 0 : i32
      %dma_wait3A_169 = tpu.memref_slice %arg4[%dma_wait3A_167, %add3A, %dma_wait3A_168] : memref<80x32x128xi32, #tpu.memory_space<hbm>> -> memref<80x1x128xi32, #tpu.memory_space<hbm>>
      %dma_wait3A_170 = tpu.memref_squeeze %dma_wait3A_169 : memref<80x1x128xi32, #tpu.memory_space<hbm>> -> memref<80x128xi32, #tpu.memory_space<hbm>>
      tpu.wait_dma2 semaphore(%run_scoped3A : memref<!tpu.dma_semaphore, #tpu.memory_space<semaphore_mem>>) src(%dma_wait3A_170 : memref<80x128xi32, #tpu.memory_space<hbm>>) dst(%arg8 : memref<80x128xi32, #tpu.memory_space<vmem>>)
      tpu.yield
    }) : () -> ()
    %barrier3A = arith.constant 0 : index
    tpu.barrier barrier_id(%barrier3A)
    %dma_start3A = arith.constant 0 : i32
    %dma_start3A_3 = arith.constant 0 : i32
    %dma_start3A_4 = arith.constant 0 : i32
    %dma_start3A_5 = arith.constant 0 : i32
    %dma_start3A_6 = arith.constant 0 : i32
    %dma_start3A_7 = arith.constant 0 : i32
    %dma_start3A_8 = tpu.memref_slice %arg9[%dma_start3A_3, %dma_start3A_5, %dma_start3A_6, %dma_start3A_7] : memref<2x4x128x32xf32, #tpu.memory_space<vmem>> -> memref<1x4x128x32xf32, #tpu.memory_space<vmem>>
    %dma_start3A_9 = tpu.memref_squeeze %dma_start3A_8 : memref<1x4x128x32xf32, #tpu.memory_space<vmem>> -> memref<4x128x32xf32, #tpu.memory_space<vmem>>
    %dma_start3A_10 = arith.constant 0 : i32
    %dma_start3A_11 = arith.constant 0 : i32
    %dma_start3A_12 = tpu.memref_slice %dma_start3A_9[%dma_start3A_4, %dma_start3A_10, %dma_start3A_11] : memref<4x128x32xf32, #tpu.memory_space<vmem>> -> memref<1x128x32xf32, #tpu.memory_space<vmem>>
    %dma_start3A_13 = tpu.memref_squeeze %dma_start3A_12 : memref<1x128x32xf32, #tpu.memory_space<vmem>> -> memref<128x32xf32, #tpu.memory_space<vmem>>
    %dma_start3A_14 = arith.constant 0 : i32
    %dma_start3A_15 = tpu.memref_slice %arg7[%dma_start3A, %dma_start3A_14] : memref<80x128xi32, #tpu.memory_space<vmem>> -> memref<1x128xi32, #tpu.memory_space<vmem>>
    %dma_start3A_16 = tpu.memref_squeeze %dma_start3A_15 : memref<1x128xi32, #tpu.memory_space<vmem>> -> memref<128xi32, #tpu.memory_space<vmem>>
    %dma_start3A_17 = arith.constant 0 : i32
    %dma_start3A_18 = arith.constant 0 : i32
    %dma_start3A_19 = tpu.memref_slice %arg2[%dma_start3A_17, %dma_start3A_18] : memref<10240x32xf32, #tpu.memory_space<hbm>> -> memref<10240x32xf32, #tpu.memory_space<hbm>>
    tpu.enqueue_indirect_dma source(%dma_start3A_19 : memref<10240x32xf32, #tpu.memory_space<hbm>>) target(%dma_start3A_13 : memref<128x32xf32, #tpu.memory_space<vmem>>) offsets(%dma_start3A_16 : memref<128xi32, #tpu.memory_space<vmem>>) semaphore(%arg12 : memref<!tpu.dma_semaphore, #tpu.memory_space<semaphore_mem>>)
    %dma_start3A_20 = arith.constant 1 : i32
    %dma_start3A_21 = arith.constant 0 : i32
    %dma_start3A_22 = arith.constant 1 : i32
    %dma_start3A_23 = arith.constant 0 : i32
    %dma_start3A_24 = arith.constant 0 : i32
    %dma_start3A_25 = arith.constant 0 : i32
    %dma_start3A_26 = tpu.memref_slice %arg9[%dma_start3A_21, %dma_start3A_23, %dma_start3A_24, %dma_start3A_25] : memref<2x4x128x32xf32, #tpu.memory_space<vmem>> -> memref<1x4x128x32xf32, #tpu.memory_space<vmem>>
    %dma_start3A_27 = tpu.memref_squeeze %dma_start3A_26 : memref<1x4x128x32xf32, #tpu.memory_space<vmem>> -> memref<4x128x32xf32, #tpu.memory_space<vmem>>
    %dma_start3A_28 = arith.constant 0 : i32
    %dma_start3A_29 = arith.constant 0 : i32
    %dma_start3A_30 = tpu.memref_slice %dma_start3A_27[%dma_start3A_22, %dma_start3A_28, %dma_start3A_29] : memref<4x128x32xf32, #tpu.memory_space<vmem>> -> memref<1x128x32xf32, #tpu.memory_space<vmem>>
    %dma_start3A_31 = tpu.memref_squeeze %dma_start3A_30 : memref<1x128x32xf32, #tpu.memory_space<vmem>> -> memref<128x32xf32, #tpu.memory_space<vmem>>
    %dma_start3A_32 = arith.constant 0 : i32
    %dma_start3A_33 = tpu.memref_slice %arg7[%dma_start3A_20, %dma_start3A_32] : memref<80x128xi32, #tpu.memory_space<vmem>> -> memref<1x128xi32, #tpu.memory_space<vmem>>
    %dma_start3A_34 = tpu.memref_squeeze %dma_start3A_33 : memref<1x128xi32, #tpu.memory_space<vmem>> -> memref<128xi32, #tpu.memory_space<vmem>>
    %dma_start3A_35 = arith.constant 0 : i32
    %dma_start3A_36 = arith.constant 0 : i32
    %dma_start3A_37 = tpu.memref_slice %arg2[%dma_start3A_35, %dma_start3A_36] : memref<10240x32xf32, #tpu.memory_space<hbm>> -> memref<10240x32xf32, #tpu.memory_space<hbm>>
    tpu.enqueue_indirect_dma source(%dma_start3A_37 : memref<10240x32xf32, #tpu.memory_space<hbm>>) target(%dma_start3A_31 : memref<128x32xf32, #tpu.memory_space<vmem>>) offsets(%dma_start3A_34 : memref<128xi32, #tpu.memory_space<vmem>>) semaphore(%arg12 : memref<!tpu.dma_semaphore, #tpu.memory_space<semaphore_mem>>)
    %dma_start3A_38 = arith.constant 2 : i32
    %dma_start3A_39 = arith.constant 0 : i32
    %dma_start3A_40 = arith.constant 2 : i32
    %dma_start3A_41 = arith.constant 0 : i32
    %dma_start3A_42 = arith.constant 0 : i32
    %dma_start3A_43 = arith.constant 0 : i32
    %dma_start3A_44 = tpu.memref_slice %arg9[%dma_start3A_39, %dma_start3A_41, %dma_start3A_42, %dma_start3A_43] : memref<2x4x128x32xf32, #tpu.memory_space<vmem>> -> memref<1x4x128x32xf32, #tpu.memory_space<vmem>>
    %dma_start3A_45 = tpu.memref_squeeze %dma_start3A_44 : memref<1x4x128x32xf32, #tpu.memory_space<vmem>> -> memref<4x128x32xf32, #tpu.memory_space<vmem>>
    %dma_start3A_46 = arith.constant 0 : i32
    %dma_start3A_47 = arith.constant 0 : i32
    %dma_start3A_48 = tpu.memref_slice %dma_start3A_45[%dma_start3A_40, %dma_start3A_46, %dma_start3A_47] : memref<4x128x32xf32, #tpu.memory_space<vmem>> -> memref<1x128x32xf32, #tpu.memory_space<vmem>>
    %dma_start3A_49 = tpu.memref_squeeze %dma_start3A_48 : memref<1x128x32xf32, #tpu.memory_space<vmem>> -> memref<128x32xf32, #tpu.memory_space<vmem>>
    %dma_start3A_50 = arith.constant 0 : i32
    %dma_start3A_51 = tpu.memref_slice %arg7[%dma_start3A_38, %dma_start3A_50] : memref<80x128xi32, #tpu.memory_space<vmem>> -> memref<1x128xi32, #tpu.memory_space<vmem>>
    %dma_start3A_52 = tpu.memref_squeeze %dma_start3A_51 : memref<1x128xi32, #tpu.memory_space<vmem>> -> memref<128xi32, #tpu.memory_space<vmem>>
    %dma_start3A_53 = arith.constant 0 : i32
    %dma_start3A_54 = arith.constant 0 : i32
    %dma_start3A_55 = tpu.memref_slice %arg2[%dma_start3A_53, %dma_start3A_54] : memref<10240x32xf32, #tpu.memory_space<hbm>> -> memref<10240x32xf32, #tpu.memory_space<hbm>>
    tpu.enqueue_indirect_dma source(%dma_start3A_55 : memref<10240x32xf32, #tpu.memory_space<hbm>>) target(%dma_start3A_49 : memref<128x32xf32, #tpu.memory_space<vmem>>) offsets(%dma_start3A_52 : memref<128xi32, #tpu.memory_space<vmem>>) semaphore(%arg12 : memref<!tpu.dma_semaphore, #tpu.memory_space<semaphore_mem>>)
    %dma_start3A_56 = arith.constant 3 : i32
    %dma_start3A_57 = arith.constant 0 : i32
    %dma_start3A_58 = arith.constant 3 : i32
    %dma_start3A_59 = arith.constant 0 : i32
    %dma_start3A_60 = arith.constant 0 : i32
    %dma_start3A_61 = arith.constant 0 : i32
    %dma_start3A_62 = tpu.memref_slice %arg9[%dma_start3A_57, %dma_start3A_59, %dma_start3A_60, %dma_start3A_61] : memref<2x4x128x32xf32, #tpu.memory_space<vmem>> -> memref<1x4x128x32xf32, #tpu.memory_space<vmem>>
    %dma_start3A_63 = tpu.memref_squeeze %dma_start3A_62 : memref<1x4x128x32xf32, #tpu.memory_space<vmem>> -> memref<4x128x32xf32, #tpu.memory_space<vmem>>
    %dma_start3A_64 = arith.constant 0 : i32
    %dma_start3A_65 = arith.constant 0 : i32
    %dma_start3A_66 = tpu.memref_slice %dma_start3A_63[%dma_start3A_58, %dma_start3A_64, %dma_start3A_65] : memref<4x128x32xf32, #tpu.memory_space<vmem>> -> memref<1x128x32xf32, #tpu.memory_space<vmem>>
    %dma_start3A_67 = tpu.memref_squeeze %dma_start3A_66 : memref<1x128x32xf32, #tpu.memory_space<vmem>> -> memref<128x32xf32, #tpu.memory_space<vmem>>
    %dma_start3A_68 = arith.constant 0 : i32
    %dma_start3A_69 = tpu.memref_slice %arg7[%dma_start3A_56, %dma_start3A_68] : memref<80x128xi32, #tpu.memory_space<vmem>> -> memref<1x128xi32, #tpu.memory_space<vmem>>
    %dma_start3A_70 = tpu.memref_squeeze %dma_start3A_69 : memref<1x128xi32, #tpu.memory_space<vmem>> -> memref<128xi32, #tpu.memory_space<vmem>>
    %dma_start3A_71 = arith.constant 0 : i32
    %dma_start3A_72 = arith.constant 0 : i32
    %dma_start3A_73 = tpu.memref_slice %arg2[%dma_start3A_71, %dma_start3A_72] : memref<10240x32xf32, #tpu.memory_space<hbm>> -> memref<10240x32xf32, #tpu.memory_space<hbm>>
    tpu.enqueue_indirect_dma source(%dma_start3A_73 : memref<10240x32xf32, #tpu.memory_space<hbm>>) target(%dma_start3A_67 : memref<128x32xf32, #tpu.memory_space<vmem>>) offsets(%dma_start3A_70 : memref<128xi32, #tpu.memory_space<vmem>>) semaphore(%arg12 : memref<!tpu.dma_semaphore, #tpu.memory_space<semaphore_mem>>)
    %scan3A = arith.constant 0 : i32
    %scan3A_74 = arith.constant 0 : i32
    %scan3A_75 = arith.constant 10 : i32
    %scan3A_76 = arith.addi %scan3A_74, %scan3A_75 : i32
    %scan3A_77 = arith.constant 1 : i32
    scf.for %scan3A_155 = %scan3A_74 to %scan3A_76 step %scan3A_77  : i32 {
      %mul3A_156 = arith.constant 2 : i32
      %mul3A_157 = arith.muli %mul3A_156, %scan3A_155 : i32
      %gt3A = arith.constant 0 : i32
      %gt3A_158 = arith.cmpi sgt, %scan3A_155, %gt3A : i32
      %convert_element_type3A = arith.extui %gt3A_158 : i1 to i32
      %cond3A = arith.constant 0 : i32
      %cond3A_159 = arith.cmpi ne, %convert_element_type3A, %cond3A : i32
      scf.if %cond3A_159 {
        %sub3A = arith.constant 1 : i32
        %sub3A_674 = arith.subi %mul3A_157, %sub3A : i32
        %mul3A_675 = arith.constant 4 : i32
        %mul3A_676 = arith.muli %sub3A_674, %mul3A_675 : i32
        %add3A_677 = arith.constant 0 : i32
        %add3A_678 = arith.addi %mul3A_676, %add3A_677 : i32
        %dma_wait3A_679 = arith.constant 1 : i32
        %dma_wait3A_680 = arith.constant 0 : i32
        %dma_wait3A_681 = arith.constant 0 : i32
        %dma_wait3A_682 = arith.constant 0 : i32
        %dma_wait3A_683 = arith.constant 0 : i32
        %dma_wait3A_684 = tpu.memref_slice %arg9[%dma_wait3A_679, %dma_wait3A_681, %dma_wait3A_682, %dma_wait3A_683] : memref<2x4x128x32xf32, #tpu.memory_space<vmem>> -> memref<1x4x128x32xf32, #tpu.memory_space<vmem>>
        %dma_wait3A_685 = tpu.memref_squeeze %dma_wait3A_684 : memref<1x4x128x32xf32, #tpu.memory_space<vmem>> -> memref<4x128x32xf32, #tpu.memory_space<vmem>>
        %dma_wait3A_686 = arith.constant 0 : i32
        %dma_wait3A_687 = arith.constant 0 : i32
        %dma_wait3A_688 = tpu.memref_slice %dma_wait3A_685[%dma_wait3A_680, %dma_wait3A_686, %dma_wait3A_687] : memref<4x128x32xf32, #tpu.memory_space<vmem>> -> memref<1x128x32xf32, #tpu.memory_space<vmem>>
        %dma_wait3A_689 = tpu.memref_squeeze %dma_wait3A_688 : memref<1x128x32xf32, #tpu.memory_space<vmem>> -> memref<128x32xf32, #tpu.memory_space<vmem>>
        %dma_wait3A_690 = arith.constant 0 : i32
        %dma_wait3A_691 = tpu.memref_slice %arg8[%add3A_678, %dma_wait3A_690] : memref<80x128xi32, #tpu.memory_space<vmem>> -> memref<1x128xi32, #tpu.memory_space<vmem>>
        %dma_wait3A_692 = tpu.memref_squeeze %dma_wait3A_691 : memref<1x128xi32, #tpu.memory_space<vmem>> -> memref<128xi32, #tpu.memory_space<vmem>>
        %dma_wait3A_693 = arith.constant 0 : i32
        %dma_wait3A_694 = arith.constant 0 : i32
        %dma_wait3A_695 = tpu.memref_slice %arg11[%dma_wait3A_693, %dma_wait3A_694] : memref<10240x32xf32, #tpu.memory_space<vmem_shared>> -> memref<10240x32xf32, #tpu.memory_space<vmem_shared>>
        tpu.wait_indirect_dma semaphore(%arg13 : memref<!tpu.dma_semaphore, #tpu.memory_space<semaphore_mem>>) src(%dma_wait3A_689 : memref<128x32xf32, #tpu.memory_space<vmem>>) dst(%dma_wait3A_695 : memref<10240x32xf32, #tpu.memory_space<vmem_shared>>)
        %mul3A_696 = arith.constant 4 : i32
        %mul3A_697 = arith.muli %sub3A_674, %mul3A_696 : i32
        %add3A_698 = arith.constant 1 : i32
        %add3A_699 = arith.addi %mul3A_697, %add3A_698 : i32
        %dma_wait3A_700 = arith.constant 1 : i32
        %dma_wait3A_701 = arith.constant 1 : i32
        %dma_wait3A_702 = arith.constant 0 : i32
        %dma_wait3A_703 = arith.constant 0 : i32
        %dma_wait3A_704 = arith.constant 0 : i32
        %dma_wait3A_705 = tpu.memref_slice %arg9[%dma_wait3A_700, %dma_wait3A_702, %dma_wait3A_703, %dma_wait3A_704] : memref<2x4x128x32xf32, #tpu.memory_space<vmem>> -> memref<1x4x128x32xf32, #tpu.memory_space<vmem>>
        %dma_wait3A_706 = tpu.memref_squeeze %dma_wait3A_705 : memref<1x4x128x32xf32, #tpu.memory_space<vmem>> -> memref<4x128x32xf32, #tpu.memory_space<vmem>>
        %dma_wait3A_707 = arith.constant 0 : i32
        %dma_wait3A_708 = arith.constant 0 : i32
        %dma_wait3A_709 = tpu.memref_slice %dma_wait3A_706[%dma_wait3A_701, %dma_wait3A_707, %dma_wait3A_708] : memref<4x128x32xf32, #tpu.memory_space<vmem>> -> memref<1x128x32xf32, #tpu.memory_space<vmem>>
        %dma_wait3A_710 = tpu.memref_squeeze %dma_wait3A_709 : memref<1x128x32xf32, #tpu.memory_space<vmem>> -> memref<128x32xf32, #tpu.memory_space<vmem>>
        %dma_wait3A_711 = arith.constant 0 : i32
        %dma_wait3A_712 = tpu.memref_slice %arg8[%add3A_699, %dma_wait3A_711] : memref<80x128xi32, #tpu.memory_space<vmem>> -> memref<1x128xi32, #tpu.memory_space<vmem>>
        %dma_wait3A_713 = tpu.memref_squeeze %dma_wait3A_712 : memref<1x128xi32, #tpu.memory_space<vmem>> -> memref<128xi32, #tpu.memory_space<vmem>>
        %dma_wait3A_714 = arith.constant 0 : i32
        %dma_wait3A_715 = arith.constant 0 : i32
        %dma_wait3A_716 = tpu.memref_slice %arg11[%dma_wait3A_714, %dma_wait3A_715] : memref<10240x32xf32, #tpu.memory_space<vmem_shared>> -> memref<10240x32xf32, #tpu.memory_space<vmem_shared>>
        tpu.wait_indirect_dma semaphore(%arg13 : memref<!tpu.dma_semaphore, #tpu.memory_space<semaphore_mem>>) src(%dma_wait3A_710 : memref<128x32xf32, #tpu.memory_space<vmem>>) dst(%dma_wait3A_716 : memref<10240x32xf32, #tpu.memory_space<vmem_shared>>)
        %mul3A_717 = arith.constant 4 : i32
        %mul3A_718 = arith.muli %sub3A_674, %mul3A_717 : i32
        %add3A_719 = arith.constant 2 : i32
        %add3A_720 = arith.addi %mul3A_718, %add3A_719 : i32
        %dma_wait3A_721 = arith.constant 1 : i32
        %dma_wait3A_722 = arith.constant 2 : i32
        %dma_wait3A_723 = arith.constant 0 : i32
        %dma_wait3A_724 = arith.constant 0 : i32
        %dma_wait3A_725 = arith.constant 0 : i32
        %dma_wait3A_726 = tpu.memref_slice %arg9[%dma_wait3A_721, %dma_wait3A_723, %dma_wait3A_724, %dma_wait3A_725] : memref<2x4x128x32xf32, #tpu.memory_space<vmem>> -> memref<1x4x128x32xf32, #tpu.memory_space<vmem>>
        %dma_wait3A_727 = tpu.memref_squeeze %dma_wait3A_726 : memref<1x4x128x32xf32, #tpu.memory_space<vmem>> -> memref<4x128x32xf32, #tpu.memory_space<vmem>>
        %dma_wait3A_728 = arith.constant 0 : i32
        %dma_wait3A_729 = arith.constant 0 : i32
        %dma_wait3A_730 = tpu.memref_slice %dma_wait3A_727[%dma_wait3A_722, %dma_wait3A_728, %dma_wait3A_729] : memref<4x128x32xf32, #tpu.memory_space<vmem>> -> memref<1x128x32xf32, #tpu.memory_space<vmem>>
        %dma_wait3A_731 = tpu.memref_squeeze %dma_wait3A_730 : memref<1x128x32xf32, #tpu.memory_space<vmem>> -> memref<128x32xf32, #tpu.memory_space<vmem>>
        %dma_wait3A_732 = arith.constant 0 : i32
        %dma_wait3A_733 = tpu.memref_slice %arg8[%add3A_720, %dma_wait3A_732] : memref<80x128xi32, #tpu.memory_space<vmem>> -> memref<1x128xi32, #tpu.memory_space<vmem>>
        %dma_wait3A_734 = tpu.memref_squeeze %dma_wait3A_733 : memref<1x128xi32, #tpu.memory_space<vmem>> -> memref<128xi32, #tpu.memory_space<vmem>>
        %dma_wait3A_735 = arith.constant 0 : i32
        %dma_wait3A_736 = arith.constant 0 : i32
        %dma_wait3A_737 = tpu.memref_slice %arg11[%dma_wait3A_735, %dma_wait3A_736] : memref<10240x32xf32, #tpu.memory_space<vmem_shared>> -> memref<10240x32xf32, #tpu.memory_space<vmem_shared>>
        tpu.wait_indirect_dma semaphore(%arg13 : memref<!tpu.dma_semaphore, #tpu.memory_space<semaphore_mem>>) src(%dma_wait3A_731 : memref<128x32xf32, #tpu.memory_space<vmem>>) dst(%dma_wait3A_737 : memref<10240x32xf32, #tpu.memory_space<vmem_shared>>)
        %mul3A_738 = arith.constant 4 : i32
        %mul3A_739 = arith.muli %sub3A_674, %mul3A_738 : i32
        %add3A_740 = arith.constant 3 : i32
        %add3A_741 = arith.addi %mul3A_739, %add3A_740 : i32
        %dma_wait3A_742 = arith.constant 1 : i32
        %dma_wait3A_743 = arith.constant 3 : i32
        %dma_wait3A_744 = arith.constant 0 : i32
        %dma_wait3A_745 = arith.constant 0 : i32
        %dma_wait3A_746 = arith.constant 0 : i32
        %dma_wait3A_747 = tpu.memref_slice %arg9[%dma_wait3A_742, %dma_wait3A_744, %dma_wait3A_745, %dma_wait3A_746] : memref<2x4x128x32xf32, #tpu.memory_space<vmem>> -> memref<1x4x128x32xf32, #tpu.memory_space<vmem>>
        %dma_wait3A_748 = tpu.memref_squeeze %dma_wait3A_747 : memref<1x4x128x32xf32, #tpu.memory_space<vmem>> -> memref<4x128x32xf32, #tpu.memory_space<vmem>>
        %dma_wait3A_749 = arith.constant 0 : i32
        %dma_wait3A_750 = arith.constant 0 : i32
        %dma_wait3A_751 = tpu.memref_slice %dma_wait3A_748[%dma_wait3A_743, %dma_wait3A_749, %dma_wait3A_750] : memref<4x128x32xf32, #tpu.memory_space<vmem>> -> memref<1x128x32xf32, #tpu.memory_space<vmem>>
        %dma_wait3A_752 = tpu.memref_squeeze %dma_wait3A_751 : memref<1x128x32xf32, #tpu.memory_space<vmem>> -> memref<128x32xf32, #tpu.memory_space<vmem>>
        %dma_wait3A_753 = arith.constant 0 : i32
        %dma_wait3A_754 = tpu.memref_slice %arg8[%add3A_741, %dma_wait3A_753] : memref<80x128xi32, #tpu.memory_space<vmem>> -> memref<1x128xi32, #tpu.memory_space<vmem>>
        %dma_wait3A_755 = tpu.memref_squeeze %dma_wait3A_754 : memref<1x128xi32, #tpu.memory_space<vmem>> -> memref<128xi32, #tpu.memory_space<vmem>>
        %dma_wait3A_756 = arith.constant 0 : i32
        %dma_wait3A_757 = arith.constant 0 : i32
        %dma_wait3A_758 = tpu.memref_slice %arg11[%dma_wait3A_756, %dma_wait3A_757] : memref<10240x32xf32, #tpu.memory_space<vmem_shared>> -> memref<10240x32xf32, #tpu.memory_space<vmem_shared>>
        tpu.wait_indirect_dma semaphore(%arg13 : memref<!tpu.dma_semaphore, #tpu.memory_space<semaphore_mem>>) src(%dma_wait3A_752 : memref<128x32xf32, #tpu.memory_space<vmem>>) dst(%dma_wait3A_758 : memref<10240x32xf32, #tpu.memory_space<vmem_shared>>)
      } else {
      }
      %add3A_160 = arith.constant 1 : i32
      %add3A_161 = arith.addi %mul3A_157, %add3A_160 : i32
      %mul3A_162 = arith.constant 4 : i32
      %mul3A_163 = arith.muli %add3A_161, %mul3A_162 : i32
      %add3A_164 = arith.constant 0 : i32
      %add3A_165 = arith.addi %mul3A_163, %add3A_164 : i32
      %dma_start3A_166 = arith.constant 1 : i32
      %dma_start3A_167 = arith.constant 0 : i32
      %dma_start3A_168 = arith.constant 0 : i32
      %dma_start3A_169 = arith.constant 0 : i32
      %dma_start3A_170 = arith.constant 0 : i32
      %dma_start3A_171 = tpu.memref_slice %arg9[%dma_start3A_166, %dma_start3A_168, %dma_start3A_169, %dma_start3A_170] : memref<2x4x128x32xf32, #tpu.memory_space<vmem>> -> memref<1x4x128x32xf32, #tpu.memory_space<vmem>>
      %dma_start3A_172 = tpu.memref_squeeze %dma_start3A_171 : memref<1x4x128x32xf32, #tpu.memory_space<vmem>> -> memref<4x128x32xf32, #tpu.memory_space<vmem>>
      %dma_start3A_173 = arith.constant 0 : i32
      %dma_start3A_174 = arith.constant 0 : i32
      %dma_start3A_175 = tpu.memref_slice %dma_start3A_172[%dma_start3A_167, %dma_start3A_173, %dma_start3A_174] : memref<4x128x32xf32, #tpu.memory_space<vmem>> -> memref<1x128x32xf32, #tpu.memory_space<vmem>>
      %dma_start3A_176 = tpu.memref_squeeze %dma_start3A_175 : memref<1x128x32xf32, #tpu.memory_space<vmem>> -> memref<128x32xf32, #tpu.memory_space<vmem>>
      %dma_start3A_177 = arith.constant 0 : i32
      %dma_start3A_178 = tpu.memref_slice %arg7[%add3A_165, %dma_start3A_177] : memref<80x128xi32, #tpu.memory_space<vmem>> -> memref<1x128xi32, #tpu.memory_space<vmem>>
      %dma_start3A_179 = tpu.memref_squeeze %dma_start3A_178 : memref<1x128xi32, #tpu.memory_space<vmem>> -> memref<128xi32, #tpu.memory_space<vmem>>
      %dma_start3A_180 = arith.constant 0 : i32
      %dma_start3A_181 = arith.constant 0 : i32
      %dma_start3A_182 = tpu.memref_slice %arg2[%dma_start3A_180, %dma_start3A_181] : memref<10240x32xf32, #tpu.memory_space<hbm>> -> memref<10240x32xf32, #tpu.memory_space<hbm>>
      tpu.enqueue_indirect_dma source(%dma_start3A_182 : memref<10240x32xf32, #tpu.memory_space<hbm>>) target(%dma_start3A_176 : memref<128x32xf32, #tpu.memory_space<vmem>>) offsets(%dma_start3A_179 : memref<128xi32, #tpu.memory_space<vmem>>) semaphore(%arg12 : memref<!tpu.dma_semaphore, #tpu.memory_space<semaphore_mem>>)
      %mul3A_183 = arith.constant 4 : i32
      %mul3A_184 = arith.muli %add3A_161, %mul3A_183 : i32
      %add3A_185 = arith.constant 1 : i32
      %add3A_186 = arith.addi %mul3A_184, %add3A_185 : i32
      %dma_start3A_187 = arith.constant 1 : i32
      %dma_start3A_188 = arith.constant 1 : i32
      %dma_start3A_189 = arith.constant 0 : i32
      %dma_start3A_190 = arith.constant 0 : i32
      %dma_start3A_191 = arith.constant 0 : i32
      %dma_start3A_192 = tpu.memref_slice %arg9[%dma_start3A_187, %dma_start3A_189, %dma_start3A_190, %dma_start3A_191] : memref<2x4x128x32xf32, #tpu.memory_space<vmem>> -> memref<1x4x128x32xf32, #tpu.memory_space<vmem>>
      %dma_start3A_193 = tpu.memref_squeeze %dma_start3A_192 : memref<1x4x128x32xf32, #tpu.memory_space<vmem>> -> memref<4x128x32xf32, #tpu.memory_space<vmem>>
      %dma_start3A_194 = arith.constant 0 : i32
      %dma_start3A_195 = arith.constant 0 : i32
      %dma_start3A_196 = tpu.memref_slice %dma_start3A_193[%dma_start3A_188, %dma_start3A_194, %dma_start3A_195] : memref<4x128x32xf32, #tpu.memory_space<vmem>> -> memref<1x128x32xf32, #tpu.memory_space<vmem>>
      %dma_start3A_197 = tpu.memref_squeeze %dma_start3A_196 : memref<1x128x32xf32, #tpu.memory_space<vmem>> -> memref<128x32xf32, #tpu.memory_space<vmem>>
      %dma_start3A_198 = arith.constant 0 : i32
      %dma_start3A_199 = tpu.memref_slice %arg7[%add3A_186, %dma_start3A_198] : memref<80x128xi32, #tpu.memory_space<vmem>> -> memref<1x128xi32, #tpu.memory_space<vmem>>
      %dma_start3A_200 = tpu.memref_squeeze %dma_start3A_199 : memref<1x128xi32, #tpu.memory_space<vmem>> -> memref<128xi32, #tpu.memory_space<vmem>>
      %dma_start3A_201 = arith.constant 0 : i32
      %dma_start3A_202 = arith.constant 0 : i32
      %dma_start3A_203 = tpu.memref_slice %arg2[%dma_start3A_201, %dma_start3A_202] : memref<10240x32xf32, #tpu.memory_space<hbm>> -> memref<10240x32xf32, #tpu.memory_space<hbm>>
      tpu.enqueue_indirect_dma source(%dma_start3A_203 : memref<10240x32xf32, #tpu.memory_space<hbm>>) target(%dma_start3A_197 : memref<128x32xf32, #tpu.memory_space<vmem>>) offsets(%dma_start3A_200 : memref<128xi32, #tpu.memory_space<vmem>>) semaphore(%arg12 : memref<!tpu.dma_semaphore, #tpu.memory_space<semaphore_mem>>)
      %mul3A_204 = arith.constant 4 : i32
      %mul3A_205 = arith.muli %add3A_161, %mul3A_204 : i32
      %add3A_206 = arith.constant 2 : i32
      %add3A_207 = arith.addi %mul3A_205, %add3A_206 : i32
      %dma_start3A_208 = arith.constant 1 : i32
      %dma_start3A_209 = arith.constant 2 : i32
      %dma_start3A_210 = arith.constant 0 : i32
      %dma_start3A_211 = arith.constant 0 : i32
      %dma_start3A_212 = arith.constant 0 : i32
      %dma_start3A_213 = tpu.memref_slice %arg9[%dma_start3A_208, %dma_start3A_210, %dma_start3A_211, %dma_start3A_212] : memref<2x4x128x32xf32, #tpu.memory_space<vmem>> -> memref<1x4x128x32xf32, #tpu.memory_space<vmem>>
      %dma_start3A_214 = tpu.memref_squeeze %dma_start3A_213 : memref<1x4x128x32xf32, #tpu.memory_space<vmem>> -> memref<4x128x32xf32, #tpu.memory_space<vmem>>
      %dma_start3A_215 = arith.constant 0 : i32
      %dma_start3A_216 = arith.constant 0 : i32
      %dma_start3A_217 = tpu.memref_slice %dma_start3A_214[%dma_start3A_209, %dma_start3A_215, %dma_start3A_216] : memref<4x128x32xf32, #tpu.memory_space<vmem>> -> memref<1x128x32xf32, #tpu.memory_space<vmem>>
      %dma_start3A_218 = tpu.memref_squeeze %dma_start3A_217 : memref<1x128x32xf32, #tpu.memory_space<vmem>> -> memref<128x32xf32, #tpu.memory_space<vmem>>
      %dma_start3A_219 = arith.constant 0 : i32
      %dma_start3A_220 = tpu.memref_slice %arg7[%add3A_207, %dma_start3A_219] : memref<80x128xi32, #tpu.memory_space<vmem>> -> memref<1x128xi32, #tpu.memory_space<vmem>>
      %dma_start3A_221 = tpu.memref_squeeze %dma_start3A_220 : memref<1x128xi32, #tpu.memory_space<vmem>> -> memref<128xi32, #tpu.memory_space<vmem>>
      %dma_start3A_222 = arith.constant 0 : i32
      %dma_start3A_223 = arith.constant 0 : i32
      %dma_start3A_224 = tpu.memref_slice %arg2[%dma_start3A_222, %dma_start3A_223] : memref<10240x32xf32, #tpu.memory_space<hbm>> -> memref<10240x32xf32, #tpu.memory_space<hbm>>
      tpu.enqueue_indirect_dma source(%dma_start3A_224 : memref<10240x32xf32, #tpu.memory_space<hbm>>) target(%dma_start3A_218 : memref<128x32xf32, #tpu.memory_space<vmem>>) offsets(%dma_start3A_221 : memref<128xi32, #tpu.memory_space<vmem>>) semaphore(%arg12 : memref<!tpu.dma_semaphore, #tpu.memory_space<semaphore_mem>>)
      %mul3A_225 = arith.constant 4 : i32
      %mul3A_226 = arith.muli %add3A_161, %mul3A_225 : i32
      %add3A_227 = arith.constant 3 : i32
      %add3A_228 = arith.addi %mul3A_226, %add3A_227 : i32
      %dma_start3A_229 = arith.constant 1 : i32
      %dma_start3A_230 = arith.constant 3 : i32
      %dma_start3A_231 = arith.constant 0 : i32
      %dma_start3A_232 = arith.constant 0 : i32
      %dma_start3A_233 = arith.constant 0 : i32
      %dma_start3A_234 = tpu.memref_slice %arg9[%dma_start3A_229, %dma_start3A_231, %dma_start3A_232, %dma_start3A_233] : memref<2x4x128x32xf32, #tpu.memory_space<vmem>> -> memref<1x4x128x32xf32, #tpu.memory_space<vmem>>
      %dma_start3A_235 = tpu.memref_squeeze %dma_start3A_234 : memref<1x4x128x32xf32, #tpu.memory_space<vmem>> -> memref<4x128x32xf32, #tpu.memory_space<vmem>>
      %dma_start3A_236 = arith.constant 0 : i32
      %dma_start3A_237 = arith.constant 0 : i32
      %dma_start3A_238 = tpu.memref_slice %dma_start3A_235[%dma_start3A_230, %dma_start3A_236, %dma_start3A_237] : memref<4x128x32xf32, #tpu.memory_space<vmem>> -> memref<1x128x32xf32, #tpu.memory_space<vmem>>
      %dma_start3A_239 = tpu.memref_squeeze %dma_start3A_238 : memref<1x128x32xf32, #tpu.memory_space<vmem>> -> memref<128x32xf32, #tpu.memory_space<vmem>>
      %dma_start3A_240 = arith.constant 0 : i32
      %dma_start3A_241 = tpu.memref_slice %arg7[%add3A_228, %dma_start3A_240] : memref<80x128xi32, #tpu.memory_space<vmem>> -> memref<1x128xi32, #tpu.memory_space<vmem>>
      %dma_start3A_242 = tpu.memref_squeeze %dma_start3A_241 : memref<1x128xi32, #tpu.memory_space<vmem>> -> memref<128xi32, #tpu.memory_space<vmem>>
      %dma_start3A_243 = arith.constant 0 : i32
      %dma_start3A_244 = arith.constant 0 : i32
      %dma_start3A_245 = tpu.memref_slice %arg2[%dma_start3A_243, %dma_start3A_244] : memref<10240x32xf32, #tpu.memory_space<hbm>> -> memref<10240x32xf32, #tpu.memory_space<hbm>>
      tpu.enqueue_indirect_dma source(%dma_start3A_245 : memref<10240x32xf32, #tpu.memory_space<hbm>>) target(%dma_start3A_239 : memref<128x32xf32, #tpu.memory_space<vmem>>) offsets(%dma_start3A_242 : memref<128xi32, #tpu.memory_space<vmem>>) semaphore(%arg12 : memref<!tpu.dma_semaphore, #tpu.memory_space<semaphore_mem>>)
      %mul3A_246 = arith.constant 4 : i32
      %mul3A_247 = arith.muli %mul3A_157, %mul3A_246 : i32
      %add3A_248 = arith.constant 0 : i32
      %add3A_249 = arith.addi %mul3A_247, %add3A_248 : i32
      %dma_wait3A_250 = arith.constant 0 : i32
      %dma_wait3A_251 = arith.constant 0 : i32
      %dma_wait3A_252 = arith.constant 0 : i32
      %dma_wait3A_253 = arith.constant 0 : i32
      %dma_wait3A_254 = arith.constant 0 : i32
      %dma_wait3A_255 = tpu.memref_slice %arg9[%dma_wait3A_250, %dma_wait3A_252, %dma_wait3A_253, %dma_wait3A_254] : memref<2x4x128x32xf32, #tpu.memory_space<vmem>> -> memref<1x4x128x32xf32, #tpu.memory_space<vmem>>
      %dma_wait3A_256 = tpu.memref_squeeze %dma_wait3A_255 : memref<1x4x128x32xf32, #tpu.memory_space<vmem>> -> memref<4x128x32xf32, #tpu.memory_space<vmem>>
      %dma_wait3A_257 = arith.constant 0 : i32
      %dma_wait3A_258 = arith.constant 0 : i32
      %dma_wait3A_259 = tpu.memref_slice %dma_wait3A_256[%dma_wait3A_251, %dma_wait3A_257, %dma_wait3A_258] : memref<4x128x32xf32, #tpu.memory_space<vmem>> -> memref<1x128x32xf32, #tpu.memory_space<vmem>>
      %dma_wait3A_260 = tpu.memref_squeeze %dma_wait3A_259 : memref<1x128x32xf32, #tpu.memory_space<vmem>> -> memref<128x32xf32, #tpu.memory_space<vmem>>
      %dma_wait3A_261 = arith.constant 0 : i32
      %dma_wait3A_262 = tpu.memref_slice %arg7[%add3A_249, %dma_wait3A_261] : memref<80x128xi32, #tpu.memory_space<vmem>> -> memref<1x128xi32, #tpu.memory_space<vmem>>
      %dma_wait3A_263 = tpu.memref_squeeze %dma_wait3A_262 : memref<1x128xi32, #tpu.memory_space<vmem>> -> memref<128xi32, #tpu.memory_space<vmem>>
      %dma_wait3A_264 = arith.constant 0 : i32
      %dma_wait3A_265 = arith.constant 0 : i32
      %dma_wait3A_266 = tpu.memref_slice %arg2[%dma_wait3A_264, %dma_wait3A_265] : memref<10240x32xf32, #tpu.memory_space<hbm>> -> memref<10240x32xf32, #tpu.memory_space<hbm>>
      tpu.wait_indirect_dma semaphore(%arg12 : memref<!tpu.dma_semaphore, #tpu.memory_space<semaphore_mem>>) src(%dma_wait3A_266 : memref<10240x32xf32, #tpu.memory_space<hbm>>) dst(%dma_wait3A_260 : memref<128x32xf32, #tpu.memory_space<vmem>>)
      %mul3A_267 = arith.constant 4 : i32
      %mul3A_268 = arith.muli %mul3A_157, %mul3A_267 : i32
      %add3A_269 = arith.constant 1 : i32
      %add3A_270 = arith.addi %mul3A_268, %add3A_269 : i32
      %dma_wait3A_271 = arith.constant 0 : i32
      %dma_wait3A_272 = arith.constant 1 : i32
      %dma_wait3A_273 = arith.constant 0 : i32
      %dma_wait3A_274 = arith.constant 0 : i32
      %dma_wait3A_275 = arith.constant 0 : i32
      %dma_wait3A_276 = tpu.memref_slice %arg9[%dma_wait3A_271, %dma_wait3A_273, %dma_wait3A_274, %dma_wait3A_275] : memref<2x4x128x32xf32, #tpu.memory_space<vmem>> -> memref<1x4x128x32xf32, #tpu.memory_space<vmem>>
      %dma_wait3A_277 = tpu.memref_squeeze %dma_wait3A_276 : memref<1x4x128x32xf32, #tpu.memory_space<vmem>> -> memref<4x128x32xf32, #tpu.memory_space<vmem>>
      %dma_wait3A_278 = arith.constant 0 : i32
      %dma_wait3A_279 = arith.constant 0 : i32
      %dma_wait3A_280 = tpu.memref_slice %dma_wait3A_277[%dma_wait3A_272, %dma_wait3A_278, %dma_wait3A_279] : memref<4x128x32xf32, #tpu.memory_space<vmem>> -> memref<1x128x32xf32, #tpu.memory_space<vmem>>
      %dma_wait3A_281 = tpu.memref_squeeze %dma_wait3A_280 : memref<1x128x32xf32, #tpu.memory_space<vmem>> -> memref<128x32xf32, #tpu.memory_space<vmem>>
      %dma_wait3A_282 = arith.constant 0 : i32
      %dma_wait3A_283 = tpu.memref_slice %arg7[%add3A_270, %dma_wait3A_282] : memref<80x128xi32, #tpu.memory_space<vmem>> -> memref<1x128xi32, #tpu.memory_space<vmem>>
      %dma_wait3A_284 = tpu.memref_squeeze %dma_wait3A_283 : memref<1x128xi32, #tpu.memory_space<vmem>> -> memref<128xi32, #tpu.memory_space<vmem>>
      %dma_wait3A_285 = arith.constant 0 : i32
      %dma_wait3A_286 = arith.constant 0 : i32
      %dma_wait3A_287 = tpu.memref_slice %arg2[%dma_wait3A_285, %dma_wait3A_286] : memref<10240x32xf32, #tpu.memory_space<hbm>> -> memref<10240x32xf32, #tpu.memory_space<hbm>>
      tpu.wait_indirect_dma semaphore(%arg12 : memref<!tpu.dma_semaphore, #tpu.memory_space<semaphore_mem>>) src(%dma_wait3A_287 : memref<10240x32xf32, #tpu.memory_space<hbm>>) dst(%dma_wait3A_281 : memref<128x32xf32, #tpu.memory_space<vmem>>)
      %mul3A_288 = arith.constant 4 : i32
      %mul3A_289 = arith.muli %mul3A_157, %mul3A_288 : i32
      %add3A_290 = arith.constant 2 : i32
      %add3A_291 = arith.addi %mul3A_289, %add3A_290 : i32
      %dma_wait3A_292 = arith.constant 0 : i32
      %dma_wait3A_293 = arith.constant 2 : i32
      %dma_wait3A_294 = arith.constant 0 : i32
      %dma_wait3A_295 = arith.constant 0 : i32
      %dma_wait3A_296 = arith.constant 0 : i32
      %dma_wait3A_297 = tpu.memref_slice %arg9[%dma_wait3A_292, %dma_wait3A_294, %dma_wait3A_295, %dma_wait3A_296] : memref<2x4x128x32xf32, #tpu.memory_space<vmem>> -> memref<1x4x128x32xf32, #tpu.memory_space<vmem>>
      %dma_wait3A_298 = tpu.memref_squeeze %dma_wait3A_297 : memref<1x4x128x32xf32, #tpu.memory_space<vmem>> -> memref<4x128x32xf32, #tpu.memory_space<vmem>>
      %dma_wait3A_299 = arith.constant 0 : i32
      %dma_wait3A_300 = arith.constant 0 : i32
      %dma_wait3A_301 = tpu.memref_slice %dma_wait3A_298[%dma_wait3A_293, %dma_wait3A_299, %dma_wait3A_300] : memref<4x128x32xf32, #tpu.memory_space<vmem>> -> memref<1x128x32xf32, #tpu.memory_space<vmem>>
      %dma_wait3A_302 = tpu.memref_squeeze %dma_wait3A_301 : memref<1x128x32xf32, #tpu.memory_space<vmem>> -> memref<128x32xf32, #tpu.memory_space<vmem>>
      %dma_wait3A_303 = arith.constant 0 : i32
      %dma_wait3A_304 = tpu.memref_slice %arg7[%add3A_291, %dma_wait3A_303] : memref<80x128xi32, #tpu.memory_space<vmem>> -> memref<1x128xi32, #tpu.memory_space<vmem>>
      %dma_wait3A_305 = tpu.memref_squeeze %dma_wait3A_304 : memref<1x128xi32, #tpu.memory_space<vmem>> -> memref<128xi32, #tpu.memory_space<vmem>>
      %dma_wait3A_306 = arith.constant 0 : i32
      %dma_wait3A_307 = arith.constant 0 : i32
      %dma_wait3A_308 = tpu.memref_slice %arg2[%dma_wait3A_306, %dma_wait3A_307] : memref<10240x32xf32, #tpu.memory_space<hbm>> -> memref<10240x32xf32, #tpu.memory_space<hbm>>
      tpu.wait_indirect_dma semaphore(%arg12 : memref<!tpu.dma_semaphore, #tpu.memory_space<semaphore_mem>>) src(%dma_wait3A_308 : memref<10240x32xf32, #tpu.memory_space<hbm>>) dst(%dma_wait3A_302 : memref<128x32xf32, #tpu.memory_space<vmem>>)
      %mul3A_309 = arith.constant 4 : i32
      %mul3A_310 = arith.muli %mul3A_157, %mul3A_309 : i32
      %add3A_311 = arith.constant 3 : i32
      %add3A_312 = arith.addi %mul3A_310, %add3A_311 : i32
      %dma_wait3A_313 = arith.constant 0 : i32
      %dma_wait3A_314 = arith.constant 3 : i32
      %dma_wait3A_315 = arith.constant 0 : i32
      %dma_wait3A_316 = arith.constant 0 : i32
      %dma_wait3A_317 = arith.constant 0 : i32
      %dma_wait3A_318 = tpu.memref_slice %arg9[%dma_wait3A_313, %dma_wait3A_315, %dma_wait3A_316, %dma_wait3A_317] : memref<2x4x128x32xf32, #tpu.memory_space<vmem>> -> memref<1x4x128x32xf32, #tpu.memory_space<vmem>>
      %dma_wait3A_319 = tpu.memref_squeeze %dma_wait3A_318 : memref<1x4x128x32xf32, #tpu.memory_space<vmem>> -> memref<4x128x32xf32, #tpu.memory_space<vmem>>
      %dma_wait3A_320 = arith.constant 0 : i32
      %dma_wait3A_321 = arith.constant 0 : i32
      %dma_wait3A_322 = tpu.memref_slice %dma_wait3A_319[%dma_wait3A_314, %dma_wait3A_320, %dma_wait3A_321] : memref<4x128x32xf32, #tpu.memory_space<vmem>> -> memref<1x128x32xf32, #tpu.memory_space<vmem>>
      %dma_wait3A_323 = tpu.memref_squeeze %dma_wait3A_322 : memref<1x128x32xf32, #tpu.memory_space<vmem>> -> memref<128x32xf32, #tpu.memory_space<vmem>>
      %dma_wait3A_324 = arith.constant 0 : i32
      %dma_wait3A_325 = tpu.memref_slice %arg7[%add3A_312, %dma_wait3A_324] : memref<80x128xi32, #tpu.memory_space<vmem>> -> memref<1x128xi32, #tpu.memory_space<vmem>>
      %dma_wait3A_326 = tpu.memref_squeeze %dma_wait3A_325 : memref<1x128xi32, #tpu.memory_space<vmem>> -> memref<128xi32, #tpu.memory_space<vmem>>
      %dma_wait3A_327 = arith.constant 0 : i32
      %dma_wait3A_328 = arith.constant 0 : i32
      %dma_wait3A_329 = tpu.memref_slice %arg2[%dma_wait3A_327, %dma_wait3A_328] : memref<10240x32xf32, #tpu.memory_space<hbm>> -> memref<10240x32xf32, #tpu.memory_space<hbm>>
      tpu.wait_indirect_dma semaphore(%arg12 : memref<!tpu.dma_semaphore, #tpu.memory_space<semaphore_mem>>) src(%dma_wait3A_329 : memref<10240x32xf32, #tpu.memory_space<hbm>>) dst(%dma_wait3A_323 : memref<128x32xf32, #tpu.memory_space<vmem>>)
      %mul3A_330 = arith.constant 4 : i32
      %mul3A_331 = arith.muli %mul3A_157, %mul3A_330 : i32
      %add3A_332 = arith.constant 0 : i32
      %add3A_333 = arith.addi %mul3A_331, %add3A_332 : i32
      %dma_start3A_334 = arith.constant 0 : i32
      %dma_start3A_335 = arith.constant 0 : i32
      %dma_start3A_336 = arith.constant 0 : i32
      %dma_start3A_337 = arith.constant 0 : i32
      %dma_start3A_338 = arith.constant 0 : i32
      %dma_start3A_339 = tpu.memref_slice %arg9[%dma_start3A_334, %dma_start3A_336, %dma_start3A_337, %dma_start3A_338] : memref<2x4x128x32xf32, #tpu.memory_space<vmem>> -> memref<1x4x128x32xf32, #tpu.memory_space<vmem>>
      %dma_start3A_340 = tpu.memref_squeeze %dma_start3A_339 : memref<1x4x128x32xf32, #tpu.memory_space<vmem>> -> memref<4x128x32xf32, #tpu.memory_space<vmem>>
      %dma_start3A_341 = arith.constant 0 : i32
      %dma_start3A_342 = arith.constant 0 : i32
      %dma_start3A_343 = tpu.memref_slice %dma_start3A_340[%dma_start3A_335, %dma_start3A_341, %dma_start3A_342] : memref<4x128x32xf32, #tpu.memory_space<vmem>> -> memref<1x128x32xf32, #tpu.memory_space<vmem>>
      %dma_start3A_344 = tpu.memref_squeeze %dma_start3A_343 : memref<1x128x32xf32, #tpu.memory_space<vmem>> -> memref<128x32xf32, #tpu.memory_space<vmem>>
      %dma_start3A_345 = arith.constant 0 : i32
      %dma_start3A_346 = tpu.memref_slice %arg8[%add3A_333, %dma_start3A_345] : memref<80x128xi32, #tpu.memory_space<vmem>> -> memref<1x128xi32, #tpu.memory_space<vmem>>
      %dma_start3A_347 = tpu.memref_squeeze %dma_start3A_346 : memref<1x128xi32, #tpu.memory_space<vmem>> -> memref<128xi32, #tpu.memory_space<vmem>>
      %dma_start3A_348 = arith.constant 0 : i32
      %dma_start3A_349 = arith.constant 0 : i32
      %dma_start3A_350 = tpu.memref_slice %arg11[%dma_start3A_348, %dma_start3A_349] : memref<10240x32xf32, #tpu.memory_space<vmem_shared>> -> memref<10240x32xf32, #tpu.memory_space<vmem_shared>>
      tpu.enqueue_indirect_dma source(%dma_start3A_344 : memref<128x32xf32, #tpu.memory_space<vmem>>) target(%dma_start3A_350 : memref<10240x32xf32, #tpu.memory_space<vmem_shared>>) offsets(%dma_start3A_347 : memref<128xi32, #tpu.memory_space<vmem>>) semaphore(%arg13 : memref<!tpu.dma_semaphore, #tpu.memory_space<semaphore_mem>>) {add = true}
      %mul3A_351 = arith.constant 4 : i32
      %mul3A_352 = arith.muli %mul3A_157, %mul3A_351 : i32
      %add3A_353 = arith.constant 1 : i32
      %add3A_354 = arith.addi %mul3A_352, %add3A_353 : i32
      %dma_start3A_355 = arith.constant 0 : i32
      %dma_start3A_356 = arith.constant 1 : i32
      %dma_start3A_357 = arith.constant 0 : i32
      %dma_start3A_358 = arith.constant 0 : i32
      %dma_start3A_359 = arith.constant 0 : i32
      %dma_start3A_360 = tpu.memref_slice %arg9[%dma_start3A_355, %dma_start3A_357, %dma_start3A_358, %dma_start3A_359] : memref<2x4x128x32xf32, #tpu.memory_space<vmem>> -> memref<1x4x128x32xf32, #tpu.memory_space<vmem>>
      %dma_start3A_361 = tpu.memref_squeeze %dma_start3A_360 : memref<1x4x128x32xf32, #tpu.memory_space<vmem>> -> memref<4x128x32xf32, #tpu.memory_space<vmem>>
      %dma_start3A_362 = arith.constant 0 : i32
      %dma_start3A_363 = arith.constant 0 : i32
      %dma_start3A_364 = tpu.memref_slice %dma_start3A_361[%dma_start3A_356, %dma_start3A_362, %dma_start3A_363] : memref<4x128x32xf32, #tpu.memory_space<vmem>> -> memref<1x128x32xf32, #tpu.memory_space<vmem>>
      %dma_start3A_365 = tpu.memref_squeeze %dma_start3A_364 : memref<1x128x32xf32, #tpu.memory_space<vmem>> -> memref<128x32xf32, #tpu.memory_space<vmem>>
      %dma_start3A_366 = arith.constant 0 : i32
      %dma_start3A_367 = tpu.memref_slice %arg8[%add3A_354, %dma_start3A_366] : memref<80x128xi32, #tpu.memory_space<vmem>> -> memref<1x128xi32, #tpu.memory_space<vmem>>
      %dma_start3A_368 = tpu.memref_squeeze %dma_start3A_367 : memref<1x128xi32, #tpu.memory_space<vmem>> -> memref<128xi32, #tpu.memory_space<vmem>>
      %dma_start3A_369 = arith.constant 0 : i32
      %dma_start3A_370 = arith.constant 0 : i32
      %dma_start3A_371 = tpu.memref_slice %arg11[%dma_start3A_369, %dma_start3A_370] : memref<10240x32xf32, #tpu.memory_space<vmem_shared>> -> memref<10240x32xf32, #tpu.memory_space<vmem_shared>>
      tpu.enqueue_indirect_dma source(%dma_start3A_365 : memref<128x32xf32, #tpu.memory_space<vmem>>) target(%dma_start3A_371 : memref<10240x32xf32, #tpu.memory_space<vmem_shared>>) offsets(%dma_start3A_368 : memref<128xi32, #tpu.memory_space<vmem>>) semaphore(%arg13 : memref<!tpu.dma_semaphore, #tpu.memory_space<semaphore_mem>>) {add = true}
      %mul3A_372 = arith.constant 4 : i32
      %mul3A_373 = arith.muli %mul3A_157, %mul3A_372 : i32
      %add3A_374 = arith.constant 2 : i32
      %add3A_375 = arith.addi %mul3A_373, %add3A_374 : i32
      %dma_start3A_376 = arith.constant 0 : i32
      %dma_start3A_377 = arith.constant 2 : i32
      %dma_start3A_378 = arith.constant 0 : i32
      %dma_start3A_379 = arith.constant 0 : i32
      %dma_start3A_380 = arith.constant 0 : i32
      %dma_start3A_381 = tpu.memref_slice %arg9[%dma_start3A_376, %dma_start3A_378, %dma_start3A_379, %dma_start3A_380] : memref<2x4x128x32xf32, #tpu.memory_space<vmem>> -> memref<1x4x128x32xf32, #tpu.memory_space<vmem>>
      %dma_start3A_382 = tpu.memref_squeeze %dma_start3A_381 : memref<1x4x128x32xf32, #tpu.memory_space<vmem>> -> memref<4x128x32xf32, #tpu.memory_space<vmem>>
      %dma_start3A_383 = arith.constant 0 : i32
      %dma_start3A_384 = arith.constant 0 : i32
      %dma_start3A_385 = tpu.memref_slice %dma_start3A_382[%dma_start3A_377, %dma_start3A_383, %dma_start3A_384] : memref<4x128x32xf32, #tpu.memory_space<vmem>> -> memref<1x128x32xf32, #tpu.memory_space<vmem>>
      %dma_start3A_386 = tpu.memref_squeeze %dma_start3A_385 : memref<1x128x32xf32, #tpu.memory_space<vmem>> -> memref<128x32xf32, #tpu.memory_space<vmem>>
      %dma_start3A_387 = arith.constant 0 : i32
      %dma_start3A_388 = tpu.memref_slice %arg8[%add3A_375, %dma_start3A_387] : memref<80x128xi32, #tpu.memory_space<vmem>> -> memref<1x128xi32, #tpu.memory_space<vmem>>
      %dma_start3A_389 = tpu.memref_squeeze %dma_start3A_388 : memref<1x128xi32, #tpu.memory_space<vmem>> -> memref<128xi32, #tpu.memory_space<vmem>>
      %dma_start3A_390 = arith.constant 0 : i32
      %dma_start3A_391 = arith.constant 0 : i32
      %dma_start3A_392 = tpu.memref_slice %arg11[%dma_start3A_390, %dma_start3A_391] : memref<10240x32xf32, #tpu.memory_space<vmem_shared>> -> memref<10240x32xf32, #tpu.memory_space<vmem_shared>>
      tpu.enqueue_indirect_dma source(%dma_start3A_386 : memref<128x32xf32, #tpu.memory_space<vmem>>) target(%dma_start3A_392 : memref<10240x32xf32, #tpu.memory_space<vmem_shared>>) offsets(%dma_start3A_389 : memref<128xi32, #tpu.memory_space<vmem>>) semaphore(%arg13 : memref<!tpu.dma_semaphore, #tpu.memory_space<semaphore_mem>>) {add = true}
      %mul3A_393 = arith.constant 4 : i32
      %mul3A_394 = arith.muli %mul3A_157, %mul3A_393 : i32
      %add3A_395 = arith.constant 3 : i32
      %add3A_396 = arith.addi %mul3A_394, %add3A_395 : i32
      %dma_start3A_397 = arith.constant 0 : i32
      %dma_start3A_398 = arith.constant 3 : i32
      %dma_start3A_399 = arith.constant 0 : i32
      %dma_start3A_400 = arith.constant 0 : i32
      %dma_start3A_401 = arith.constant 0 : i32
      %dma_start3A_402 = tpu.memref_slice %arg9[%dma_start3A_397, %dma_start3A_399, %dma_start3A_400, %dma_start3A_401] : memref<2x4x128x32xf32, #tpu.memory_space<vmem>> -> memref<1x4x128x32xf32, #tpu.memory_space<vmem>>
      %dma_start3A_403 = tpu.memref_squeeze %dma_start3A_402 : memref<1x4x128x32xf32, #tpu.memory_space<vmem>> -> memref<4x128x32xf32, #tpu.memory_space<vmem>>
      %dma_start3A_404 = arith.constant 0 : i32
      %dma_start3A_405 = arith.constant 0 : i32
      %dma_start3A_406 = tpu.memref_slice %dma_start3A_403[%dma_start3A_398, %dma_start3A_404, %dma_start3A_405] : memref<4x128x32xf32, #tpu.memory_space<vmem>> -> memref<1x128x32xf32, #tpu.memory_space<vmem>>
      %dma_start3A_407 = tpu.memref_squeeze %dma_start3A_406 : memref<1x128x32xf32, #tpu.memory_space<vmem>> -> memref<128x32xf32, #tpu.memory_space<vmem>>
      %dma_start3A_408 = arith.constant 0 : i32
      %dma_start3A_409 = tpu.memref_slice %arg8[%add3A_396, %dma_start3A_408] : memref<80x128xi32, #tpu.memory_space<vmem>> -> memref<1x128xi32, #tpu.memory_space<vmem>>
      %dma_start3A_410 = tpu.memref_squeeze %dma_start3A_409 : memref<1x128xi32, #tpu.memory_space<vmem>> -> memref<128xi32, #tpu.memory_space<vmem>>
      %dma_start3A_411 = arith.constant 0 : i32
      %dma_start3A_412 = arith.constant 0 : i32
      %dma_start3A_413 = tpu.memref_slice %arg11[%dma_start3A_411, %dma_start3A_412] : memref<10240x32xf32, #tpu.memory_space<vmem_shared>> -> memref<10240x32xf32, #tpu.memory_space<vmem_shared>>
      tpu.enqueue_indirect_dma source(%dma_start3A_407 : memref<128x32xf32, #tpu.memory_space<vmem>>) target(%dma_start3A_413 : memref<10240x32xf32, #tpu.memory_space<vmem_shared>>) offsets(%dma_start3A_410 : memref<128xi32, #tpu.memory_space<vmem>>) semaphore(%arg13 : memref<!tpu.dma_semaphore, #tpu.memory_space<semaphore_mem>>) {add = true}
      %mul3A_414 = arith.constant 4 : i32
      %mul3A_415 = arith.muli %mul3A_157, %mul3A_414 : i32
      %add3A_416 = arith.constant 0 : i32
      %add3A_417 = arith.addi %mul3A_415, %add3A_416 : i32
      %dma_wait3A_418 = arith.constant 0 : i32
      %dma_wait3A_419 = arith.constant 0 : i32
      %dma_wait3A_420 = arith.constant 0 : i32
      %dma_wait3A_421 = arith.constant 0 : i32
      %dma_wait3A_422 = arith.constant 0 : i32
      %dma_wait3A_423 = tpu.memref_slice %arg9[%dma_wait3A_418, %dma_wait3A_420, %dma_wait3A_421, %dma_wait3A_422] : memref<2x4x128x32xf32, #tpu.memory_space<vmem>> -> memref<1x4x128x32xf32, #tpu.memory_space<vmem>>
      %dma_wait3A_424 = tpu.memref_squeeze %dma_wait3A_423 : memref<1x4x128x32xf32, #tpu.memory_space<vmem>> -> memref<4x128x32xf32, #tpu.memory_space<vmem>>
      %dma_wait3A_425 = arith.constant 0 : i32
      %dma_wait3A_426 = arith.constant 0 : i32
      %dma_wait3A_427 = tpu.memref_slice %dma_wait3A_424[%dma_wait3A_419, %dma_wait3A_425, %dma_wait3A_426] : memref<4x128x32xf32, #tpu.memory_space<vmem>> -> memref<1x128x32xf32, #tpu.memory_space<vmem>>
      %dma_wait3A_428 = tpu.memref_squeeze %dma_wait3A_427 : memref<1x128x32xf32, #tpu.memory_space<vmem>> -> memref<128x32xf32, #tpu.memory_space<vmem>>
      %dma_wait3A_429 = arith.constant 0 : i32
      %dma_wait3A_430 = tpu.memref_slice %arg8[%add3A_417, %dma_wait3A_429] : memref<80x128xi32, #tpu.memory_space<vmem>> -> memref<1x128xi32, #tpu.memory_space<vmem>>
      %dma_wait3A_431 = tpu.memref_squeeze %dma_wait3A_430 : memref<1x128xi32, #tpu.memory_space<vmem>> -> memref<128xi32, #tpu.memory_space<vmem>>
      %dma_wait3A_432 = arith.constant 0 : i32
      %dma_wait3A_433 = arith.constant 0 : i32
      %dma_wait3A_434 = tpu.memref_slice %arg11[%dma_wait3A_432, %dma_wait3A_433] : memref<10240x32xf32, #tpu.memory_space<vmem_shared>> -> memref<10240x32xf32, #tpu.memory_space<vmem_shared>>
      tpu.wait_indirect_dma semaphore(%arg13 : memref<!tpu.dma_semaphore, #tpu.memory_space<semaphore_mem>>) src(%dma_wait3A_428 : memref<128x32xf32, #tpu.memory_space<vmem>>) dst(%dma_wait3A_434 : memref<10240x32xf32, #tpu.memory_space<vmem_shared>>)
      %mul3A_435 = arith.constant 4 : i32
      %mul3A_436 = arith.muli %mul3A_157, %mul3A_435 : i32
      %add3A_437 = arith.constant 1 : i32
      %add3A_438 = arith.addi %mul3A_436, %add3A_437 : i32
      %dma_wait3A_439 = arith.constant 0 : i32
      %dma_wait3A_440 = arith.constant 1 : i32
      %dma_wait3A_441 = arith.constant 0 : i32
      %dma_wait3A_442 = arith.constant 0 : i32
      %dma_wait3A_443 = arith.constant 0 : i32
      %dma_wait3A_444 = tpu.memref_slice %arg9[%dma_wait3A_439, %dma_wait3A_441, %dma_wait3A_442, %dma_wait3A_443] : memref<2x4x128x32xf32, #tpu.memory_space<vmem>> -> memref<1x4x128x32xf32, #tpu.memory_space<vmem>>
      %dma_wait3A_445 = tpu.memref_squeeze %dma_wait3A_444 : memref<1x4x128x32xf32, #tpu.memory_space<vmem>> -> memref<4x128x32xf32, #tpu.memory_space<vmem>>
      %dma_wait3A_446 = arith.constant 0 : i32
      %dma_wait3A_447 = arith.constant 0 : i32
      %dma_wait3A_448 = tpu.memref_slice %dma_wait3A_445[%dma_wait3A_440, %dma_wait3A_446, %dma_wait3A_447] : memref<4x128x32xf32, #tpu.memory_space<vmem>> -> memref<1x128x32xf32, #tpu.memory_space<vmem>>
      %dma_wait3A_449 = tpu.memref_squeeze %dma_wait3A_448 : memref<1x128x32xf32, #tpu.memory_space<vmem>> -> memref<128x32xf32, #tpu.memory_space<vmem>>
      %dma_wait3A_450 = arith.constant 0 : i32
      %dma_wait3A_451 = tpu.memref_slice %arg8[%add3A_438, %dma_wait3A_450] : memref<80x128xi32, #tpu.memory_space<vmem>> -> memref<1x128xi32, #tpu.memory_space<vmem>>
      %dma_wait3A_452 = tpu.memref_squeeze %dma_wait3A_451 : memref<1x128xi32, #tpu.memory_space<vmem>> -> memref<128xi32, #tpu.memory_space<vmem>>
      %dma_wait3A_453 = arith.constant 0 : i32
      %dma_wait3A_454 = arith.constant 0 : i32
      %dma_wait3A_455 = tpu.memref_slice %arg11[%dma_wait3A_453, %dma_wait3A_454] : memref<10240x32xf32, #tpu.memory_space<vmem_shared>> -> memref<10240x32xf32, #tpu.memory_space<vmem_shared>>
      tpu.wait_indirect_dma semaphore(%arg13 : memref<!tpu.dma_semaphore, #tpu.memory_space<semaphore_mem>>) src(%dma_wait3A_449 : memref<128x32xf32, #tpu.memory_space<vmem>>) dst(%dma_wait3A_455 : memref<10240x32xf32, #tpu.memory_space<vmem_shared>>)
      %mul3A_456 = arith.constant 4 : i32
      %mul3A_457 = arith.muli %mul3A_157, %mul3A_456 : i32
      %add3A_458 = arith.constant 2 : i32
      %add3A_459 = arith.addi %mul3A_457, %add3A_458 : i32
      %dma_wait3A_460 = arith.constant 0 : i32
      %dma_wait3A_461 = arith.constant 2 : i32
      %dma_wait3A_462 = arith.constant 0 : i32
      %dma_wait3A_463 = arith.constant 0 : i32
      %dma_wait3A_464 = arith.constant 0 : i32
      %dma_wait3A_465 = tpu.memref_slice %arg9[%dma_wait3A_460, %dma_wait3A_462, %dma_wait3A_463, %dma_wait3A_464] : memref<2x4x128x32xf32, #tpu.memory_space<vmem>> -> memref<1x4x128x32xf32, #tpu.memory_space<vmem>>
      %dma_wait3A_466 = tpu.memref_squeeze %dma_wait3A_465 : memref<1x4x128x32xf32, #tpu.memory_space<vmem>> -> memref<4x128x32xf32, #tpu.memory_space<vmem>>
      %dma_wait3A_467 = arith.constant 0 : i32
      %dma_wait3A_468 = arith.constant 0 : i32
      %dma_wait3A_469 = tpu.memref_slice %dma_wait3A_466[%dma_wait3A_461, %dma_wait3A_467, %dma_wait3A_468] : memref<4x128x32xf32, #tpu.memory_space<vmem>> -> memref<1x128x32xf32, #tpu.memory_space<vmem>>
      %dma_wait3A_470 = tpu.memref_squeeze %dma_wait3A_469 : memref<1x128x32xf32, #tpu.memory_space<vmem>> -> memref<128x32xf32, #tpu.memory_space<vmem>>
      %dma_wait3A_471 = arith.constant 0 : i32
      %dma_wait3A_472 = tpu.memref_slice %arg8[%add3A_459, %dma_wait3A_471] : memref<80x128xi32, #tpu.memory_space<vmem>> -> memref<1x128xi32, #tpu.memory_space<vmem>>
      %dma_wait3A_473 = tpu.memref_squeeze %dma_wait3A_472 : memref<1x128xi32, #tpu.memory_space<vmem>> -> memref<128xi32, #tpu.memory_space<vmem>>
      %dma_wait3A_474 = arith.constant 0 : i32
      %dma_wait3A_475 = arith.constant 0 : i32
      %dma_wait3A_476 = tpu.memref_slice %arg11[%dma_wait3A_474, %dma_wait3A_475] : memref<10240x32xf32, #tpu.memory_space<vmem_shared>> -> memref<10240x32xf32, #tpu.memory_space<vmem_shared>>
      tpu.wait_indirect_dma semaphore(%arg13 : memref<!tpu.dma_semaphore, #tpu.memory_space<semaphore_mem>>) src(%dma_wait3A_470 : memref<128x32xf32, #tpu.memory_space<vmem>>) dst(%dma_wait3A_476 : memref<10240x32xf32, #tpu.memory_space<vmem_shared>>)
      %mul3A_477 = arith.constant 4 : i32
      %mul3A_478 = arith.muli %mul3A_157, %mul3A_477 : i32
      %add3A_479 = arith.constant 3 : i32
      %add3A_480 = arith.addi %mul3A_478, %add3A_479 : i32
      %dma_wait3A_481 = arith.constant 0 : i32
      %dma_wait3A_482 = arith.constant 3 : i32
      %dma_wait3A_483 = arith.constant 0 : i32
      %dma_wait3A_484 = arith.constant 0 : i32
      %dma_wait3A_485 = arith.constant 0 : i32
      %dma_wait3A_486 = tpu.memref_slice %arg9[%dma_wait3A_481, %dma_wait3A_483, %dma_wait3A_484, %dma_wait3A_485] : memref<2x4x128x32xf32, #tpu.memory_space<vmem>> -> memref<1x4x128x32xf32, #tpu.memory_space<vmem>>
      %dma_wait3A_487 = tpu.memref_squeeze %dma_wait3A_486 : memref<1x4x128x32xf32, #tpu.memory_space<vmem>> -> memref<4x128x32xf32, #tpu.memory_space<vmem>>
      %dma_wait3A_488 = arith.constant 0 : i32
      %dma_wait3A_489 = arith.constant 0 : i32
      %dma_wait3A_490 = tpu.memref_slice %dma_wait3A_487[%dma_wait3A_482, %dma_wait3A_488, %dma_wait3A_489] : memref<4x128x32xf32, #tpu.memory_space<vmem>> -> memref<1x128x32xf32, #tpu.memory_space<vmem>>
      %dma_wait3A_491 = tpu.memref_squeeze %dma_wait3A_490 : memref<1x128x32xf32, #tpu.memory_space<vmem>> -> memref<128x32xf32, #tpu.memory_space<vmem>>
      %dma_wait3A_492 = arith.constant 0 : i32
      %dma_wait3A_493 = tpu.memref_slice %arg8[%add3A_480, %dma_wait3A_492] : memref<80x128xi32, #tpu.memory_space<vmem>> -> memref<1x128xi32, #tpu.memory_space<vmem>>
      %dma_wait3A_494 = tpu.memref_squeeze %dma_wait3A_493 : memref<1x128xi32, #tpu.memory_space<vmem>> -> memref<128xi32, #tpu.memory_space<vmem>>
      %dma_wait3A_495 = arith.constant 0 : i32
      %dma_wait3A_496 = arith.constant 0 : i32
      %dma_wait3A_497 = tpu.memref_slice %arg11[%dma_wait3A_495, %dma_wait3A_496] : memref<10240x32xf32, #tpu.memory_space<vmem_shared>> -> memref<10240x32xf32, #tpu.memory_space<vmem_shared>>
      tpu.wait_indirect_dma semaphore(%arg13 : memref<!tpu.dma_semaphore, #tpu.memory_space<semaphore_mem>>) src(%dma_wait3A_491 : memref<128x32xf32, #tpu.memory_space<vmem>>) dst(%dma_wait3A_497 : memref<10240x32xf32, #tpu.memory_space<vmem_shared>>)
      %lt3A = arith.constant 9 : i32
      %lt3A_498 = arith.cmpi slt, %scan3A_155, %lt3A : i32
      %convert_element_type3A_499 = arith.extui %lt3A_498 : i1 to i32
      %cond3A_500 = arith.constant 0 : i32
      %cond3A_501 = arith.cmpi ne, %convert_element_type3A_499, %cond3A_500 : i32
      scf.if %cond3A_501 {
        %add3A_674 = arith.constant 2 : i32
        %add3A_675 = arith.addi %mul3A_157, %add3A_674 : i32
        %mul3A_676 = arith.constant 4 : i32
        %mul3A_677 = arith.muli %add3A_675, %mul3A_676 : i32
        %add3A_678 = arith.constant 0 : i32
        %add3A_679 = arith.addi %mul3A_677, %add3A_678 : i32
        %dma_start3A_680 = arith.constant 0 : i32
        %dma_start3A_681 = arith.constant 0 : i32
        %dma_start3A_682 = arith.constant 0 : i32
        %dma_start3A_683 = arith.constant 0 : i32
        %dma_start3A_684 = arith.constant 0 : i32
        %dma_start3A_685 = tpu.memref_slice %arg9[%dma_start3A_680, %dma_start3A_682, %dma_start3A_683, %dma_start3A_684] : memref<2x4x128x32xf32, #tpu.memory_space<vmem>> -> memref<1x4x128x32xf32, #tpu.memory_space<vmem>>
        %dma_start3A_686 = tpu.memref_squeeze %dma_start3A_685 : memref<1x4x128x32xf32, #tpu.memory_space<vmem>> -> memref<4x128x32xf32, #tpu.memory_space<vmem>>
        %dma_start3A_687 = arith.constant 0 : i32
        %dma_start3A_688 = arith.constant 0 : i32
        %dma_start3A_689 = tpu.memref_slice %dma_start3A_686[%dma_start3A_681, %dma_start3A_687, %dma_start3A_688] : memref<4x128x32xf32, #tpu.memory_space<vmem>> -> memref<1x128x32xf32, #tpu.memory_space<vmem>>
        %dma_start3A_690 = tpu.memref_squeeze %dma_start3A_689 : memref<1x128x32xf32, #tpu.memory_space<vmem>> -> memref<128x32xf32, #tpu.memory_space<vmem>>
        %dma_start3A_691 = arith.constant 0 : i32
        %dma_start3A_692 = tpu.memref_slice %arg7[%add3A_679, %dma_start3A_691] : memref<80x128xi32, #tpu.memory_space<vmem>> -> memref<1x128xi32, #tpu.memory_space<vmem>>
        %dma_start3A_693 = tpu.memref_squeeze %dma_start3A_692 : memref<1x128xi32, #tpu.memory_space<vmem>> -> memref<128xi32, #tpu.memory_space<vmem>>
        %dma_start3A_694 = arith.constant 0 : i32
        %dma_start3A_695 = arith.constant 0 : i32
        %dma_start3A_696 = tpu.memref_slice %arg2[%dma_start3A_694, %dma_start3A_695] : memref<10240x32xf32, #tpu.memory_space<hbm>> -> memref<10240x32xf32, #tpu.memory_space<hbm>>
        tpu.enqueue_indirect_dma source(%dma_start3A_696 : memref<10240x32xf32, #tpu.memory_space<hbm>>) target(%dma_start3A_690 : memref<128x32xf32, #tpu.memory_space<vmem>>) offsets(%dma_start3A_693 : memref<128xi32, #tpu.memory_space<vmem>>) semaphore(%arg12 : memref<!tpu.dma_semaphore, #tpu.memory_space<semaphore_mem>>)
        %mul3A_697 = arith.constant 4 : i32
        %mul3A_698 = arith.muli %add3A_675, %mul3A_697 : i32
        %add3A_699 = arith.constant 1 : i32
        %add3A_700 = arith.addi %mul3A_698, %add3A_699 : i32
        %dma_start3A_701 = arith.constant 0 : i32
        %dma_start3A_702 = arith.constant 1 : i32
        %dma_start3A_703 = arith.constant 0 : i32
        %dma_start3A_704 = arith.constant 0 : i32
        %dma_start3A_705 = arith.constant 0 : i32
        %dma_start3A_706 = tpu.memref_slice %arg9[%dma_start3A_701, %dma_start3A_703, %dma_start3A_704, %dma_start3A_705] : memref<2x4x128x32xf32, #tpu.memory_space<vmem>> -> memref<1x4x128x32xf32, #tpu.memory_space<vmem>>
        %dma_start3A_707 = tpu.memref_squeeze %dma_start3A_706 : memref<1x4x128x32xf32, #tpu.memory_space<vmem>> -> memref<4x128x32xf32, #tpu.memory_space<vmem>>
        %dma_start3A_708 = arith.constant 0 : i32
        %dma_start3A_709 = arith.constant 0 : i32
        %dma_start3A_710 = tpu.memref_slice %dma_start3A_707[%dma_start3A_702, %dma_start3A_708, %dma_start3A_709] : memref<4x128x32xf32, #tpu.memory_space<vmem>> -> memref<1x128x32xf32, #tpu.memory_space<vmem>>
        %dma_start3A_711 = tpu.memref_squeeze %dma_start3A_710 : memref<1x128x32xf32, #tpu.memory_space<vmem>> -> memref<128x32xf32, #tpu.memory_space<vmem>>
        %dma_start3A_712 = arith.constant 0 : i32
        %dma_start3A_713 = tpu.memref_slice %arg7[%add3A_700, %dma_start3A_712] : memref<80x128xi32, #tpu.memory_space<vmem>> -> memref<1x128xi32, #tpu.memory_space<vmem>>
        %dma_start3A_714 = tpu.memref_squeeze %dma_start3A_713 : memref<1x128xi32, #tpu.memory_space<vmem>> -> memref<128xi32, #tpu.memory_space<vmem>>
        %dma_start3A_715 = arith.constant 0 : i32
        %dma_start3A_716 = arith.constant 0 : i32
        %dma_start3A_717 = tpu.memref_slice %arg2[%dma_start3A_715, %dma_start3A_716] : memref<10240x32xf32, #tpu.memory_space<hbm>> -> memref<10240x32xf32, #tpu.memory_space<hbm>>
        tpu.enqueue_indirect_dma source(%dma_start3A_717 : memref<10240x32xf32, #tpu.memory_space<hbm>>) target(%dma_start3A_711 : memref<128x32xf32, #tpu.memory_space<vmem>>) offsets(%dma_start3A_714 : memref<128xi32, #tpu.memory_space<vmem>>) semaphore(%arg12 : memref<!tpu.dma_semaphore, #tpu.memory_space<semaphore_mem>>)
        %mul3A_718 = arith.constant 4 : i32
        %mul3A_719 = arith.muli %add3A_675, %mul3A_718 : i32
        %add3A_720 = arith.constant 2 : i32
        %add3A_721 = arith.addi %mul3A_719, %add3A_720 : i32
        %dma_start3A_722 = arith.constant 0 : i32
        %dma_start3A_723 = arith.constant 2 : i32
        %dma_start3A_724 = arith.constant 0 : i32
        %dma_start3A_725 = arith.constant 0 : i32
        %dma_start3A_726 = arith.constant 0 : i32
        %dma_start3A_727 = tpu.memref_slice %arg9[%dma_start3A_722, %dma_start3A_724, %dma_start3A_725, %dma_start3A_726] : memref<2x4x128x32xf32, #tpu.memory_space<vmem>> -> memref<1x4x128x32xf32, #tpu.memory_space<vmem>>
        %dma_start3A_728 = tpu.memref_squeeze %dma_start3A_727 : memref<1x4x128x32xf32, #tpu.memory_space<vmem>> -> memref<4x128x32xf32, #tpu.memory_space<vmem>>
        %dma_start3A_729 = arith.constant 0 : i32
        %dma_start3A_730 = arith.constant 0 : i32
        %dma_start3A_731 = tpu.memref_slice %dma_start3A_728[%dma_start3A_723, %dma_start3A_729, %dma_start3A_730] : memref<4x128x32xf32, #tpu.memory_space<vmem>> -> memref<1x128x32xf32, #tpu.memory_space<vmem>>
        %dma_start3A_732 = tpu.memref_squeeze %dma_start3A_731 : memref<1x128x32xf32, #tpu.memory_space<vmem>> -> memref<128x32xf32, #tpu.memory_space<vmem>>
        %dma_start3A_733 = arith.constant 0 : i32
        %dma_start3A_734 = tpu.memref_slice %arg7[%add3A_721, %dma_start3A_733] : memref<80x128xi32, #tpu.memory_space<vmem>> -> memref<1x128xi32, #tpu.memory_space<vmem>>
        %dma_start3A_735 = tpu.memref_squeeze %dma_start3A_734 : memref<1x128xi32, #tpu.memory_space<vmem>> -> memref<128xi32, #tpu.memory_space<vmem>>
        %dma_start3A_736 = arith.constant 0 : i32
        %dma_start3A_737 = arith.constant 0 : i32
        %dma_start3A_738 = tpu.memref_slice %arg2[%dma_start3A_736, %dma_start3A_737] : memref<10240x32xf32, #tpu.memory_space<hbm>> -> memref<10240x32xf32, #tpu.memory_space<hbm>>
        tpu.enqueue_indirect_dma source(%dma_start3A_738 : memref<10240x32xf32, #tpu.memory_space<hbm>>) target(%dma_start3A_732 : memref<128x32xf32, #tpu.memory_space<vmem>>) offsets(%dma_start3A_735 : memref<128xi32, #tpu.memory_space<vmem>>) semaphore(%arg12 : memref<!tpu.dma_semaphore, #tpu.memory_space<semaphore_mem>>)
        %mul3A_739 = arith.constant 4 : i32
        %mul3A_740 = arith.muli %add3A_675, %mul3A_739 : i32
        %add3A_741 = arith.constant 3 : i32
        %add3A_742 = arith.addi %mul3A_740, %add3A_741 : i32
        %dma_start3A_743 = arith.constant 0 : i32
        %dma_start3A_744 = arith.constant 3 : i32
        %dma_start3A_745 = arith.constant 0 : i32
        %dma_start3A_746 = arith.constant 0 : i32
        %dma_start3A_747 = arith.constant 0 : i32
        %dma_start3A_748 = tpu.memref_slice %arg9[%dma_start3A_743, %dma_start3A_745, %dma_start3A_746, %dma_start3A_747] : memref<2x4x128x32xf32, #tpu.memory_space<vmem>> -> memref<1x4x128x32xf32, #tpu.memory_space<vmem>>
        %dma_start3A_749 = tpu.memref_squeeze %dma_start3A_748 : memref<1x4x128x32xf32, #tpu.memory_space<vmem>> -> memref<4x128x32xf32, #tpu.memory_space<vmem>>
        %dma_start3A_750 = arith.constant 0 : i32
        %dma_start3A_751 = arith.constant 0 : i32
        %dma_start3A_752 = tpu.memref_slice %dma_start3A_749[%dma_start3A_744, %dma_start3A_750, %dma_start3A_751] : memref<4x128x32xf32, #tpu.memory_space<vmem>> -> memref<1x128x32xf32, #tpu.memory_space<vmem>>
        %dma_start3A_753 = tpu.memref_squeeze %dma_start3A_752 : memref<1x128x32xf32, #tpu.memory_space<vmem>> -> memref<128x32xf32, #tpu.memory_space<vmem>>
        %dma_start3A_754 = arith.constant 0 : i32
        %dma_start3A_755 = tpu.memref_slice %arg7[%add3A_742, %dma_start3A_754] : memref<80x128xi32, #tpu.memory_space<vmem>> -> memref<1x128xi32, #tpu.memory_space<vmem>>
        %dma_start3A_756 = tpu.memref_squeeze %dma_start3A_755 : memref<1x128xi32, #tpu.memory_space<vmem>> -> memref<128xi32, #tpu.memory_space<vmem>>
        %dma_start3A_757 = arith.constant 0 : i32
        %dma_start3A_758 = arith.constant 0 : i32
        %dma_start3A_759 = tpu.memref_slice %arg2[%dma_start3A_757, %dma_start3A_758] : memref<10240x32xf32, #tpu.memory_space<hbm>> -> memref<10240x32xf32, #tpu.memory_space<hbm>>
        tpu.enqueue_indirect_dma source(%dma_start3A_759 : memref<10240x32xf32, #tpu.memory_space<hbm>>) target(%dma_start3A_753 : memref<128x32xf32, #tpu.memory_space<vmem>>) offsets(%dma_start3A_756 : memref<128xi32, #tpu.memory_space<vmem>>) semaphore(%arg12 : memref<!tpu.dma_semaphore, #tpu.memory_space<semaphore_mem>>)
      } else {
      }
      %add3A_502 = arith.constant 1 : i32
      %add3A_503 = arith.addi %mul3A_157, %add3A_502 : i32
      %mul3A_504 = arith.constant 4 : i32
      %mul3A_505 = arith.muli %add3A_503, %mul3A_504 : i32
      %add3A_506 = arith.constant 0 : i32
      %add3A_507 = arith.addi %mul3A_505, %add3A_506 : i32
      %dma_wait3A_508 = arith.constant 1 : i32
      %dma_wait3A_509 = arith.constant 0 : i32
      %dma_wait3A_510 = arith.constant 0 : i32
      %dma_wait3A_511 = arith.constant 0 : i32
      %dma_wait3A_512 = arith.constant 0 : i32
      %dma_wait3A_513 = tpu.memref_slice %arg9[%dma_wait3A_508, %dma_wait3A_510, %dma_wait3A_511, %dma_wait3A_512] : memref<2x4x128x32xf32, #tpu.memory_space<vmem>> -> memref<1x4x128x32xf32, #tpu.memory_space<vmem>>
      %dma_wait3A_514 = tpu.memref_squeeze %dma_wait3A_513 : memref<1x4x128x32xf32, #tpu.memory_space<vmem>> -> memref<4x128x32xf32, #tpu.memory_space<vmem>>
      %dma_wait3A_515 = arith.constant 0 : i32
      %dma_wait3A_516 = arith.constant 0 : i32
      %dma_wait3A_517 = tpu.memref_slice %dma_wait3A_514[%dma_wait3A_509, %dma_wait3A_515, %dma_wait3A_516] : memref<4x128x32xf32, #tpu.memory_space<vmem>> -> memref<1x128x32xf32, #tpu.memory_space<vmem>>
      %dma_wait3A_518 = tpu.memref_squeeze %dma_wait3A_517 : memref<1x128x32xf32, #tpu.memory_space<vmem>> -> memref<128x32xf32, #tpu.memory_space<vmem>>
      %dma_wait3A_519 = arith.constant 0 : i32
      %dma_wait3A_520 = tpu.memref_slice %arg7[%add3A_507, %dma_wait3A_519] : memref<80x128xi32, #tpu.memory_space<vmem>> -> memref<1x128xi32, #tpu.memory_space<vmem>>
      %dma_wait3A_521 = tpu.memref_squeeze %dma_wait3A_520 : memref<1x128xi32, #tpu.memory_space<vmem>> -> memref<128xi32, #tpu.memory_space<vmem>>
      %dma_wait3A_522 = arith.constant 0 : i32
      %dma_wait3A_523 = arith.constant 0 : i32
      %dma_wait3A_524 = tpu.memref_slice %arg2[%dma_wait3A_522, %dma_wait3A_523] : memref<10240x32xf32, #tpu.memory_space<hbm>> -> memref<10240x32xf32, #tpu.memory_space<hbm>>
      tpu.wait_indirect_dma semaphore(%arg12 : memref<!tpu.dma_semaphore, #tpu.memory_space<semaphore_mem>>) src(%dma_wait3A_524 : memref<10240x32xf32, #tpu.memory_space<hbm>>) dst(%dma_wait3A_518 : memref<128x32xf32, #tpu.memory_space<vmem>>)
      %mul3A_525 = arith.constant 4 : i32
      %mul3A_526 = arith.muli %add3A_503, %mul3A_525 : i32
      %add3A_527 = arith.constant 1 : i32
      %add3A_528 = arith.addi %mul3A_526, %add3A_527 : i32
      %dma_wait3A_529 = arith.constant 1 : i32
      %dma_wait3A_530 = arith.constant 1 : i32
      %dma_wait3A_531 = arith.constant 0 : i32
      %dma_wait3A_532 = arith.constant 0 : i32
      %dma_wait3A_533 = arith.constant 0 : i32
      %dma_wait3A_534 = tpu.memref_slice %arg9[%dma_wait3A_529, %dma_wait3A_531, %dma_wait3A_532, %dma_wait3A_533] : memref<2x4x128x32xf32, #tpu.memory_space<vmem>> -> memref<1x4x128x32xf32, #tpu.memory_space<vmem>>
      %dma_wait3A_535 = tpu.memref_squeeze %dma_wait3A_534 : memref<1x4x128x32xf32, #tpu.memory_space<vmem>> -> memref<4x128x32xf32, #tpu.memory_space<vmem>>
      %dma_wait3A_536 = arith.constant 0 : i32
      %dma_wait3A_537 = arith.constant 0 : i32
      %dma_wait3A_538 = tpu.memref_slice %dma_wait3A_535[%dma_wait3A_530, %dma_wait3A_536, %dma_wait3A_537] : memref<4x128x32xf32, #tpu.memory_space<vmem>> -> memref<1x128x32xf32, #tpu.memory_space<vmem>>
      %dma_wait3A_539 = tpu.memref_squeeze %dma_wait3A_538 : memref<1x128x32xf32, #tpu.memory_space<vmem>> -> memref<128x32xf32, #tpu.memory_space<vmem>>
      %dma_wait3A_540 = arith.constant 0 : i32
      %dma_wait3A_541 = tpu.memref_slice %arg7[%add3A_528, %dma_wait3A_540] : memref<80x128xi32, #tpu.memory_space<vmem>> -> memref<1x128xi32, #tpu.memory_space<vmem>>
      %dma_wait3A_542 = tpu.memref_squeeze %dma_wait3A_541 : memref<1x128xi32, #tpu.memory_space<vmem>> -> memref<128xi32, #tpu.memory_space<vmem>>
      %dma_wait3A_543 = arith.constant 0 : i32
      %dma_wait3A_544 = arith.constant 0 : i32
      %dma_wait3A_545 = tpu.memref_slice %arg2[%dma_wait3A_543, %dma_wait3A_544] : memref<10240x32xf32, #tpu.memory_space<hbm>> -> memref<10240x32xf32, #tpu.memory_space<hbm>>
      tpu.wait_indirect_dma semaphore(%arg12 : memref<!tpu.dma_semaphore, #tpu.memory_space<semaphore_mem>>) src(%dma_wait3A_545 : memref<10240x32xf32, #tpu.memory_space<hbm>>) dst(%dma_wait3A_539 : memref<128x32xf32, #tpu.memory_space<vmem>>)
      %mul3A_546 = arith.constant 4 : i32
      %mul3A_547 = arith.muli %add3A_503, %mul3A_546 : i32
      %add3A_548 = arith.constant 2 : i32
      %add3A_549 = arith.addi %mul3A_547, %add3A_548 : i32
      %dma_wait3A_550 = arith.constant 1 : i32
      %dma_wait3A_551 = arith.constant 2 : i32
      %dma_wait3A_552 = arith.constant 0 : i32
      %dma_wait3A_553 = arith.constant 0 : i32
      %dma_wait3A_554 = arith.constant 0 : i32
      %dma_wait3A_555 = tpu.memref_slice %arg9[%dma_wait3A_550, %dma_wait3A_552, %dma_wait3A_553, %dma_wait3A_554] : memref<2x4x128x32xf32, #tpu.memory_space<vmem>> -> memref<1x4x128x32xf32, #tpu.memory_space<vmem>>
      %dma_wait3A_556 = tpu.memref_squeeze %dma_wait3A_555 : memref<1x4x128x32xf32, #tpu.memory_space<vmem>> -> memref<4x128x32xf32, #tpu.memory_space<vmem>>
      %dma_wait3A_557 = arith.constant 0 : i32
      %dma_wait3A_558 = arith.constant 0 : i32
      %dma_wait3A_559 = tpu.memref_slice %dma_wait3A_556[%dma_wait3A_551, %dma_wait3A_557, %dma_wait3A_558] : memref<4x128x32xf32, #tpu.memory_space<vmem>> -> memref<1x128x32xf32, #tpu.memory_space<vmem>>
      %dma_wait3A_560 = tpu.memref_squeeze %dma_wait3A_559 : memref<1x128x32xf32, #tpu.memory_space<vmem>> -> memref<128x32xf32, #tpu.memory_space<vmem>>
      %dma_wait3A_561 = arith.constant 0 : i32
      %dma_wait3A_562 = tpu.memref_slice %arg7[%add3A_549, %dma_wait3A_561] : memref<80x128xi32, #tpu.memory_space<vmem>> -> memref<1x128xi32, #tpu.memory_space<vmem>>
      %dma_wait3A_563 = tpu.memref_squeeze %dma_wait3A_562 : memref<1x128xi32, #tpu.memory_space<vmem>> -> memref<128xi32, #tpu.memory_space<vmem>>
      %dma_wait3A_564 = arith.constant 0 : i32
      %dma_wait3A_565 = arith.constant 0 : i32
      %dma_wait3A_566 = tpu.memref_slice %arg2[%dma_wait3A_564, %dma_wait3A_565] : memref<10240x32xf32, #tpu.memory_space<hbm>> -> memref<10240x32xf32, #tpu.memory_space<hbm>>
      tpu.wait_indirect_dma semaphore(%arg12 : memref<!tpu.dma_semaphore, #tpu.memory_space<semaphore_mem>>) src(%dma_wait3A_566 : memref<10240x32xf32, #tpu.memory_space<hbm>>) dst(%dma_wait3A_560 : memref<128x32xf32, #tpu.memory_space<vmem>>)
      %mul3A_567 = arith.constant 4 : i32
      %mul3A_568 = arith.muli %add3A_503, %mul3A_567 : i32
      %add3A_569 = arith.constant 3 : i32
      %add3A_570 = arith.addi %mul3A_568, %add3A_569 : i32
      %dma_wait3A_571 = arith.constant 1 : i32
      %dma_wait3A_572 = arith.constant 3 : i32
      %dma_wait3A_573 = arith.constant 0 : i32
      %dma_wait3A_574 = arith.constant 0 : i32
      %dma_wait3A_575 = arith.constant 0 : i32
      %dma_wait3A_576 = tpu.memref_slice %arg9[%dma_wait3A_571, %dma_wait3A_573, %dma_wait3A_574, %dma_wait3A_575] : memref<2x4x128x32xf32, #tpu.memory_space<vmem>> -> memref<1x4x128x32xf32, #tpu.memory_space<vmem>>
      %dma_wait3A_577 = tpu.memref_squeeze %dma_wait3A_576 : memref<1x4x128x32xf32, #tpu.memory_space<vmem>> -> memref<4x128x32xf32, #tpu.memory_space<vmem>>
      %dma_wait3A_578 = arith.constant 0 : i32
      %dma_wait3A_579 = arith.constant 0 : i32
      %dma_wait3A_580 = tpu.memref_slice %dma_wait3A_577[%dma_wait3A_572, %dma_wait3A_578, %dma_wait3A_579] : memref<4x128x32xf32, #tpu.memory_space<vmem>> -> memref<1x128x32xf32, #tpu.memory_space<vmem>>
      %dma_wait3A_581 = tpu.memref_squeeze %dma_wait3A_580 : memref<1x128x32xf32, #tpu.memory_space<vmem>> -> memref<128x32xf32, #tpu.memory_space<vmem>>
      %dma_wait3A_582 = arith.constant 0 : i32
      %dma_wait3A_583 = tpu.memref_slice %arg7[%add3A_570, %dma_wait3A_582] : memref<80x128xi32, #tpu.memory_space<vmem>> -> memref<1x128xi32, #tpu.memory_space<vmem>>
      %dma_wait3A_584 = tpu.memref_squeeze %dma_wait3A_583 : memref<1x128xi32, #tpu.memory_space<vmem>> -> memref<128xi32, #tpu.memory_space<vmem>>
      %dma_wait3A_585 = arith.constant 0 : i32
      %dma_wait3A_586 = arith.constant 0 : i32
      %dma_wait3A_587 = tpu.memref_slice %arg2[%dma_wait3A_585, %dma_wait3A_586] : memref<10240x32xf32, #tpu.memory_space<hbm>> -> memref<10240x32xf32, #tpu.memory_space<hbm>>
      tpu.wait_indirect_dma semaphore(%arg12 : memref<!tpu.dma_semaphore, #tpu.memory_space<semaphore_mem>>) src(%dma_wait3A_587 : memref<10240x32xf32, #tpu.memory_space<hbm>>) dst(%dma_wait3A_581 : memref<128x32xf32, #tpu.memory_space<vmem>>)
      %add3A_588 = arith.constant 1 : i32
      %add3A_589 = arith.addi %mul3A_157, %add3A_588 : i32
      %mul3A_590 = arith.constant 4 : i32
      %mul3A_591 = arith.muli %add3A_589, %mul3A_590 : i32
      %add3A_592 = arith.constant 0 : i32
      %add3A_593 = arith.addi %mul3A_591, %add3A_592 : i32
      %dma_start3A_594 = arith.constant 1 : i32
      %dma_start3A_595 = arith.constant 0 : i32
      %dma_start3A_596 = arith.constant 0 : i32
      %dma_start3A_597 = arith.constant 0 : i32
      %dma_start3A_598 = arith.constant 0 : i32
      %dma_start3A_599 = tpu.memref_slice %arg9[%dma_start3A_594, %dma_start3A_596, %dma_start3A_597, %dma_start3A_598] : memref<2x4x128x32xf32, #tpu.memory_space<vmem>> -> memref<1x4x128x32xf32, #tpu.memory_space<vmem>>
      %dma_start3A_600 = tpu.memref_squeeze %dma_start3A_599 : memref<1x4x128x32xf32, #tpu.memory_space<vmem>> -> memref<4x128x32xf32, #tpu.memory_space<vmem>>
      %dma_start3A_601 = arith.constant 0 : i32
      %dma_start3A_602 = arith.constant 0 : i32
      %dma_start3A_603 = tpu.memref_slice %dma_start3A_600[%dma_start3A_595, %dma_start3A_601, %dma_start3A_602] : memref<4x128x32xf32, #tpu.memory_space<vmem>> -> memref<1x128x32xf32, #tpu.memory_space<vmem>>
      %dma_start3A_604 = tpu.memref_squeeze %dma_start3A_603 : memref<1x128x32xf32, #tpu.memory_space<vmem>> -> memref<128x32xf32, #tpu.memory_space<vmem>>
      %dma_start3A_605 = arith.constant 0 : i32
      %dma_start3A_606 = tpu.memref_slice %arg8[%add3A_593, %dma_start3A_605] : memref<80x128xi32, #tpu.memory_space<vmem>> -> memref<1x128xi32, #tpu.memory_space<vmem>>
      %dma_start3A_607 = tpu.memref_squeeze %dma_start3A_606 : memref<1x128xi32, #tpu.memory_space<vmem>> -> memref<128xi32, #tpu.memory_space<vmem>>
      %dma_start3A_608 = arith.constant 0 : i32
      %dma_start3A_609 = arith.constant 0 : i32
      %dma_start3A_610 = tpu.memref_slice %arg11[%dma_start3A_608, %dma_start3A_609] : memref<10240x32xf32, #tpu.memory_space<vmem_shared>> -> memref<10240x32xf32, #tpu.memory_space<vmem_shared>>
      tpu.enqueue_indirect_dma source(%dma_start3A_604 : memref<128x32xf32, #tpu.memory_space<vmem>>) target(%dma_start3A_610 : memref<10240x32xf32, #tpu.memory_space<vmem_shared>>) offsets(%dma_start3A_607 : memref<128xi32, #tpu.memory_space<vmem>>) semaphore(%arg13 : memref<!tpu.dma_semaphore, #tpu.memory_space<semaphore_mem>>) {add = true}
      %mul3A_611 = arith.constant 4 : i32
      %mul3A_612 = arith.muli %add3A_589, %mul3A_611 : i32
      %add3A_613 = arith.constant 1 : i32
      %add3A_614 = arith.addi %mul3A_612, %add3A_613 : i32
      %dma_start3A_615 = arith.constant 1 : i32
      %dma_start3A_616 = arith.constant 1 : i32
      %dma_start3A_617 = arith.constant 0 : i32
      %dma_start3A_618 = arith.constant 0 : i32
      %dma_start3A_619 = arith.constant 0 : i32
      %dma_start3A_620 = tpu.memref_slice %arg9[%dma_start3A_615, %dma_start3A_617, %dma_start3A_618, %dma_start3A_619] : memref<2x4x128x32xf32, #tpu.memory_space<vmem>> -> memref<1x4x128x32xf32, #tpu.memory_space<vmem>>
      %dma_start3A_621 = tpu.memref_squeeze %dma_start3A_620 : memref<1x4x128x32xf32, #tpu.memory_space<vmem>> -> memref<4x128x32xf32, #tpu.memory_space<vmem>>
      %dma_start3A_622 = arith.constant 0 : i32
      %dma_start3A_623 = arith.constant 0 : i32
      %dma_start3A_624 = tpu.memref_slice %dma_start3A_621[%dma_start3A_616, %dma_start3A_622, %dma_start3A_623] : memref<4x128x32xf32, #tpu.memory_space<vmem>> -> memref<1x128x32xf32, #tpu.memory_space<vmem>>
      %dma_start3A_625 = tpu.memref_squeeze %dma_start3A_624 : memref<1x128x32xf32, #tpu.memory_space<vmem>> -> memref<128x32xf32, #tpu.memory_space<vmem>>
      %dma_start3A_626 = arith.constant 0 : i32
      %dma_start3A_627 = tpu.memref_slice %arg8[%add3A_614, %dma_start3A_626] : memref<80x128xi32, #tpu.memory_space<vmem>> -> memref<1x128xi32, #tpu.memory_space<vmem>>
      %dma_start3A_628 = tpu.memref_squeeze %dma_start3A_627 : memref<1x128xi32, #tpu.memory_space<vmem>> -> memref<128xi32, #tpu.memory_space<vmem>>
      %dma_start3A_629 = arith.constant 0 : i32
      %dma_start3A_630 = arith.constant 0 : i32
      %dma_start3A_631 = tpu.memref_slice %arg11[%dma_start3A_629, %dma_start3A_630] : memref<10240x32xf32, #tpu.memory_space<vmem_shared>> -> memref<10240x32xf32, #tpu.memory_space<vmem_shared>>
      tpu.enqueue_indirect_dma source(%dma_start3A_625 : memref<128x32xf32, #tpu.memory_space<vmem>>) target(%dma_start3A_631 : memref<10240x32xf32, #tpu.memory_space<vmem_shared>>) offsets(%dma_start3A_628 : memref<128xi32, #tpu.memory_space<vmem>>) semaphore(%arg13 : memref<!tpu.dma_semaphore, #tpu.memory_space<semaphore_mem>>) {add = true}
      %mul3A_632 = arith.constant 4 : i32
      %mul3A_633 = arith.muli %add3A_589, %mul3A_632 : i32
      %add3A_634 = arith.constant 2 : i32
      %add3A_635 = arith.addi %mul3A_633, %add3A_634 : i32
      %dma_start3A_636 = arith.constant 1 : i32
      %dma_start3A_637 = arith.constant 2 : i32
      %dma_start3A_638 = arith.constant 0 : i32
      %dma_start3A_639 = arith.constant 0 : i32
      %dma_start3A_640 = arith.constant 0 : i32
      %dma_start3A_641 = tpu.memref_slice %arg9[%dma_start3A_636, %dma_start3A_638, %dma_start3A_639, %dma_start3A_640] : memref<2x4x128x32xf32, #tpu.memory_space<vmem>> -> memref<1x4x128x32xf32, #tpu.memory_space<vmem>>
      %dma_start3A_642 = tpu.memref_squeeze %dma_start3A_641 : memref<1x4x128x32xf32, #tpu.memory_space<vmem>> -> memref<4x128x32xf32, #tpu.memory_space<vmem>>
      %dma_start3A_643 = arith.constant 0 : i32
      %dma_start3A_644 = arith.constant 0 : i32
      %dma_start3A_645 = tpu.memref_slice %dma_start3A_642[%dma_start3A_637, %dma_start3A_643, %dma_start3A_644] : memref<4x128x32xf32, #tpu.memory_space<vmem>> -> memref<1x128x32xf32, #tpu.memory_space<vmem>>
      %dma_start3A_646 = tpu.memref_squeeze %dma_start3A_645 : memref<1x128x32xf32, #tpu.memory_space<vmem>> -> memref<128x32xf32, #tpu.memory_space<vmem>>
      %dma_start3A_647 = arith.constant 0 : i32
      %dma_start3A_648 = tpu.memref_slice %arg8[%add3A_635, %dma_start3A_647] : memref<80x128xi32, #tpu.memory_space<vmem>> -> memref<1x128xi32, #tpu.memory_space<vmem>>
      %dma_start3A_649 = tpu.memref_squeeze %dma_start3A_648 : memref<1x128xi32, #tpu.memory_space<vmem>> -> memref<128xi32, #tpu.memory_space<vmem>>
      %dma_start3A_650 = arith.constant 0 : i32
      %dma_start3A_651 = arith.constant 0 : i32
      %dma_start3A_652 = tpu.memref_slice %arg11[%dma_start3A_650, %dma_start3A_651] : memref<10240x32xf32, #tpu.memory_space<vmem_shared>> -> memref<10240x32xf32, #tpu.memory_space<vmem_shared>>
      tpu.enqueue_indirect_dma source(%dma_start3A_646 : memref<128x32xf32, #tpu.memory_space<vmem>>) target(%dma_start3A_652 : memref<10240x32xf32, #tpu.memory_space<vmem_shared>>) offsets(%dma_start3A_649 : memref<128xi32, #tpu.memory_space<vmem>>) semaphore(%arg13 : memref<!tpu.dma_semaphore, #tpu.memory_space<semaphore_mem>>) {add = true}
      %mul3A_653 = arith.constant 4 : i32
      %mul3A_654 = arith.muli %add3A_589, %mul3A_653 : i32
      %add3A_655 = arith.constant 3 : i32
      %add3A_656 = arith.addi %mul3A_654, %add3A_655 : i32
      %dma_start3A_657 = arith.constant 1 : i32
      %dma_start3A_658 = arith.constant 3 : i32
      %dma_start3A_659 = arith.constant 0 : i32
      %dma_start3A_660 = arith.constant 0 : i32
      %dma_start3A_661 = arith.constant 0 : i32
      %dma_start3A_662 = tpu.memref_slice %arg9[%dma_start3A_657, %dma_start3A_659, %dma_start3A_660, %dma_start3A_661] : memref<2x4x128x32xf32, #tpu.memory_space<vmem>> -> memref<1x4x128x32xf32, #tpu.memory_space<vmem>>
      %dma_start3A_663 = tpu.memref_squeeze %dma_start3A_662 : memref<1x4x128x32xf32, #tpu.memory_space<vmem>> -> memref<4x128x32xf32, #tpu.memory_space<vmem>>
      %dma_start3A_664 = arith.constant 0 : i32
      %dma_start3A_665 = arith.constant 0 : i32
      %dma_start3A_666 = tpu.memref_slice %dma_start3A_663[%dma_start3A_658, %dma_start3A_664, %dma_start3A_665] : memref<4x128x32xf32, #tpu.memory_space<vmem>> -> memref<1x128x32xf32, #tpu.memory_space<vmem>>
      %dma_start3A_667 = tpu.memref_squeeze %dma_start3A_666 : memref<1x128x32xf32, #tpu.memory_space<vmem>> -> memref<128x32xf32, #tpu.memory_space<vmem>>
      %dma_start3A_668 = arith.constant 0 : i32
      %dma_start3A_669 = tpu.memref_slice %arg8[%add3A_656, %dma_start3A_668] : memref<80x128xi32, #tpu.memory_space<vmem>> -> memref<1x128xi32, #tpu.memory_space<vmem>>
      %dma_start3A_670 = tpu.memref_squeeze %dma_start3A_669 : memref<1x128xi32, #tpu.memory_space<vmem>> -> memref<128xi32, #tpu.memory_space<vmem>>
      %dma_start3A_671 = arith.constant 0 : i32
      %dma_start3A_672 = arith.constant 0 : i32
      %dma_start3A_673 = tpu.memref_slice %arg11[%dma_start3A_671, %dma_start3A_672] : memref<10240x32xf32, #tpu.memory_space<vmem_shared>> -> memref<10240x32xf32, #tpu.memory_space<vmem_shared>>
      tpu.enqueue_indirect_dma source(%dma_start3A_667 : memref<128x32xf32, #tpu.memory_space<vmem>>) target(%dma_start3A_673 : memref<10240x32xf32, #tpu.memory_space<vmem_shared>>) offsets(%dma_start3A_670 : memref<128xi32, #tpu.memory_space<vmem>>) semaphore(%arg13 : memref<!tpu.dma_semaphore, #tpu.memory_space<semaphore_mem>>) {add = true}
    }
    %scan3A_78 = arith.constant 10 : i32
    %dma_wait3A = arith.constant 1 : i32
    %dma_wait3A_79 = arith.constant 0 : i32
    %dma_wait3A_80 = arith.constant 76 : i32
    %dma_wait3A_81 = arith.constant 0 : i32
    %dma_wait3A_82 = arith.constant 0 : i32
    %dma_wait3A_83 = arith.constant 0 : i32
    %dma_wait3A_84 = tpu.memref_slice %arg9[%dma_wait3A, %dma_wait3A_81, %dma_wait3A_82, %dma_wait3A_83] : memref<2x4x128x32xf32, #tpu.memory_space<vmem>> -> memref<1x4x128x32xf32, #tpu.memory_space<vmem>>
    %dma_wait3A_85 = tpu.memref_squeeze %dma_wait3A_84 : memref<1x4x128x32xf32, #tpu.memory_space<vmem>> -> memref<4x128x32xf32, #tpu.memory_space<vmem>>
    %dma_wait3A_86 = arith.constant 0 : i32
    %dma_wait3A_87 = arith.constant 0 : i32
    %dma_wait3A_88 = tpu.memref_slice %dma_wait3A_85[%dma_wait3A_79, %dma_wait3A_86, %dma_wait3A_87] : memref<4x128x32xf32, #tpu.memory_space<vmem>> -> memref<1x128x32xf32, #tpu.memory_space<vmem>>
    %dma_wait3A_89 = tpu.memref_squeeze %dma_wait3A_88 : memref<1x128x32xf32, #tpu.memory_space<vmem>> -> memref<128x32xf32, #tpu.memory_space<vmem>>
    %dma_wait3A_90 = arith.constant 0 : i32
    %dma_wait3A_91 = tpu.memref_slice %arg8[%dma_wait3A_80, %dma_wait3A_90] : memref<80x128xi32, #tpu.memory_space<vmem>> -> memref<1x128xi32, #tpu.memory_space<vmem>>
    %dma_wait3A_92 = tpu.memref_squeeze %dma_wait3A_91 : memref<1x128xi32, #tpu.memory_space<vmem>> -> memref<128xi32, #tpu.memory_space<vmem>>
    %dma_wait3A_93 = arith.constant 0 : i32
    %dma_wait3A_94 = arith.constant 0 : i32
    %dma_wait3A_95 = tpu.memref_slice %arg11[%dma_wait3A_93, %dma_wait3A_94] : memref<10240x32xf32, #tpu.memory_space<vmem_shared>> -> memref<10240x32xf32, #tpu.memory_space<vmem_shared>>
    tpu.wait_indirect_dma semaphore(%arg13 : memref<!tpu.dma_semaphore, #tpu.memory_space<semaphore_mem>>) src(%dma_wait3A_89 : memref<128x32xf32, #tpu.memory_space<vmem>>) dst(%dma_wait3A_95 : memref<10240x32xf32, #tpu.memory_space<vmem_shared>>)
    %dma_wait3A_96 = arith.constant 1 : i32
    %dma_wait3A_97 = arith.constant 1 : i32
    %dma_wait3A_98 = arith.constant 77 : i32
    %dma_wait3A_99 = arith.constant 0 : i32
    %dma_wait3A_100 = arith.constant 0 : i32
    %dma_wait3A_101 = arith.constant 0 : i32
    %dma_wait3A_102 = tpu.memref_slice %arg9[%dma_wait3A_96, %dma_wait3A_99, %dma_wait3A_100, %dma_wait3A_101] : memref<2x4x128x32xf32, #tpu.memory_space<vmem>> -> memref<1x4x128x32xf32, #tpu.memory_space<vmem>>
    %dma_wait3A_103 = tpu.memref_squeeze %dma_wait3A_102 : memref<1x4x128x32xf32, #tpu.memory_space<vmem>> -> memref<4x128x32xf32, #tpu.memory_space<vmem>>
    %dma_wait3A_104 = arith.constant 0 : i32
    %dma_wait3A_105 = arith.constant 0 : i32
    %dma_wait3A_106 = tpu.memref_slice %dma_wait3A_103[%dma_wait3A_97, %dma_wait3A_104, %dma_wait3A_105] : memref<4x128x32xf32, #tpu.memory_space<vmem>> -> memref<1x128x32xf32, #tpu.memory_space<vmem>>
    %dma_wait3A_107 = tpu.memref_squeeze %dma_wait3A_106 : memref<1x128x32xf32, #tpu.memory_space<vmem>> -> memref<128x32xf32, #tpu.memory_space<vmem>>
    %dma_wait3A_108 = arith.constant 0 : i32
    %dma_wait3A_109 = tpu.memref_slice %arg8[%dma_wait3A_98, %dma_wait3A_108] : memref<80x128xi32, #tpu.memory_space<vmem>> -> memref<1x128xi32, #tpu.memory_space<vmem>>
    %dma_wait3A_110 = tpu.memref_squeeze %dma_wait3A_109 : memref<1x128xi32, #tpu.memory_space<vmem>> -> memref<128xi32, #tpu.memory_space<vmem>>
    %dma_wait3A_111 = arith.constant 0 : i32
    %dma_wait3A_112 = arith.constant 0 : i32
    %dma_wait3A_113 = tpu.memref_slice %arg11[%dma_wait3A_111, %dma_wait3A_112] : memref<10240x32xf32, #tpu.memory_space<vmem_shared>> -> memref<10240x32xf32, #tpu.memory_space<vmem_shared>>
    tpu.wait_indirect_dma semaphore(%arg13 : memref<!tpu.dma_semaphore, #tpu.memory_space<semaphore_mem>>) src(%dma_wait3A_107 : memref<128x32xf32, #tpu.memory_space<vmem>>) dst(%dma_wait3A_113 : memref<10240x32xf32, #tpu.memory_space<vmem_shared>>)
    %dma_wait3A_114 = arith.constant 1 : i32
    %dma_wait3A_115 = arith.constant 2 : i32
    %dma_wait3A_116 = arith.constant 78 : i32
    %dma_wait3A_117 = arith.constant 0 : i32
    %dma_wait3A_118 = arith.constant 0 : i32
    %dma_wait3A_119 = arith.constant 0 : i32
    %dma_wait3A_120 = tpu.memref_slice %arg9[%dma_wait3A_114, %dma_wait3A_117, %dma_wait3A_118, %dma_wait3A_119] : memref<2x4x128x32xf32, #tpu.memory_space<vmem>> -> memref<1x4x128x32xf32, #tpu.memory_space<vmem>>
    %dma_wait3A_121 = tpu.memref_squeeze %dma_wait3A_120 : memref<1x4x128x32xf32, #tpu.memory_space<vmem>> -> memref<4x128x32xf32, #tpu.memory_space<vmem>>
    %dma_wait3A_122 = arith.constant 0 : i32
    %dma_wait3A_123 = arith.constant 0 : i32
    %dma_wait3A_124 = tpu.memref_slice %dma_wait3A_121[%dma_wait3A_115, %dma_wait3A_122, %dma_wait3A_123] : memref<4x128x32xf32, #tpu.memory_space<vmem>> -> memref<1x128x32xf32, #tpu.memory_space<vmem>>
    %dma_wait3A_125 = tpu.memref_squeeze %dma_wait3A_124 : memref<1x128x32xf32, #tpu.memory_space<vmem>> -> memref<128x32xf32, #tpu.memory_space<vmem>>
    %dma_wait3A_126 = arith.constant 0 : i32
    %dma_wait3A_127 = tpu.memref_slice %arg8[%dma_wait3A_116, %dma_wait3A_126] : memref<80x128xi32, #tpu.memory_space<vmem>> -> memref<1x128xi32, #tpu.memory_space<vmem>>
    %dma_wait3A_128 = tpu.memref_squeeze %dma_wait3A_127 : memref<1x128xi32, #tpu.memory_space<vmem>> -> memref<128xi32, #tpu.memory_space<vmem>>
    %dma_wait3A_129 = arith.constant 0 : i32
    %dma_wait3A_130 = arith.constant 0 : i32
    %dma_wait3A_131 = tpu.memref_slice %arg11[%dma_wait3A_129, %dma_wait3A_130] : memref<10240x32xf32, #tpu.memory_space<vmem_shared>> -> memref<10240x32xf32, #tpu.memory_space<vmem_shared>>
    tpu.wait_indirect_dma semaphore(%arg13 : memref<!tpu.dma_semaphore, #tpu.memory_space<semaphore_mem>>) src(%dma_wait3A_125 : memref<128x32xf32, #tpu.memory_space<vmem>>) dst(%dma_wait3A_131 : memref<10240x32xf32, #tpu.memory_space<vmem_shared>>)
    %dma_wait3A_132 = arith.constant 1 : i32
    %dma_wait3A_133 = arith.constant 3 : i32
    %dma_wait3A_134 = arith.constant 79 : i32
    %dma_wait3A_135 = arith.constant 0 : i32
    %dma_wait3A_136 = arith.constant 0 : i32
    %dma_wait3A_137 = arith.constant 0 : i32
    %dma_wait3A_138 = tpu.memref_slice %arg9[%dma_wait3A_132, %dma_wait3A_135, %dma_wait3A_136, %dma_wait3A_137] : memref<2x4x128x32xf32, #tpu.memory_space<vmem>> -> memref<1x4x128x32xf32, #tpu.memory_space<vmem>>
    %dma_wait3A_139 = tpu.memref_squeeze %dma_wait3A_138 : memref<1x4x128x32xf32, #tpu.memory_space<vmem>> -> memref<4x128x32xf32, #tpu.memory_space<vmem>>
    %dma_wait3A_140 = arith.constant 0 : i32
    %dma_wait3A_141 = arith.constant 0 : i32
    %dma_wait3A_142 = tpu.memref_slice %dma_wait3A_139[%dma_wait3A_133, %dma_wait3A_140, %dma_wait3A_141] : memref<4x128x32xf32, #tpu.memory_space<vmem>> -> memref<1x128x32xf32, #tpu.memory_space<vmem>>
    %dma_wait3A_143 = tpu.memref_squeeze %dma_wait3A_142 : memref<1x128x32xf32, #tpu.memory_space<vmem>> -> memref<128x32xf32, #tpu.memory_space<vmem>>
    %dma_wait3A_144 = arith.constant 0 : i32
    %dma_wait3A_145 = tpu.memref_slice %arg8[%dma_wait3A_134, %dma_wait3A_144] : memref<80x128xi32, #tpu.memory_space<vmem>> -> memref<1x128xi32, #tpu.memory_space<vmem>>
    %dma_wait3A_146 = tpu.memref_squeeze %dma_wait3A_145 : memref<1x128xi32, #tpu.memory_space<vmem>> -> memref<128xi32, #tpu.memory_space<vmem>>
    %dma_wait3A_147 = arith.constant 0 : i32
    %dma_wait3A_148 = arith.constant 0 : i32
    %dma_wait3A_149 = tpu.memref_slice %arg11[%dma_wait3A_147, %dma_wait3A_148] : memref<10240x32xf32, #tpu.memory_space<vmem_shared>> -> memref<10240x32xf32, #tpu.memory_space<vmem_shared>>
    tpu.wait_indirect_dma semaphore(%arg13 : memref<!tpu.dma_semaphore, #tpu.memory_space<semaphore_mem>>) src(%dma_wait3A_143 : memref<128x32xf32, #tpu.memory_space<vmem>>) dst(%dma_wait3A_149 : memref<10240x32xf32, #tpu.memory_space<vmem_shared>>)
    %barrier3A_150 = arith.constant 0 : index
    tpu.barrier barrier_id(%barrier3A_150)
    %mul3A_151 = arith.constant 640 : i32
    %mul3A_152 = arith.muli %arg1, %mul3A_151 : i32
    "tpu.region"() ({
      %run_scoped3A = tpu.sem_alloc : memref<!tpu.dma_semaphore, #tpu.memory_space<semaphore_mem>>
      %dma_start3A_155 = arith.constant 0 : i32
      %dma_start3A_156 = tpu.memref_slice %arg11[%mul3A_152, %dma_start3A_155] : memref<10240x32xf32, #tpu.memory_space<vmem_shared>> -> memref<640x32xf32, #tpu.memory_space<vmem_shared>>
      %dma_start3A_157 = arith.constant 0 : i32
      %dma_start3A_158 = tpu.memref_slice %arg11[%mul3A_152, %dma_start3A_157] : memref<10240x32xf32, #tpu.memory_space<vmem_shared>> -> memref<640x32xf32, #tpu.memory_space<vmem_shared>>
      tpu.enqueue_dma source(%dma_start3A_158 : memref<640x32xf32, #tpu.memory_space<vmem_shared>>) target(%arg10 : memref<640x32xf32, #tpu.memory_space<vmem>>) target_semaphore(%run_scoped3A : memref<!tpu.dma_semaphore, #tpu.memory_space<semaphore_mem>>)
      %dma_wait3A_159 = arith.constant 0 : i32
      %dma_wait3A_160 = tpu.memref_slice %arg11[%mul3A_152, %dma_wait3A_159] : memref<10240x32xf32, #tpu.memory_space<vmem_shared>> -> memref<640x32xf32, #tpu.memory_space<vmem_shared>>
      %dma_wait3A_161 = arith.constant 0 : i32
      %dma_wait3A_162 = tpu.memref_slice %arg11[%mul3A_152, %dma_wait3A_161] : memref<10240x32xf32, #tpu.memory_space<vmem_shared>> -> memref<640x32xf32, #tpu.memory_space<vmem_shared>>
      tpu.wait_dma2 semaphore(%run_scoped3A : memref<!tpu.dma_semaphore, #tpu.memory_space<semaphore_mem>>) src(%dma_wait3A_162 : memref<640x32xf32, #tpu.memory_space<vmem_shared>>) dst(%arg10 : memref<640x32xf32, #tpu.memory_space<vmem>>)
      tpu.yield
    }) : () -> ()
    %mul3A_153 = arith.constant 640 : i32
    %mul3A_154 = arith.muli %arg1, %mul3A_153 : i32
    "tpu.region"() ({
      %run_scoped3A = tpu.sem_alloc : memref<!tpu.dma_semaphore, #tpu.memory_space<semaphore_mem>>
      %dma_start3A_155 = arith.constant 0 : i32
      %dma_start3A_156 = arith.constant 0 : i32
      %dma_start3A_157 = tpu.memref_slice %arg6[%arg0, %dma_start3A_155, %dma_start3A_156] : memref<2x10240x32xf32, #tpu.memory_space<hbm>> -> memref<1x10240x32xf32, #tpu.memory_space<hbm>>
      %dma_start3A_158 = tpu.memref_squeeze %dma_start3A_157 : memref<1x10240x32xf32, #tpu.memory_space<hbm>> -> memref<10240x32xf32, #tpu.memory_space<hbm>>
      %dma_start3A_159 = arith.constant 0 : i32
      %dma_start3A_160 = tpu.memref_slice %dma_start3A_158[%mul3A_154, %dma_start3A_159] : memref<10240x32xf32, #tpu.memory_space<hbm>> -> memref<640x32xf32, #tpu.memory_space<hbm>>
      %dma_start3A_161 = arith.constant 0 : i32
      %dma_start3A_162 = arith.constant 0 : i32
      %dma_start3A_163 = tpu.memref_slice %arg6[%arg0, %dma_start3A_161, %dma_start3A_162] : memref<2x10240x32xf32, #tpu.memory_space<hbm>> -> memref<1x10240x32xf32, #tpu.memory_space<hbm>>
      %dma_start3A_164 = tpu.memref_squeeze %dma_start3A_163 : memref<1x10240x32xf32, #tpu.memory_space<hbm>> -> memref<10240x32xf32, #tpu.memory_space<hbm>>
      %dma_start3A_165 = arith.constant 0 : i32
      %dma_start3A_166 = tpu.memref_slice %dma_start3A_164[%mul3A_154, %dma_start3A_165] : memref<10240x32xf32, #tpu.memory_space<hbm>> -> memref<640x32xf32, #tpu.memory_space<hbm>>
      tpu.enqueue_dma source(%arg10 : memref<640x32xf32, #tpu.memory_space<vmem>>) target(%dma_start3A_166 : memref<640x32xf32, #tpu.memory_space<hbm>>) target_semaphore(%run_scoped3A : memref<!tpu.dma_semaphore, #tpu.memory_space<semaphore_mem>>)
      %dma_wait3A_167 = arith.constant 0 : i32
      %dma_wait3A_168 = arith.constant 0 : i32
      %dma_wait3A_169 = tpu.memref_slice %arg6[%arg0, %dma_wait3A_167, %dma_wait3A_168] : memref<2x10240x32xf32, #tpu.memory_space<hbm>> -> memref<1x10240x32xf32, #tpu.memory_space<hbm>>
      %dma_wait3A_170 = tpu.memref_squeeze %dma_wait3A_169 : memref<1x10240x32xf32, #tpu.memory_space<hbm>> -> memref<10240x32xf32, #tpu.memory_space<hbm>>
      %dma_wait3A_171 = arith.constant 0 : i32
      %dma_wait3A_172 = tpu.memref_slice %dma_wait3A_170[%mul3A_154, %dma_wait3A_171] : memref<10240x32xf32, #tpu.memory_space<hbm>> -> memref<640x32xf32, #tpu.memory_space<hbm>>
      %dma_wait3A_173 = arith.constant 0 : i32
      %dma_wait3A_174 = arith.constant 0 : i32
      %dma_wait3A_175 = tpu.memref_slice %arg6[%arg0, %dma_wait3A_173, %dma_wait3A_174] : memref<2x10240x32xf32, #tpu.memory_space<hbm>> -> memref<1x10240x32xf32, #tpu.memory_space<hbm>>
      %dma_wait3A_176 = tpu.memref_squeeze %dma_wait3A_175 : memref<1x10240x32xf32, #tpu.memory_space<hbm>> -> memref<10240x32xf32, #tpu.memory_space<hbm>>
      %dma_wait3A_177 = arith.constant 0 : i32
      %dma_wait3A_178 = tpu.memref_slice %dma_wait3A_176[%mul3A_154, %dma_wait3A_177] : memref<10240x32xf32, #tpu.memory_space<hbm>> -> memref<640x32xf32, #tpu.memory_space<hbm>>
      tpu.wait_dma2 semaphore(%run_scoped3A : memref<!tpu.dma_semaphore, #tpu.memory_space<semaphore_mem>>) src(%arg10 : memref<640x32xf32, #tpu.memory_space<vmem>>) dst(%dma_wait3A_178 : memref<640x32xf32, #tpu.memory_space<hbm>>)
      tpu.yield
    }) : () -> ()
    return
  }
}

#map = affine_map<(d0, d1) -> (0, 0)>
#map1 = affine_map<(d0, d1) -> (0, 0, 0)>
module attributes {stable_mosaic.version = 14 : i64} {
  func.func @_sc_mp_body(%arg0: i32, %arg1: i32, %arg2: memref<10240x32xf32, #tpu.memory_space<hbm>>, %arg3: memref<80x32x128xi32, #tpu.memory_space<hbm>>, %arg4: memref<80x32x128xi32, #tpu.memory_space<hbm>>, %arg5: memref<640x32xf32, #tpu.memory_space<hbm>>, %arg6: memref<2x10240x32xf32, #tpu.memory_space<hbm>>, %arg7: memref<80x128xi32, #tpu.memory_space<vmem>>, %arg8: memref<80x128xi32, #tpu.memory_space<vmem>>, %arg9: memref<2x4x128x32xf32, #tpu.memory_space<vmem>>, %arg10: memref<640x32xf32, #tpu.memory_space<vmem>>, %arg11: memref<10240x32xf32, #tpu.memory_space<vmem_shared>>, %arg12: memref<!tpu.dma_semaphore, #tpu.memory_space<semaphore_mem>>, %arg13: memref<!tpu.dma_semaphore, #tpu.memory_space<semaphore_mem>>) attributes {dimension_semantics = [#tpu.dimension_semantics<core_parallel>, #tpu.dimension_semantics<subcore_parallel>], iteration_bounds = array<i64: 2, 16>, scalar_prefetch = 0 : i64, scratch_operands = 7 : i64, tpu.core_type = #tpu.core_type<sc_vector_subcore>, window_params = [{transform_indices = #map}, {transform_indices = #map1}, {transform_indices = #map1}, {transform_indices = #map}, {transform_indices = #map1}]} {
    %mul3A = arith.constant 16 : i32
    %mul3A_0 = arith.muli %arg0, %mul3A : i32
    %add3A = arith.addi %mul3A_0, %arg1 : i32
    "tpu.region"() ({
      %run_scoped3A = tpu.sem_alloc : memref<!tpu.dma_semaphore, #tpu.memory_space<semaphore_mem>>
      tpu.enqueue_dma source(%arg5 : memref<640x32xf32, #tpu.memory_space<hbm>>) target(%arg10 : memref<640x32xf32, #tpu.memory_space<vmem>>) target_semaphore(%run_scoped3A : memref<!tpu.dma_semaphore, #tpu.memory_space<semaphore_mem>>)
      tpu.wait_dma2 semaphore(%run_scoped3A : memref<!tpu.dma_semaphore, #tpu.memory_space<semaphore_mem>>) src(%arg5 : memref<640x32xf32, #tpu.memory_space<hbm>>) dst(%arg10 : memref<640x32xf32, #tpu.memory_space<vmem>>)
      tpu.yield
    }) : () -> ()
    %mul3A_1 = arith.constant 640 : i32
    %mul3A_2 = arith.muli %arg1, %mul3A_1 : i32
    "tpu.region"() ({
      %run_scoped3A = tpu.sem_alloc : memref<!tpu.dma_semaphore, #tpu.memory_space<semaphore_mem>>
      %dma_start3A_155 = arith.constant 0 : i32
      %dma_start3A_156 = tpu.memref_slice %arg11[%mul3A_2, %dma_start3A_155] : memref<10240x32xf32, #tpu.memory_space<vmem_shared>> -> memref<640x32xf32, #tpu.memory_space<vmem_shared>>
      %dma_start3A_157 = arith.constant 0 : i32
      %dma_start3A_158 = tpu.memref_slice %arg11[%mul3A_2, %dma_start3A_157] : memref<10240x32xf32, #tpu.memory_space<vmem_shared>> -> memref<640x32xf32, #tpu.memory_space<vmem_shared>>
      tpu.enqueue_dma source(%arg10 : memref<640x32xf32, #tpu.memory_space<vmem>>) target(%dma_start3A_158 : memref<640x32xf32, #tpu.memory_space<vmem_shared>>) target_semaphore(%run_scoped3A : memref<!tpu.dma_semaphore, #tpu.memory_space<semaphore_mem>>)
      %dma_wait3A_159 = arith.constant 0 : i32
      %dma_wait3A_160 = tpu.memref_slice %arg11[%mul3A_2, %dma_wait3A_159] : memref<10240x32xf32, #tpu.memory_space<vmem_shared>> -> memref<640x32xf32, #tpu.memory_space<vmem_shared>>
      %dma_wait3A_161 = arith.constant 0 : i32
      %dma_wait3A_162 = tpu.memref_slice %arg11[%mul3A_2, %dma_wait3A_161] : memref<10240x32xf32, #tpu.memory_space<vmem_shared>> -> memref<640x32xf32, #tpu.memory_space<vmem_shared>>
      tpu.wait_dma2 semaphore(%run_scoped3A : memref<!tpu.dma_semaphore, #tpu.memory_space<semaphore_mem>>) src(%arg10 : memref<640x32xf32, #tpu.memory_space<vmem>>) dst(%dma_wait3A_162 : memref<640x32xf32, #tpu.memory_space<vmem_shared>>)
      tpu.yield
    }) : () -> ()
    "tpu.region"() ({
      %run_scoped3A = tpu.sem_alloc : memref<!tpu.dma_semaphore, #tpu.memory_space<semaphore_mem>>
      %dma_start3A_155 = arith.constant 0 : i32
      %dma_start3A_156 = arith.constant 0 : i32
      %dma_start3A_157 = tpu.memref_slice %arg3[%dma_start3A_155, %add3A, %dma_start3A_156] : memref<80x32x128xi32, #tpu.memory_space<hbm>> -> memref<80x1x128xi32, #tpu.memory_space<hbm>>
      %dma_start3A_158 = tpu.memref_squeeze %dma_start3A_157 : memref<80x1x128xi32, #tpu.memory_space<hbm>> -> memref<80x128xi32, #tpu.memory_space<hbm>>
      %dma_start3A_159 = arith.constant 0 : i32
      %dma_start3A_160 = arith.constant 0 : i32
      %dma_start3A_161 = tpu.memref_slice %arg3[%dma_start3A_159, %add3A, %dma_start3A_160] : memref<80x32x128xi32, #tpu.memory_space<hbm>> -> memref<80x1x128xi32, #tpu.memory_space<hbm>>
      %dma_start3A_162 = tpu.memref_squeeze %dma_start3A_161 : memref<80x1x128xi32, #tpu.memory_space<hbm>> -> memref<80x128xi32, #tpu.memory_space<hbm>>
      tpu.enqueue_dma source(%dma_start3A_162 : memref<80x128xi32, #tpu.memory_space<hbm>>) target(%arg7 : memref<80x128xi32, #tpu.memory_space<vmem>>) target_semaphore(%run_scoped3A : memref<!tpu.dma_semaphore, #tpu.memory_space<semaphore_mem>>)
      %dma_wait3A_163 = arith.constant 0 : i32
      %dma_wait3A_164 = arith.constant 0 : i32
      %dma_wait3A_165 = tpu.memref_slice %arg3[%dma_wait3A_163, %add3A, %dma_wait3A_164] : memref<80x32x128xi32, #tpu.memory_space<hbm>> -> memref<80x1x128xi32, #tpu.memory_space<hbm>>
      %dma_wait3A_166 = tpu.memref_squeeze %dma_wait3A_165 : memref<80x1x128xi32, #tpu.memory_space<hbm>> -> memref<80x128xi32, #tpu.memory_space<hbm>>
      %dma_wait3A_167 = arith.constant 0 : i32
      %dma_wait3A_168 = arith.constant 0 : i32
      %dma_wait3A_169 = tpu.memref_slice %arg3[%dma_wait3A_167, %add3A, %dma_wait3A_168] : memref<80x32x128xi32, #tpu.memory_space<hbm>> -> memref<80x1x128xi32, #tpu.memory_space<hbm>>
      %dma_wait3A_170 = tpu.memref_squeeze %dma_wait3A_169 : memref<80x1x128xi32, #tpu.memory_space<hbm>> -> memref<80x128xi32, #tpu.memory_space<hbm>>
      tpu.wait_dma2 semaphore(%run_scoped3A : memref<!tpu.dma_semaphore, #tpu.memory_space<semaphore_mem>>) src(%dma_wait3A_170 : memref<80x128xi32, #tpu.memory_space<hbm>>) dst(%arg7 : memref<80x128xi32, #tpu.memory_space<vmem>>)
      tpu.yield
    }) : () -> ()
    "tpu.region"() ({
      %run_scoped3A = tpu.sem_alloc : memref<!tpu.dma_semaphore, #tpu.memory_space<semaphore_mem>>
      %dma_start3A_155 = arith.constant 0 : i32
      %dma_start3A_156 = arith.constant 0 : i32
      %dma_start3A_157 = tpu.memref_slice %arg4[%dma_start3A_155, %add3A, %dma_start3A_156] : memref<80x32x128xi32, #tpu.memory_space<hbm>> -> memref<80x1x128xi32, #tpu.memory_space<hbm>>
      %dma_start3A_158 = tpu.memref_squeeze %dma_start3A_157 : memref<80x1x128xi32, #tpu.memory_space<hbm>> -> memref<80x128xi32, #tpu.memory_space<hbm>>
      %dma_start3A_159 = arith.constant 0 : i32
      %dma_start3A_160 = arith.constant 0 : i32
      %dma_start3A_161 = tpu.memref_slice %arg4[%dma_start3A_159, %add3A, %dma_start3A_160] : memref<80x32x128xi32, #tpu.memory_space<hbm>> -> memref<80x1x128xi32, #tpu.memory_space<hbm>>
      %dma_start3A_162 = tpu.memref_squeeze %dma_start3A_161 : memref<80x1x128xi32, #tpu.memory_space<hbm>> -> memref<80x128xi32, #tpu.memory_space<hbm>>
      tpu.enqueue_dma source(%dma_start3A_162 : memref<80x128xi32, #tpu.memory_space<hbm>>) target(%arg8 : memref<80x128xi32, #tpu.memory_space<vmem>>) target_semaphore(%run_scoped3A : memref<!tpu.dma_semaphore, #tpu.memory_space<semaphore_mem>>)
      %dma_wait3A_163 = arith.constant 0 : i32
      %dma_wait3A_164 = arith.constant 0 : i32
      %dma_wait3A_165 = tpu.memref_slice %arg4[%dma_wait3A_163, %add3A, %dma_wait3A_164] : memref<80x32x128xi32, #tpu.memory_space<hbm>> -> memref<80x1x128xi32, #tpu.memory_space<hbm>>
      %dma_wait3A_166 = tpu.memref_squeeze %dma_wait3A_165 : memref<80x1x128xi32, #tpu.memory_space<hbm>> -> memref<80x128xi32, #tpu.memory_space<hbm>>
      %dma_wait3A_167 = arith.constant 0 : i32
      %dma_wait3A_168 = arith.constant 0 : i32
      %dma_wait3A_169 = tpu.memref_slice %arg4[%dma_wait3A_167, %add3A, %dma_wait3A_168] : memref<80x32x128xi32, #tpu.memory_space<hbm>> -> memref<80x1x128xi32, #tpu.memory_space<hbm>>
      %dma_wait3A_170 = tpu.memref_squeeze %dma_wait3A_169 : memref<80x1x128xi32, #tpu.memory_space<hbm>> -> memref<80x128xi32, #tpu.memory_space<hbm>>
      tpu.wait_dma2 semaphore(%run_scoped3A : memref<!tpu.dma_semaphore, #tpu.memory_space<semaphore_mem>>) src(%dma_wait3A_170 : memref<80x128xi32, #tpu.memory_space<hbm>>) dst(%arg8 : memref<80x128xi32, #tpu.memory_space<vmem>>)
      tpu.yield
    }) : () -> ()
    %barrier3A = arith.constant 0 : index
    tpu.barrier barrier_id(%barrier3A)
    %dma_start3A = arith.constant 0 : i32
    %dma_start3A_3 = arith.constant 0 : i32
    %dma_start3A_4 = arith.constant 0 : i32
    %dma_start3A_5 = arith.constant 0 : i32
    %dma_start3A_6 = arith.constant 0 : i32
    %dma_start3A_7 = arith.constant 0 : i32
    %dma_start3A_8 = tpu.memref_slice %arg9[%dma_start3A_3, %dma_start3A_5, %dma_start3A_6, %dma_start3A_7] : memref<2x4x128x32xf32, #tpu.memory_space<vmem>> -> memref<1x4x128x32xf32, #tpu.memory_space<vmem>>
    %dma_start3A_9 = tpu.memref_squeeze %dma_start3A_8 : memref<1x4x128x32xf32, #tpu.memory_space<vmem>> -> memref<4x128x32xf32, #tpu.memory_space<vmem>>
    %dma_start3A_10 = arith.constant 0 : i32
    %dma_start3A_11 = arith.constant 0 : i32
    %dma_start3A_12 = tpu.memref_slice %dma_start3A_9[%dma_start3A_4, %dma_start3A_10, %dma_start3A_11] : memref<4x128x32xf32, #tpu.memory_space<vmem>> -> memref<1x128x32xf32, #tpu.memory_space<vmem>>
    %dma_start3A_13 = tpu.memref_squeeze %dma_start3A_12 : memref<1x128x32xf32, #tpu.memory_space<vmem>> -> memref<128x32xf32, #tpu.memory_space<vmem>>
    %dma_start3A_14 = arith.constant 0 : i32
    %dma_start3A_15 = tpu.memref_slice %arg7[%dma_start3A, %dma_start3A_14] : memref<80x128xi32, #tpu.memory_space<vmem>> -> memref<1x128xi32, #tpu.memory_space<vmem>>
    %dma_start3A_16 = tpu.memref_squeeze %dma_start3A_15 : memref<1x128xi32, #tpu.memory_space<vmem>> -> memref<128xi32, #tpu.memory_space<vmem>>
    %dma_start3A_17 = arith.constant 0 : i32
    %dma_start3A_18 = arith.constant 0 : i32
    %dma_start3A_19 = tpu.memref_slice %arg2[%dma_start3A_17, %dma_start3A_18] : memref<10240x32xf32, #tpu.memory_space<hbm>> -> memref<10240x32xf32, #tpu.memory_space<hbm>>
    tpu.enqueue_indirect_dma source(%dma_start3A_19 : memref<10240x32xf32, #tpu.memory_space<hbm>>) target(%dma_start3A_13 : memref<128x32xf32, #tpu.memory_space<vmem>>) offsets(%dma_start3A_16 : memref<128xi32, #tpu.memory_space<vmem>>) semaphore(%arg12 : memref<!tpu.dma_semaphore, #tpu.memory_space<semaphore_mem>>)
    %dma_start3A_20 = arith.constant 1 : i32
    %dma_start3A_21 = arith.constant 0 : i32
    %dma_start3A_22 = arith.constant 1 : i32
    %dma_start3A_23 = arith.constant 0 : i32
    %dma_start3A_24 = arith.constant 0 : i32
    %dma_start3A_25 = arith.constant 0 : i32
    %dma_start3A_26 = tpu.memref_slice %arg9[%dma_start3A_21, %dma_start3A_23, %dma_start3A_24, %dma_start3A_25] : memref<2x4x128x32xf32, #tpu.memory_space<vmem>> -> memref<1x4x128x32xf32, #tpu.memory_space<vmem>>
    %dma_start3A_27 = tpu.memref_squeeze %dma_start3A_26 : memref<1x4x128x32xf32, #tpu.memory_space<vmem>> -> memref<4x128x32xf32, #tpu.memory_space<vmem>>
    %dma_start3A_28 = arith.constant 0 : i32
    %dma_start3A_29 = arith.constant 0 : i32
    %dma_start3A_30 = tpu.memref_slice %dma_start3A_27[%dma_start3A_22, %dma_start3A_28, %dma_start3A_29] : memref<4x128x32xf32, #tpu.memory_space<vmem>> -> memref<1x128x32xf32, #tpu.memory_space<vmem>>
    %dma_start3A_31 = tpu.memref_squeeze %dma_start3A_30 : memref<1x128x32xf32, #tpu.memory_space<vmem>> -> memref<128x32xf32, #tpu.memory_space<vmem>>
    %dma_start3A_32 = arith.constant 0 : i32
    %dma_start3A_33 = tpu.memref_slice %arg7[%dma_start3A_20, %dma_start3A_32] : memref<80x128xi32, #tpu.memory_space<vmem>> -> memref<1x128xi32, #tpu.memory_space<vmem>>
    %dma_start3A_34 = tpu.memref_squeeze %dma_start3A_33 : memref<1x128xi32, #tpu.memory_space<vmem>> -> memref<128xi32, #tpu.memory_space<vmem>>
    %dma_start3A_35 = arith.constant 0 : i32
    %dma_start3A_36 = arith.constant 0 : i32
    %dma_start3A_37 = tpu.memref_slice %arg2[%dma_start3A_35, %dma_start3A_36] : memref<10240x32xf32, #tpu.memory_space<hbm>> -> memref<10240x32xf32, #tpu.memory_space<hbm>>
    tpu.enqueue_indirect_dma source(%dma_start3A_37 : memref<10240x32xf32, #tpu.memory_space<hbm>>) target(%dma_start3A_31 : memref<128x32xf32, #tpu.memory_space<vmem>>) offsets(%dma_start3A_34 : memref<128xi32, #tpu.memory_space<vmem>>) semaphore(%arg12 : memref<!tpu.dma_semaphore, #tpu.memory_space<semaphore_mem>>)
    %dma_start3A_38 = arith.constant 2 : i32
    %dma_start3A_39 = arith.constant 0 : i32
    %dma_start3A_40 = arith.constant 2 : i32
    %dma_start3A_41 = arith.constant 0 : i32
    %dma_start3A_42 = arith.constant 0 : i32
    %dma_start3A_43 = arith.constant 0 : i32
    %dma_start3A_44 = tpu.memref_slice %arg9[%dma_start3A_39, %dma_start3A_41, %dma_start3A_42, %dma_start3A_43] : memref<2x4x128x32xf32, #tpu.memory_space<vmem>> -> memref<1x4x128x32xf32, #tpu.memory_space<vmem>>
    %dma_start3A_45 = tpu.memref_squeeze %dma_start3A_44 : memref<1x4x128x32xf32, #tpu.memory_space<vmem>> -> memref<4x128x32xf32, #tpu.memory_space<vmem>>
    %dma_start3A_46 = arith.constant 0 : i32
    %dma_start3A_47 = arith.constant 0 : i32
    %dma_start3A_48 = tpu.memref_slice %dma_start3A_45[%dma_start3A_40, %dma_start3A_46, %dma_start3A_47] : memref<4x128x32xf32, #tpu.memory_space<vmem>> -> memref<1x128x32xf32, #tpu.memory_space<vmem>>
    %dma_start3A_49 = tpu.memref_squeeze %dma_start3A_48 : memref<1x128x32xf32, #tpu.memory_space<vmem>> -> memref<128x32xf32, #tpu.memory_space<vmem>>
    %dma_start3A_50 = arith.constant 0 : i32
    %dma_start3A_51 = tpu.memref_slice %arg7[%dma_start3A_38, %dma_start3A_50] : memref<80x128xi32, #tpu.memory_space<vmem>> -> memref<1x128xi32, #tpu.memory_space<vmem>>
    %dma_start3A_52 = tpu.memref_squeeze %dma_start3A_51 : memref<1x128xi32, #tpu.memory_space<vmem>> -> memref<128xi32, #tpu.memory_space<vmem>>
    %dma_start3A_53 = arith.constant 0 : i32
    %dma_start3A_54 = arith.constant 0 : i32
    %dma_start3A_55 = tpu.memref_slice %arg2[%dma_start3A_53, %dma_start3A_54] : memref<10240x32xf32, #tpu.memory_space<hbm>> -> memref<10240x32xf32, #tpu.memory_space<hbm>>
    tpu.enqueue_indirect_dma source(%dma_start3A_55 : memref<10240x32xf32, #tpu.memory_space<hbm>>) target(%dma_start3A_49 : memref<128x32xf32, #tpu.memory_space<vmem>>) offsets(%dma_start3A_52 : memref<128xi32, #tpu.memory_space<vmem>>) semaphore(%arg12 : memref<!tpu.dma_semaphore, #tpu.memory_space<semaphore_mem>>)
    %dma_start3A_56 = arith.constant 3 : i32
    %dma_start3A_57 = arith.constant 0 : i32
    %dma_start3A_58 = arith.constant 3 : i32
    %dma_start3A_59 = arith.constant 0 : i32
    %dma_start3A_60 = arith.constant 0 : i32
    %dma_start3A_61 = arith.constant 0 : i32
    %dma_start3A_62 = tpu.memref_slice %arg9[%dma_start3A_57, %dma_start3A_59, %dma_start3A_60, %dma_start3A_61] : memref<2x4x128x32xf32, #tpu.memory_space<vmem>> -> memref<1x4x128x32xf32, #tpu.memory_space<vmem>>
    %dma_start3A_63 = tpu.memref_squeeze %dma_start3A_62 : memref<1x4x128x32xf32, #tpu.memory_space<vmem>> -> memref<4x128x32xf32, #tpu.memory_space<vmem>>
    %dma_start3A_64 = arith.constant 0 : i32
    %dma_start3A_65 = arith.constant 0 : i32
    %dma_start3A_66 = tpu.memref_slice %dma_start3A_63[%dma_start3A_58, %dma_start3A_64, %dma_start3A_65] : memref<4x128x32xf32, #tpu.memory_space<vmem>> -> memref<1x128x32xf32, #tpu.memory_space<vmem>>
    %dma_start3A_67 = tpu.memref_squeeze %dma_start3A_66 : memref<1x128x32xf32, #tpu.memory_space<vmem>> -> memref<128x32xf32, #tpu.memory_space<vmem>>
    %dma_start3A_68 = arith.constant 0 : i32
    %dma_start3A_69 = tpu.memref_slice %arg7[%dma_start3A_56, %dma_start3A_68] : memref<80x128xi32, #tpu.memory_space<vmem>> -> memref<1x128xi32, #tpu.memory_space<vmem>>
    %dma_start3A_70 = tpu.memref_squeeze %dma_start3A_69 : memref<1x128xi32, #tpu.memory_space<vmem>> -> memref<128xi32, #tpu.memory_space<vmem>>
    %dma_start3A_71 = arith.constant 0 : i32
    %dma_start3A_72 = arith.constant 0 : i32
    %dma_start3A_73 = tpu.memref_slice %arg2[%dma_start3A_71, %dma_start3A_72] : memref<10240x32xf32, #tpu.memory_space<hbm>> -> memref<10240x32xf32, #tpu.memory_space<hbm>>
    tpu.enqueue_indirect_dma source(%dma_start3A_73 : memref<10240x32xf32, #tpu.memory_space<hbm>>) target(%dma_start3A_67 : memref<128x32xf32, #tpu.memory_space<vmem>>) offsets(%dma_start3A_70 : memref<128xi32, #tpu.memory_space<vmem>>) semaphore(%arg12 : memref<!tpu.dma_semaphore, #tpu.memory_space<semaphore_mem>>)
    %scan3A = arith.constant 0 : i32
    %scan3A_74 = arith.constant 0 : i32
    %scan3A_75 = arith.constant 10 : i32
    %scan3A_76 = arith.addi %scan3A_74, %scan3A_75 : i32
    %scan3A_77 = arith.constant 1 : i32
    scf.for %scan3A_155 = %scan3A_74 to %scan3A_76 step %scan3A_77  : i32 {
      %mul3A_156 = arith.constant 2 : i32
      %mul3A_157 = arith.muli %mul3A_156, %scan3A_155 : i32
      %gt3A = arith.constant 0 : i32
      %gt3A_158 = arith.cmpi sgt, %scan3A_155, %gt3A : i32
      %convert_element_type3A = arith.extui %gt3A_158 : i1 to i32
      %cond3A = arith.constant 0 : i32
      %cond3A_159 = arith.cmpi ne, %convert_element_type3A, %cond3A : i32
      scf.if %cond3A_159 {
        %sub3A = arith.constant 1 : i32
        %sub3A_674 = arith.subi %mul3A_157, %sub3A : i32
        %mul3A_675 = arith.constant 4 : i32
        %mul3A_676 = arith.muli %sub3A_674, %mul3A_675 : i32
        %add3A_677 = arith.constant 0 : i32
        %add3A_678 = arith.addi %mul3A_676, %add3A_677 : i32
        %dma_wait3A_679 = arith.constant 1 : i32
        %dma_wait3A_680 = arith.constant 0 : i32
        %dma_wait3A_681 = arith.constant 0 : i32
        %dma_wait3A_682 = arith.constant 0 : i32
        %dma_wait3A_683 = arith.constant 0 : i32
        %dma_wait3A_684 = tpu.memref_slice %arg9[%dma_wait3A_679, %dma_wait3A_681, %dma_wait3A_682, %dma_wait3A_683] : memref<2x4x128x32xf32, #tpu.memory_space<vmem>> -> memref<1x4x128x32xf32, #tpu.memory_space<vmem>>
        %dma_wait3A_685 = tpu.memref_squeeze %dma_wait3A_684 : memref<1x4x128x32xf32, #tpu.memory_space<vmem>> -> memref<4x128x32xf32, #tpu.memory_space<vmem>>
        %dma_wait3A_686 = arith.constant 0 : i32
        %dma_wait3A_687 = arith.constant 0 : i32
        %dma_wait3A_688 = tpu.memref_slice %dma_wait3A_685[%dma_wait3A_680, %dma_wait3A_686, %dma_wait3A_687] : memref<4x128x32xf32, #tpu.memory_space<vmem>> -> memref<1x128x32xf32, #tpu.memory_space<vmem>>
        %dma_wait3A_689 = tpu.memref_squeeze %dma_wait3A_688 : memref<1x128x32xf32, #tpu.memory_space<vmem>> -> memref<128x32xf32, #tpu.memory_space<vmem>>
        %dma_wait3A_690 = arith.constant 0 : i32
        %dma_wait3A_691 = tpu.memref_slice %arg8[%add3A_678, %dma_wait3A_690] : memref<80x128xi32, #tpu.memory_space<vmem>> -> memref<1x128xi32, #tpu.memory_space<vmem>>
        %dma_wait3A_692 = tpu.memref_squeeze %dma_wait3A_691 : memref<1x128xi32, #tpu.memory_space<vmem>> -> memref<128xi32, #tpu.memory_space<vmem>>
        %dma_wait3A_693 = arith.constant 0 : i32
        %dma_wait3A_694 = arith.constant 0 : i32
        %dma_wait3A_695 = tpu.memref_slice %arg11[%dma_wait3A_693, %dma_wait3A_694] : memref<10240x32xf32, #tpu.memory_space<vmem_shared>> -> memref<10240x32xf32, #tpu.memory_space<vmem_shared>>
        tpu.wait_indirect_dma semaphore(%arg13 : memref<!tpu.dma_semaphore, #tpu.memory_space<semaphore_mem>>) src(%dma_wait3A_689 : memref<128x32xf32, #tpu.memory_space<vmem>>) dst(%dma_wait3A_695 : memref<10240x32xf32, #tpu.memory_space<vmem_shared>>)
        %mul3A_696 = arith.constant 4 : i32
        %mul3A_697 = arith.muli %sub3A_674, %mul3A_696 : i32
        %add3A_698 = arith.constant 1 : i32
        %add3A_699 = arith.addi %mul3A_697, %add3A_698 : i32
        %dma_wait3A_700 = arith.constant 1 : i32
        %dma_wait3A_701 = arith.constant 1 : i32
        %dma_wait3A_702 = arith.constant 0 : i32
        %dma_wait3A_703 = arith.constant 0 : i32
        %dma_wait3A_704 = arith.constant 0 : i32
        %dma_wait3A_705 = tpu.memref_slice %arg9[%dma_wait3A_700, %dma_wait3A_702, %dma_wait3A_703, %dma_wait3A_704] : memref<2x4x128x32xf32, #tpu.memory_space<vmem>> -> memref<1x4x128x32xf32, #tpu.memory_space<vmem>>
        %dma_wait3A_706 = tpu.memref_squeeze %dma_wait3A_705 : memref<1x4x128x32xf32, #tpu.memory_space<vmem>> -> memref<4x128x32xf32, #tpu.memory_space<vmem>>
        %dma_wait3A_707 = arith.constant 0 : i32
        %dma_wait3A_708 = arith.constant 0 : i32
        %dma_wait3A_709 = tpu.memref_slice %dma_wait3A_706[%dma_wait3A_701, %dma_wait3A_707, %dma_wait3A_708] : memref<4x128x32xf32, #tpu.memory_space<vmem>> -> memref<1x128x32xf32, #tpu.memory_space<vmem>>
        %dma_wait3A_710 = tpu.memref_squeeze %dma_wait3A_709 : memref<1x128x32xf32, #tpu.memory_space<vmem>> -> memref<128x32xf32, #tpu.memory_space<vmem>>
        %dma_wait3A_711 = arith.constant 0 : i32
        %dma_wait3A_712 = tpu.memref_slice %arg8[%add3A_699, %dma_wait3A_711] : memref<80x128xi32, #tpu.memory_space<vmem>> -> memref<1x128xi32, #tpu.memory_space<vmem>>
        %dma_wait3A_713 = tpu.memref_squeeze %dma_wait3A_712 : memref<1x128xi32, #tpu.memory_space<vmem>> -> memref<128xi32, #tpu.memory_space<vmem>>
        %dma_wait3A_714 = arith.constant 0 : i32
        %dma_wait3A_715 = arith.constant 0 : i32
        %dma_wait3A_716 = tpu.memref_slice %arg11[%dma_wait3A_714, %dma_wait3A_715] : memref<10240x32xf32, #tpu.memory_space<vmem_shared>> -> memref<10240x32xf32, #tpu.memory_space<vmem_shared>>
        tpu.wait_indirect_dma semaphore(%arg13 : memref<!tpu.dma_semaphore, #tpu.memory_space<semaphore_mem>>) src(%dma_wait3A_710 : memref<128x32xf32, #tpu.memory_space<vmem>>) dst(%dma_wait3A_716 : memref<10240x32xf32, #tpu.memory_space<vmem_shared>>)
        %mul3A_717 = arith.constant 4 : i32
        %mul3A_718 = arith.muli %sub3A_674, %mul3A_717 : i32
        %add3A_719 = arith.constant 2 : i32
        %add3A_720 = arith.addi %mul3A_718, %add3A_719 : i32
        %dma_wait3A_721 = arith.constant 1 : i32
        %dma_wait3A_722 = arith.constant 2 : i32
        %dma_wait3A_723 = arith.constant 0 : i32
        %dma_wait3A_724 = arith.constant 0 : i32
        %dma_wait3A_725 = arith.constant 0 : i32
        %dma_wait3A_726 = tpu.memref_slice %arg9[%dma_wait3A_721, %dma_wait3A_723, %dma_wait3A_724, %dma_wait3A_725] : memref<2x4x128x32xf32, #tpu.memory_space<vmem>> -> memref<1x4x128x32xf32, #tpu.memory_space<vmem>>
        %dma_wait3A_727 = tpu.memref_squeeze %dma_wait3A_726 : memref<1x4x128x32xf32, #tpu.memory_space<vmem>> -> memref<4x128x32xf32, #tpu.memory_space<vmem>>
        %dma_wait3A_728 = arith.constant 0 : i32
        %dma_wait3A_729 = arith.constant 0 : i32
        %dma_wait3A_730 = tpu.memref_slice %dma_wait3A_727[%dma_wait3A_722, %dma_wait3A_728, %dma_wait3A_729] : memref<4x128x32xf32, #tpu.memory_space<vmem>> -> memref<1x128x32xf32, #tpu.memory_space<vmem>>
        %dma_wait3A_731 = tpu.memref_squeeze %dma_wait3A_730 : memref<1x128x32xf32, #tpu.memory_space<vmem>> -> memref<128x32xf32, #tpu.memory_space<vmem>>
        %dma_wait3A_732 = arith.constant 0 : i32
        %dma_wait3A_733 = tpu.memref_slice %arg8[%add3A_720, %dma_wait3A_732] : memref<80x128xi32, #tpu.memory_space<vmem>> -> memref<1x128xi32, #tpu.memory_space<vmem>>
        %dma_wait3A_734 = tpu.memref_squeeze %dma_wait3A_733 : memref<1x128xi32, #tpu.memory_space<vmem>> -> memref<128xi32, #tpu.memory_space<vmem>>
        %dma_wait3A_735 = arith.constant 0 : i32
        %dma_wait3A_736 = arith.constant 0 : i32
        %dma_wait3A_737 = tpu.memref_slice %arg11[%dma_wait3A_735, %dma_wait3A_736] : memref<10240x32xf32, #tpu.memory_space<vmem_shared>> -> memref<10240x32xf32, #tpu.memory_space<vmem_shared>>
        tpu.wait_indirect_dma semaphore(%arg13 : memref<!tpu.dma_semaphore, #tpu.memory_space<semaphore_mem>>) src(%dma_wait3A_731 : memref<128x32xf32, #tpu.memory_space<vmem>>) dst(%dma_wait3A_737 : memref<10240x32xf32, #tpu.memory_space<vmem_shared>>)
        %mul3A_738 = arith.constant 4 : i32
        %mul3A_739 = arith.muli %sub3A_674, %mul3A_738 : i32
        %add3A_740 = arith.constant 3 : i32
        %add3A_741 = arith.addi %mul3A_739, %add3A_740 : i32
        %dma_wait3A_742 = arith.constant 1 : i32
        %dma_wait3A_743 = arith.constant 3 : i32
        %dma_wait3A_744 = arith.constant 0 : i32
        %dma_wait3A_745 = arith.constant 0 : i32
        %dma_wait3A_746 = arith.constant 0 : i32
        %dma_wait3A_747 = tpu.memref_slice %arg9[%dma_wait3A_742, %dma_wait3A_744, %dma_wait3A_745, %dma_wait3A_746] : memref<2x4x128x32xf32, #tpu.memory_space<vmem>> -> memref<1x4x128x32xf32, #tpu.memory_space<vmem>>
        %dma_wait3A_748 = tpu.memref_squeeze %dma_wait3A_747 : memref<1x4x128x32xf32, #tpu.memory_space<vmem>> -> memref<4x128x32xf32, #tpu.memory_space<vmem>>
        %dma_wait3A_749 = arith.constant 0 : i32
        %dma_wait3A_750 = arith.constant 0 : i32
        %dma_wait3A_751 = tpu.memref_slice %dma_wait3A_748[%dma_wait3A_743, %dma_wait3A_749, %dma_wait3A_750] : memref<4x128x32xf32, #tpu.memory_space<vmem>> -> memref<1x128x32xf32, #tpu.memory_space<vmem>>
        %dma_wait3A_752 = tpu.memref_squeeze %dma_wait3A_751 : memref<1x128x32xf32, #tpu.memory_space<vmem>> -> memref<128x32xf32, #tpu.memory_space<vmem>>
        %dma_wait3A_753 = arith.constant 0 : i32
        %dma_wait3A_754 = tpu.memref_slice %arg8[%add3A_741, %dma_wait3A_753] : memref<80x128xi32, #tpu.memory_space<vmem>> -> memref<1x128xi32, #tpu.memory_space<vmem>>
        %dma_wait3A_755 = tpu.memref_squeeze %dma_wait3A_754 : memref<1x128xi32, #tpu.memory_space<vmem>> -> memref<128xi32, #tpu.memory_space<vmem>>
        %dma_wait3A_756 = arith.constant 0 : i32
        %dma_wait3A_757 = arith.constant 0 : i32
        %dma_wait3A_758 = tpu.memref_slice %arg11[%dma_wait3A_756, %dma_wait3A_757] : memref<10240x32xf32, #tpu.memory_space<vmem_shared>> -> memref<10240x32xf32, #tpu.memory_space<vmem_shared>>
        tpu.wait_indirect_dma semaphore(%arg13 : memref<!tpu.dma_semaphore, #tpu.memory_space<semaphore_mem>>) src(%dma_wait3A_752 : memref<128x32xf32, #tpu.memory_space<vmem>>) dst(%dma_wait3A_758 : memref<10240x32xf32, #tpu.memory_space<vmem_shared>>)
      } else {
      }
      %add3A_160 = arith.constant 1 : i32
      %add3A_161 = arith.addi %mul3A_157, %add3A_160 : i32
      %mul3A_162 = arith.constant 4 : i32
      %mul3A_163 = arith.muli %add3A_161, %mul3A_162 : i32
      %add3A_164 = arith.constant 0 : i32
      %add3A_165 = arith.addi %mul3A_163, %add3A_164 : i32
      %dma_start3A_166 = arith.constant 1 : i32
      %dma_start3A_167 = arith.constant 0 : i32
      %dma_start3A_168 = arith.constant 0 : i32
      %dma_start3A_169 = arith.constant 0 : i32
      %dma_start3A_170 = arith.constant 0 : i32
      %dma_start3A_171 = tpu.memref_slice %arg9[%dma_start3A_166, %dma_start3A_168, %dma_start3A_169, %dma_start3A_170] : memref<2x4x128x32xf32, #tpu.memory_space<vmem>> -> memref<1x4x128x32xf32, #tpu.memory_space<vmem>>
      %dma_start3A_172 = tpu.memref_squeeze %dma_start3A_171 : memref<1x4x128x32xf32, #tpu.memory_space<vmem>> -> memref<4x128x32xf32, #tpu.memory_space<vmem>>
      %dma_start3A_173 = arith.constant 0 : i32
      %dma_start3A_174 = arith.constant 0 : i32
      %dma_start3A_175 = tpu.memref_slice %dma_start3A_172[%dma_start3A_167, %dma_start3A_173, %dma_start3A_174] : memref<4x128x32xf32, #tpu.memory_space<vmem>> -> memref<1x128x32xf32, #tpu.memory_space<vmem>>
      %dma_start3A_176 = tpu.memref_squeeze %dma_start3A_175 : memref<1x128x32xf32, #tpu.memory_space<vmem>> -> memref<128x32xf32, #tpu.memory_space<vmem>>
      %dma_start3A_177 = arith.constant 0 : i32
      %dma_start3A_178 = tpu.memref_slice %arg7[%add3A_165, %dma_start3A_177] : memref<80x128xi32, #tpu.memory_space<vmem>> -> memref<1x128xi32, #tpu.memory_space<vmem>>
      %dma_start3A_179 = tpu.memref_squeeze %dma_start3A_178 : memref<1x128xi32, #tpu.memory_space<vmem>> -> memref<128xi32, #tpu.memory_space<vmem>>
      %dma_start3A_180 = arith.constant 0 : i32
      %dma_start3A_181 = arith.constant 0 : i32
      %dma_start3A_182 = tpu.memref_slice %arg2[%dma_start3A_180, %dma_start3A_181] : memref<10240x32xf32, #tpu.memory_space<hbm>> -> memref<10240x32xf32, #tpu.memory_space<hbm>>
      tpu.enqueue_indirect_dma source(%dma_start3A_182 : memref<10240x32xf32, #tpu.memory_space<hbm>>) target(%dma_start3A_176 : memref<128x32xf32, #tpu.memory_space<vmem>>) offsets(%dma_start3A_179 : memref<128xi32, #tpu.memory_space<vmem>>) semaphore(%arg12 : memref<!tpu.dma_semaphore, #tpu.memory_space<semaphore_mem>>)
      %mul3A_183 = arith.constant 4 : i32
      %mul3A_184 = arith.muli %add3A_161, %mul3A_183 : i32
      %add3A_185 = arith.constant 1 : i32
      %add3A_186 = arith.addi %mul3A_184, %add3A_185 : i32
      %dma_start3A_187 = arith.constant 1 : i32
      %dma_start3A_188 = arith.constant 1 : i32
      %dma_start3A_189 = arith.constant 0 : i32
      %dma_start3A_190 = arith.constant 0 : i32
      %dma_start3A_191 = arith.constant 0 : i32
      %dma_start3A_192 = tpu.memref_slice %arg9[%dma_start3A_187, %dma_start3A_189, %dma_start3A_190, %dma_start3A_191] : memref<2x4x128x32xf32, #tpu.memory_space<vmem>> -> memref<1x4x128x32xf32, #tpu.memory_space<vmem>>
      %dma_start3A_193 = tpu.memref_squeeze %dma_start3A_192 : memref<1x4x128x32xf32, #tpu.memory_space<vmem>> -> memref<4x128x32xf32, #tpu.memory_space<vmem>>
      %dma_start3A_194 = arith.constant 0 : i32
      %dma_start3A_195 = arith.constant 0 : i32
      %dma_start3A_196 = tpu.memref_slice %dma_start3A_193[%dma_start3A_188, %dma_start3A_194, %dma_start3A_195] : memref<4x128x32xf32, #tpu.memory_space<vmem>> -> memref<1x128x32xf32, #tpu.memory_space<vmem>>
      %dma_start3A_197 = tpu.memref_squeeze %dma_start3A_196 : memref<1x128x32xf32, #tpu.memory_space<vmem>> -> memref<128x32xf32, #tpu.memory_space<vmem>>
      %dma_start3A_198 = arith.constant 0 : i32
      %dma_start3A_199 = tpu.memref_slice %arg7[%add3A_186, %dma_start3A_198] : memref<80x128xi32, #tpu.memory_space<vmem>> -> memref<1x128xi32, #tpu.memory_space<vmem>>
      %dma_start3A_200 = tpu.memref_squeeze %dma_start3A_199 : memref<1x128xi32, #tpu.memory_space<vmem>> -> memref<128xi32, #tpu.memory_space<vmem>>
      %dma_start3A_201 = arith.constant 0 : i32
      %dma_start3A_202 = arith.constant 0 : i32
      %dma_start3A_203 = tpu.memref_slice %arg2[%dma_start3A_201, %dma_start3A_202] : memref<10240x32xf32, #tpu.memory_space<hbm>> -> memref<10240x32xf32, #tpu.memory_space<hbm>>
      tpu.enqueue_indirect_dma source(%dma_start3A_203 : memref<10240x32xf32, #tpu.memory_space<hbm>>) target(%dma_start3A_197 : memref<128x32xf32, #tpu.memory_space<vmem>>) offsets(%dma_start3A_200 : memref<128xi32, #tpu.memory_space<vmem>>) semaphore(%arg12 : memref<!tpu.dma_semaphore, #tpu.memory_space<semaphore_mem>>)
      %mul3A_204 = arith.constant 4 : i32
      %mul3A_205 = arith.muli %add3A_161, %mul3A_204 : i32
      %add3A_206 = arith.constant 2 : i32
      %add3A_207 = arith.addi %mul3A_205, %add3A_206 : i32
      %dma_start3A_208 = arith.constant 1 : i32
      %dma_start3A_209 = arith.constant 2 : i32
      %dma_start3A_210 = arith.constant 0 : i32
      %dma_start3A_211 = arith.constant 0 : i32
      %dma_start3A_212 = arith.constant 0 : i32
      %dma_start3A_213 = tpu.memref_slice %arg9[%dma_start3A_208, %dma_start3A_210, %dma_start3A_211, %dma_start3A_212] : memref<2x4x128x32xf32, #tpu.memory_space<vmem>> -> memref<1x4x128x32xf32, #tpu.memory_space<vmem>>
      %dma_start3A_214 = tpu.memref_squeeze %dma_start3A_213 : memref<1x4x128x32xf32, #tpu.memory_space<vmem>> -> memref<4x128x32xf32, #tpu.memory_space<vmem>>
      %dma_start3A_215 = arith.constant 0 : i32
      %dma_start3A_216 = arith.constant 0 : i32
      %dma_start3A_217 = tpu.memref_slice %dma_start3A_214[%dma_start3A_209, %dma_start3A_215, %dma_start3A_216] : memref<4x128x32xf32, #tpu.memory_space<vmem>> -> memref<1x128x32xf32, #tpu.memory_space<vmem>>
      %dma_start3A_218 = tpu.memref_squeeze %dma_start3A_217 : memref<1x128x32xf32, #tpu.memory_space<vmem>> -> memref<128x32xf32, #tpu.memory_space<vmem>>
      %dma_start3A_219 = arith.constant 0 : i32
      %dma_start3A_220 = tpu.memref_slice %arg7[%add3A_207, %dma_start3A_219] : memref<80x128xi32, #tpu.memory_space<vmem>> -> memref<1x128xi32, #tpu.memory_space<vmem>>
      %dma_start3A_221 = tpu.memref_squeeze %dma_start3A_220 : memref<1x128xi32, #tpu.memory_space<vmem>> -> memref<128xi32, #tpu.memory_space<vmem>>
      %dma_start3A_222 = arith.constant 0 : i32
      %dma_start3A_223 = arith.constant 0 : i32
      %dma_start3A_224 = tpu.memref_slice %arg2[%dma_start3A_222, %dma_start3A_223] : memref<10240x32xf32, #tpu.memory_space<hbm>> -> memref<10240x32xf32, #tpu.memory_space<hbm>>
      tpu.enqueue_indirect_dma source(%dma_start3A_224 : memref<10240x32xf32, #tpu.memory_space<hbm>>) target(%dma_start3A_218 : memref<128x32xf32, #tpu.memory_space<vmem>>) offsets(%dma_start3A_221 : memref<128xi32, #tpu.memory_space<vmem>>) semaphore(%arg12 : memref<!tpu.dma_semaphore, #tpu.memory_space<semaphore_mem>>)
      %mul3A_225 = arith.constant 4 : i32
      %mul3A_226 = arith.muli %add3A_161, %mul3A_225 : i32
      %add3A_227 = arith.constant 3 : i32
      %add3A_228 = arith.addi %mul3A_226, %add3A_227 : i32
      %dma_start3A_229 = arith.constant 1 : i32
      %dma_start3A_230 = arith.constant 3 : i32
      %dma_start3A_231 = arith.constant 0 : i32
      %dma_start3A_232 = arith.constant 0 : i32
      %dma_start3A_233 = arith.constant 0 : i32
      %dma_start3A_234 = tpu.memref_slice %arg9[%dma_start3A_229, %dma_start3A_231, %dma_start3A_232, %dma_start3A_233] : memref<2x4x128x32xf32, #tpu.memory_space<vmem>> -> memref<1x4x128x32xf32, #tpu.memory_space<vmem>>
      %dma_start3A_235 = tpu.memref_squeeze %dma_start3A_234 : memref<1x4x128x32xf32, #tpu.memory_space<vmem>> -> memref<4x128x32xf32, #tpu.memory_space<vmem>>
      %dma_start3A_236 = arith.constant 0 : i32
      %dma_start3A_237 = arith.constant 0 : i32
      %dma_start3A_238 = tpu.memref_slice %dma_start3A_235[%dma_start3A_230, %dma_start3A_236, %dma_start3A_237] : memref<4x128x32xf32, #tpu.memory_space<vmem>> -> memref<1x128x32xf32, #tpu.memory_space<vmem>>
      %dma_start3A_239 = tpu.memref_squeeze %dma_start3A_238 : memref<1x128x32xf32, #tpu.memory_space<vmem>> -> memref<128x32xf32, #tpu.memory_space<vmem>>
      %dma_start3A_240 = arith.constant 0 : i32
      %dma_start3A_241 = tpu.memref_slice %arg7[%add3A_228, %dma_start3A_240] : memref<80x128xi32, #tpu.memory_space<vmem>> -> memref<1x128xi32, #tpu.memory_space<vmem>>
      %dma_start3A_242 = tpu.memref_squeeze %dma_start3A_241 : memref<1x128xi32, #tpu.memory_space<vmem>> -> memref<128xi32, #tpu.memory_space<vmem>>
      %dma_start3A_243 = arith.constant 0 : i32
      %dma_start3A_244 = arith.constant 0 : i32
      %dma_start3A_245 = tpu.memref_slice %arg2[%dma_start3A_243, %dma_start3A_244] : memref<10240x32xf32, #tpu.memory_space<hbm>> -> memref<10240x32xf32, #tpu.memory_space<hbm>>
      tpu.enqueue_indirect_dma source(%dma_start3A_245 : memref<10240x32xf32, #tpu.memory_space<hbm>>) target(%dma_start3A_239 : memref<128x32xf32, #tpu.memory_space<vmem>>) offsets(%dma_start3A_242 : memref<128xi32, #tpu.memory_space<vmem>>) semaphore(%arg12 : memref<!tpu.dma_semaphore, #tpu.memory_space<semaphore_mem>>)
      %mul3A_246 = arith.constant 4 : i32
      %mul3A_247 = arith.muli %mul3A_157, %mul3A_246 : i32
      %add3A_248 = arith.constant 0 : i32
      %add3A_249 = arith.addi %mul3A_247, %add3A_248 : i32
      %dma_wait3A_250 = arith.constant 0 : i32
      %dma_wait3A_251 = arith.constant 0 : i32
      %dma_wait3A_252 = arith.constant 0 : i32
      %dma_wait3A_253 = arith.constant 0 : i32
      %dma_wait3A_254 = arith.constant 0 : i32
      %dma_wait3A_255 = tpu.memref_slice %arg9[%dma_wait3A_250, %dma_wait3A_252, %dma_wait3A_253, %dma_wait3A_254] : memref<2x4x128x32xf32, #tpu.memory_space<vmem>> -> memref<1x4x128x32xf32, #tpu.memory_space<vmem>>
      %dma_wait3A_256 = tpu.memref_squeeze %dma_wait3A_255 : memref<1x4x128x32xf32, #tpu.memory_space<vmem>> -> memref<4x128x32xf32, #tpu.memory_space<vmem>>
      %dma_wait3A_257 = arith.constant 0 : i32
      %dma_wait3A_258 = arith.constant 0 : i32
      %dma_wait3A_259 = tpu.memref_slice %dma_wait3A_256[%dma_wait3A_251, %dma_wait3A_257, %dma_wait3A_258] : memref<4x128x32xf32, #tpu.memory_space<vmem>> -> memref<1x128x32xf32, #tpu.memory_space<vmem>>
      %dma_wait3A_260 = tpu.memref_squeeze %dma_wait3A_259 : memref<1x128x32xf32, #tpu.memory_space<vmem>> -> memref<128x32xf32, #tpu.memory_space<vmem>>
      %dma_wait3A_261 = arith.constant 0 : i32
      %dma_wait3A_262 = tpu.memref_slice %arg7[%add3A_249, %dma_wait3A_261] : memref<80x128xi32, #tpu.memory_space<vmem>> -> memref<1x128xi32, #tpu.memory_space<vmem>>
      %dma_wait3A_263 = tpu.memref_squeeze %dma_wait3A_262 : memref<1x128xi32, #tpu.memory_space<vmem>> -> memref<128xi32, #tpu.memory_space<vmem>>
      %dma_wait3A_264 = arith.constant 0 : i32
      %dma_wait3A_265 = arith.constant 0 : i32
      %dma_wait3A_266 = tpu.memref_slice %arg2[%dma_wait3A_264, %dma_wait3A_265] : memref<10240x32xf32, #tpu.memory_space<hbm>> -> memref<10240x32xf32, #tpu.memory_space<hbm>>
      tpu.wait_indirect_dma semaphore(%arg12 : memref<!tpu.dma_semaphore, #tpu.memory_space<semaphore_mem>>) src(%dma_wait3A_266 : memref<10240x32xf32, #tpu.memory_space<hbm>>) dst(%dma_wait3A_260 : memref<128x32xf32, #tpu.memory_space<vmem>>)
      %mul3A_267 = arith.constant 4 : i32
      %mul3A_268 = arith.muli %mul3A_157, %mul3A_267 : i32
      %add3A_269 = arith.constant 1 : i32
      %add3A_270 = arith.addi %mul3A_268, %add3A_269 : i32
      %dma_wait3A_271 = arith.constant 0 : i32
      %dma_wait3A_272 = arith.constant 1 : i32
      %dma_wait3A_273 = arith.constant 0 : i32
      %dma_wait3A_274 = arith.constant 0 : i32
      %dma_wait3A_275 = arith.constant 0 : i32
      %dma_wait3A_276 = tpu.memref_slice %arg9[%dma_wait3A_271, %dma_wait3A_273, %dma_wait3A_274, %dma_wait3A_275] : memref<2x4x128x32xf32, #tpu.memory_space<vmem>> -> memref<1x4x128x32xf32, #tpu.memory_space<vmem>>
      %dma_wait3A_277 = tpu.memref_squeeze %dma_wait3A_276 : memref<1x4x128x32xf32, #tpu.memory_space<vmem>> -> memref<4x128x32xf32, #tpu.memory_space<vmem>>
      %dma_wait3A_278 = arith.constant 0 : i32
      %dma_wait3A_279 = arith.constant 0 : i32
      %dma_wait3A_280 = tpu.memref_slice %dma_wait3A_277[%dma_wait3A_272, %dma_wait3A_278, %dma_wait3A_279] : memref<4x128x32xf32, #tpu.memory_space<vmem>> -> memref<1x128x32xf32, #tpu.memory_space<vmem>>
      %dma_wait3A_281 = tpu.memref_squeeze %dma_wait3A_280 : memref<1x128x32xf32, #tpu.memory_space<vmem>> -> memref<128x32xf32, #tpu.memory_space<vmem>>
      %dma_wait3A_282 = arith.constant 0 : i32
      %dma_wait3A_283 = tpu.memref_slice %arg7[%add3A_270, %dma_wait3A_282] : memref<80x128xi32, #tpu.memory_space<vmem>> -> memref<1x128xi32, #tpu.memory_space<vmem>>
      %dma_wait3A_284 = tpu.memref_squeeze %dma_wait3A_283 : memref<1x128xi32, #tpu.memory_space<vmem>> -> memref<128xi32, #tpu.memory_space<vmem>>
      %dma_wait3A_285 = arith.constant 0 : i32
      %dma_wait3A_286 = arith.constant 0 : i32
      %dma_wait3A_287 = tpu.memref_slice %arg2[%dma_wait3A_285, %dma_wait3A_286] : memref<10240x32xf32, #tpu.memory_space<hbm>> -> memref<10240x32xf32, #tpu.memory_space<hbm>>
      tpu.wait_indirect_dma semaphore(%arg12 : memref<!tpu.dma_semaphore, #tpu.memory_space<semaphore_mem>>) src(%dma_wait3A_287 : memref<10240x32xf32, #tpu.memory_space<hbm>>) dst(%dma_wait3A_281 : memref<128x32xf32, #tpu.memory_space<vmem>>)
      %mul3A_288 = arith.constant 4 : i32
      %mul3A_289 = arith.muli %mul3A_157, %mul3A_288 : i32
      %add3A_290 = arith.constant 2 : i32
      %add3A_291 = arith.addi %mul3A_289, %add3A_290 : i32
      %dma_wait3A_292 = arith.constant 0 : i32
      %dma_wait3A_293 = arith.constant 2 : i32
      %dma_wait3A_294 = arith.constant 0 : i32
      %dma_wait3A_295 = arith.constant 0 : i32
      %dma_wait3A_296 = arith.constant 0 : i32
      %dma_wait3A_297 = tpu.memref_slice %arg9[%dma_wait3A_292, %dma_wait3A_294, %dma_wait3A_295, %dma_wait3A_296] : memref<2x4x128x32xf32, #tpu.memory_space<vmem>> -> memref<1x4x128x32xf32, #tpu.memory_space<vmem>>
      %dma_wait3A_298 = tpu.memref_squeeze %dma_wait3A_297 : memref<1x4x128x32xf32, #tpu.memory_space<vmem>> -> memref<4x128x32xf32, #tpu.memory_space<vmem>>
      %dma_wait3A_299 = arith.constant 0 : i32
      %dma_wait3A_300 = arith.constant 0 : i32
      %dma_wait3A_301 = tpu.memref_slice %dma_wait3A_298[%dma_wait3A_293, %dma_wait3A_299, %dma_wait3A_300] : memref<4x128x32xf32, #tpu.memory_space<vmem>> -> memref<1x128x32xf32, #tpu.memory_space<vmem>>
      %dma_wait3A_302 = tpu.memref_squeeze %dma_wait3A_301 : memref<1x128x32xf32, #tpu.memory_space<vmem>> -> memref<128x32xf32, #tpu.memory_space<vmem>>
      %dma_wait3A_303 = arith.constant 0 : i32
      %dma_wait3A_304 = tpu.memref_slice %arg7[%add3A_291, %dma_wait3A_303] : memref<80x128xi32, #tpu.memory_space<vmem>> -> memref<1x128xi32, #tpu.memory_space<vmem>>
      %dma_wait3A_305 = tpu.memref_squeeze %dma_wait3A_304 : memref<1x128xi32, #tpu.memory_space<vmem>> -> memref<128xi32, #tpu.memory_space<vmem>>
      %dma_wait3A_306 = arith.constant 0 : i32
      %dma_wait3A_307 = arith.constant 0 : i32
      %dma_wait3A_308 = tpu.memref_slice %arg2[%dma_wait3A_306, %dma_wait3A_307] : memref<10240x32xf32, #tpu.memory_space<hbm>> -> memref<10240x32xf32, #tpu.memory_space<hbm>>
      tpu.wait_indirect_dma semaphore(%arg12 : memref<!tpu.dma_semaphore, #tpu.memory_space<semaphore_mem>>) src(%dma_wait3A_308 : memref<10240x32xf32, #tpu.memory_space<hbm>>) dst(%dma_wait3A_302 : memref<128x32xf32, #tpu.memory_space<vmem>>)
      %mul3A_309 = arith.constant 4 : i32
      %mul3A_310 = arith.muli %mul3A_157, %mul3A_309 : i32
      %add3A_311 = arith.constant 3 : i32
      %add3A_312 = arith.addi %mul3A_310, %add3A_311 : i32
      %dma_wait3A_313 = arith.constant 0 : i32
      %dma_wait3A_314 = arith.constant 3 : i32
      %dma_wait3A_315 = arith.constant 0 : i32
      %dma_wait3A_316 = arith.constant 0 : i32
      %dma_wait3A_317 = arith.constant 0 : i32
      %dma_wait3A_318 = tpu.memref_slice %arg9[%dma_wait3A_313, %dma_wait3A_315, %dma_wait3A_316, %dma_wait3A_317] : memref<2x4x128x32xf32, #tpu.memory_space<vmem>> -> memref<1x4x128x32xf32, #tpu.memory_space<vmem>>
      %dma_wait3A_319 = tpu.memref_squeeze %dma_wait3A_318 : memref<1x4x128x32xf32, #tpu.memory_space<vmem>> -> memref<4x128x32xf32, #tpu.memory_space<vmem>>
      %dma_wait3A_320 = arith.constant 0 : i32
      %dma_wait3A_321 = arith.constant 0 : i32
      %dma_wait3A_322 = tpu.memref_slice %dma_wait3A_319[%dma_wait3A_314, %dma_wait3A_320, %dma_wait3A_321] : memref<4x128x32xf32, #tpu.memory_space<vmem>> -> memref<1x128x32xf32, #tpu.memory_space<vmem>>
      %dma_wait3A_323 = tpu.memref_squeeze %dma_wait3A_322 : memref<1x128x32xf32, #tpu.memory_space<vmem>> -> memref<128x32xf32, #tpu.memory_space<vmem>>
      %dma_wait3A_324 = arith.constant 0 : i32
      %dma_wait3A_325 = tpu.memref_slice %arg7[%add3A_312, %dma_wait3A_324] : memref<80x128xi32, #tpu.memory_space<vmem>> -> memref<1x128xi32, #tpu.memory_space<vmem>>
      %dma_wait3A_326 = tpu.memref_squeeze %dma_wait3A_325 : memref<1x128xi32, #tpu.memory_space<vmem>> -> memref<128xi32, #tpu.memory_space<vmem>>
      %dma_wait3A_327 = arith.constant 0 : i32
      %dma_wait3A_328 = arith.constant 0 : i32
      %dma_wait3A_329 = tpu.memref_slice %arg2[%dma_wait3A_327, %dma_wait3A_328] : memref<10240x32xf32, #tpu.memory_space<hbm>> -> memref<10240x32xf32, #tpu.memory_space<hbm>>
      tpu.wait_indirect_dma semaphore(%arg12 : memref<!tpu.dma_semaphore, #tpu.memory_space<semaphore_mem>>) src(%dma_wait3A_329 : memref<10240x32xf32, #tpu.memory_space<hbm>>) dst(%dma_wait3A_323 : memref<128x32xf32, #tpu.memory_space<vmem>>)
      %mul3A_330 = arith.constant 4 : i32
      %mul3A_331 = arith.muli %mul3A_157, %mul3A_330 : i32
      %add3A_332 = arith.constant 0 : i32
      %add3A_333 = arith.addi %mul3A_331, %add3A_332 : i32
      %dma_start3A_334 = arith.constant 0 : i32
      %dma_start3A_335 = arith.constant 0 : i32
      %dma_start3A_336 = arith.constant 0 : i32
      %dma_start3A_337 = arith.constant 0 : i32
      %dma_start3A_338 = arith.constant 0 : i32
      %dma_start3A_339 = tpu.memref_slice %arg9[%dma_start3A_334, %dma_start3A_336, %dma_start3A_337, %dma_start3A_338] : memref<2x4x128x32xf32, #tpu.memory_space<vmem>> -> memref<1x4x128x32xf32, #tpu.memory_space<vmem>>
      %dma_start3A_340 = tpu.memref_squeeze %dma_start3A_339 : memref<1x4x128x32xf32, #tpu.memory_space<vmem>> -> memref<4x128x32xf32, #tpu.memory_space<vmem>>
      %dma_start3A_341 = arith.constant 0 : i32
      %dma_start3A_342 = arith.constant 0 : i32
      %dma_start3A_343 = tpu.memref_slice %dma_start3A_340[%dma_start3A_335, %dma_start3A_341, %dma_start3A_342] : memref<4x128x32xf32, #tpu.memory_space<vmem>> -> memref<1x128x32xf32, #tpu.memory_space<vmem>>
      %dma_start3A_344 = tpu.memref_squeeze %dma_start3A_343 : memref<1x128x32xf32, #tpu.memory_space<vmem>> -> memref<128x32xf32, #tpu.memory_space<vmem>>
      %dma_start3A_345 = arith.constant 0 : i32
      %dma_start3A_346 = tpu.memref_slice %arg8[%add3A_333, %dma_start3A_345] : memref<80x128xi32, #tpu.memory_space<vmem>> -> memref<1x128xi32, #tpu.memory_space<vmem>>
      %dma_start3A_347 = tpu.memref_squeeze %dma_start3A_346 : memref<1x128xi32, #tpu.memory_space<vmem>> -> memref<128xi32, #tpu.memory_space<vmem>>
      %dma_start3A_348 = arith.constant 0 : i32
      %dma_start3A_349 = arith.constant 0 : i32
      %dma_start3A_350 = tpu.memref_slice %arg11[%dma_start3A_348, %dma_start3A_349] : memref<10240x32xf32, #tpu.memory_space<vmem_shared>> -> memref<10240x32xf32, #tpu.memory_space<vmem_shared>>
      tpu.enqueue_indirect_dma source(%dma_start3A_344 : memref<128x32xf32, #tpu.memory_space<vmem>>) target(%dma_start3A_350 : memref<10240x32xf32, #tpu.memory_space<vmem_shared>>) offsets(%dma_start3A_347 : memref<128xi32, #tpu.memory_space<vmem>>) semaphore(%arg13 : memref<!tpu.dma_semaphore, #tpu.memory_space<semaphore_mem>>) {add = true}
      %mul3A_351 = arith.constant 4 : i32
      %mul3A_352 = arith.muli %mul3A_157, %mul3A_351 : i32
      %add3A_353 = arith.constant 1 : i32
      %add3A_354 = arith.addi %mul3A_352, %add3A_353 : i32
      %dma_start3A_355 = arith.constant 0 : i32
      %dma_start3A_356 = arith.constant 1 : i32
      %dma_start3A_357 = arith.constant 0 : i32
      %dma_start3A_358 = arith.constant 0 : i32
      %dma_start3A_359 = arith.constant 0 : i32
      %dma_start3A_360 = tpu.memref_slice %arg9[%dma_start3A_355, %dma_start3A_357, %dma_start3A_358, %dma_start3A_359] : memref<2x4x128x32xf32, #tpu.memory_space<vmem>> -> memref<1x4x128x32xf32, #tpu.memory_space<vmem>>
      %dma_start3A_361 = tpu.memref_squeeze %dma_start3A_360 : memref<1x4x128x32xf32, #tpu.memory_space<vmem>> -> memref<4x128x32xf32, #tpu.memory_space<vmem>>
      %dma_start3A_362 = arith.constant 0 : i32
      %dma_start3A_363 = arith.constant 0 : i32
      %dma_start3A_364 = tpu.memref_slice %dma_start3A_361[%dma_start3A_356, %dma_start3A_362, %dma_start3A_363] : memref<4x128x32xf32, #tpu.memory_space<vmem>> -> memref<1x128x32xf32, #tpu.memory_space<vmem>>
      %dma_start3A_365 = tpu.memref_squeeze %dma_start3A_364 : memref<1x128x32xf32, #tpu.memory_space<vmem>> -> memref<128x32xf32, #tpu.memory_space<vmem>>
      %dma_start3A_366 = arith.constant 0 : i32
      %dma_start3A_367 = tpu.memref_slice %arg8[%add3A_354, %dma_start3A_366] : memref<80x128xi32, #tpu.memory_space<vmem>> -> memref<1x128xi32, #tpu.memory_space<vmem>>
      %dma_start3A_368 = tpu.memref_squeeze %dma_start3A_367 : memref<1x128xi32, #tpu.memory_space<vmem>> -> memref<128xi32, #tpu.memory_space<vmem>>
      %dma_start3A_369 = arith.constant 0 : i32
      %dma_start3A_370 = arith.constant 0 : i32
      %dma_start3A_371 = tpu.memref_slice %arg11[%dma_start3A_369, %dma_start3A_370] : memref<10240x32xf32, #tpu.memory_space<vmem_shared>> -> memref<10240x32xf32, #tpu.memory_space<vmem_shared>>
      tpu.enqueue_indirect_dma source(%dma_start3A_365 : memref<128x32xf32, #tpu.memory_space<vmem>>) target(%dma_start3A_371 : memref<10240x32xf32, #tpu.memory_space<vmem_shared>>) offsets(%dma_start3A_368 : memref<128xi32, #tpu.memory_space<vmem>>) semaphore(%arg13 : memref<!tpu.dma_semaphore, #tpu.memory_space<semaphore_mem>>) {add = true}
      %mul3A_372 = arith.constant 4 : i32
      %mul3A_373 = arith.muli %mul3A_157, %mul3A_372 : i32
      %add3A_374 = arith.constant 2 : i32
      %add3A_375 = arith.addi %mul3A_373, %add3A_374 : i32
      %dma_start3A_376 = arith.constant 0 : i32
      %dma_start3A_377 = arith.constant 2 : i32
      %dma_start3A_378 = arith.constant 0 : i32
      %dma_start3A_379 = arith.constant 0 : i32
      %dma_start3A_380 = arith.constant 0 : i32
      %dma_start3A_381 = tpu.memref_slice %arg9[%dma_start3A_376, %dma_start3A_378, %dma_start3A_379, %dma_start3A_380] : memref<2x4x128x32xf32, #tpu.memory_space<vmem>> -> memref<1x4x128x32xf32, #tpu.memory_space<vmem>>
      %dma_start3A_382 = tpu.memref_squeeze %dma_start3A_381 : memref<1x4x128x32xf32, #tpu.memory_space<vmem>> -> memref<4x128x32xf32, #tpu.memory_space<vmem>>
      %dma_start3A_383 = arith.constant 0 : i32
      %dma_start3A_384 = arith.constant 0 : i32
      %dma_start3A_385 = tpu.memref_slice %dma_start3A_382[%dma_start3A_377, %dma_start3A_383, %dma_start3A_384] : memref<4x128x32xf32, #tpu.memory_space<vmem>> -> memref<1x128x32xf32, #tpu.memory_space<vmem>>
      %dma_start3A_386 = tpu.memref_squeeze %dma_start3A_385 : memref<1x128x32xf32, #tpu.memory_space<vmem>> -> memref<128x32xf32, #tpu.memory_space<vmem>>
      %dma_start3A_387 = arith.constant 0 : i32
      %dma_start3A_388 = tpu.memref_slice %arg8[%add3A_375, %dma_start3A_387] : memref<80x128xi32, #tpu.memory_space<vmem>> -> memref<1x128xi32, #tpu.memory_space<vmem>>
      %dma_start3A_389 = tpu.memref_squeeze %dma_start3A_388 : memref<1x128xi32, #tpu.memory_space<vmem>> -> memref<128xi32, #tpu.memory_space<vmem>>
      %dma_start3A_390 = arith.constant 0 : i32
      %dma_start3A_391 = arith.constant 0 : i32
      %dma_start3A_392 = tpu.memref_slice %arg11[%dma_start3A_390, %dma_start3A_391] : memref<10240x32xf32, #tpu.memory_space<vmem_shared>> -> memref<10240x32xf32, #tpu.memory_space<vmem_shared>>
      tpu.enqueue_indirect_dma source(%dma_start3A_386 : memref<128x32xf32, #tpu.memory_space<vmem>>) target(%dma_start3A_392 : memref<10240x32xf32, #tpu.memory_space<vmem_shared>>) offsets(%dma_start3A_389 : memref<128xi32, #tpu.memory_space<vmem>>) semaphore(%arg13 : memref<!tpu.dma_semaphore, #tpu.memory_space<semaphore_mem>>) {add = true}
      %mul3A_393 = arith.constant 4 : i32
      %mul3A_394 = arith.muli %mul3A_157, %mul3A_393 : i32
      %add3A_395 = arith.constant 3 : i32
      %add3A_396 = arith.addi %mul3A_394, %add3A_395 : i32
      %dma_start3A_397 = arith.constant 0 : i32
      %dma_start3A_398 = arith.constant 3 : i32
      %dma_start3A_399 = arith.constant 0 : i32
      %dma_start3A_400 = arith.constant 0 : i32
      %dma_start3A_401 = arith.constant 0 : i32
      %dma_start3A_402 = tpu.memref_slice %arg9[%dma_start3A_397, %dma_start3A_399, %dma_start3A_400, %dma_start3A_401] : memref<2x4x128x32xf32, #tpu.memory_space<vmem>> -> memref<1x4x128x32xf32, #tpu.memory_space<vmem>>
      %dma_start3A_403 = tpu.memref_squeeze %dma_start3A_402 : memref<1x4x128x32xf32, #tpu.memory_space<vmem>> -> memref<4x128x32xf32, #tpu.memory_space<vmem>>
      %dma_start3A_404 = arith.constant 0 : i32
      %dma_start3A_405 = arith.constant 0 : i32
      %dma_start3A_406 = tpu.memref_slice %dma_start3A_403[%dma_start3A_398, %dma_start3A_404, %dma_start3A_405] : memref<4x128x32xf32, #tpu.memory_space<vmem>> -> memref<1x128x32xf32, #tpu.memory_space<vmem>>
      %dma_start3A_407 = tpu.memref_squeeze %dma_start3A_406 : memref<1x128x32xf32, #tpu.memory_space<vmem>> -> memref<128x32xf32, #tpu.memory_space<vmem>>
      %dma_start3A_408 = arith.constant 0 : i32
      %dma_start3A_409 = tpu.memref_slice %arg8[%add3A_396, %dma_start3A_408] : memref<80x128xi32, #tpu.memory_space<vmem>> -> memref<1x128xi32, #tpu.memory_space<vmem>>
      %dma_start3A_410 = tpu.memref_squeeze %dma_start3A_409 : memref<1x128xi32, #tpu.memory_space<vmem>> -> memref<128xi32, #tpu.memory_space<vmem>>
      %dma_start3A_411 = arith.constant 0 : i32
      %dma_start3A_412 = arith.constant 0 : i32
      %dma_start3A_413 = tpu.memref_slice %arg11[%dma_start3A_411, %dma_start3A_412] : memref<10240x32xf32, #tpu.memory_space<vmem_shared>> -> memref<10240x32xf32, #tpu.memory_space<vmem_shared>>
      tpu.enqueue_indirect_dma source(%dma_start3A_407 : memref<128x32xf32, #tpu.memory_space<vmem>>) target(%dma_start3A_413 : memref<10240x32xf32, #tpu.memory_space<vmem_shared>>) offsets(%dma_start3A_410 : memref<128xi32, #tpu.memory_space<vmem>>) semaphore(%arg13 : memref<!tpu.dma_semaphore, #tpu.memory_space<semaphore_mem>>) {add = true}
      %mul3A_414 = arith.constant 4 : i32
      %mul3A_415 = arith.muli %mul3A_157, %mul3A_414 : i32
      %add3A_416 = arith.constant 0 : i32
      %add3A_417 = arith.addi %mul3A_415, %add3A_416 : i32
      %dma_wait3A_418 = arith.constant 0 : i32
      %dma_wait3A_419 = arith.constant 0 : i32
      %dma_wait3A_420 = arith.constant 0 : i32
      %dma_wait3A_421 = arith.constant 0 : i32
      %dma_wait3A_422 = arith.constant 0 : i32
      %dma_wait3A_423 = tpu.memref_slice %arg9[%dma_wait3A_418, %dma_wait3A_420, %dma_wait3A_421, %dma_wait3A_422] : memref<2x4x128x32xf32, #tpu.memory_space<vmem>> -> memref<1x4x128x32xf32, #tpu.memory_space<vmem>>
      %dma_wait3A_424 = tpu.memref_squeeze %dma_wait3A_423 : memref<1x4x128x32xf32, #tpu.memory_space<vmem>> -> memref<4x128x32xf32, #tpu.memory_space<vmem>>
      %dma_wait3A_425 = arith.constant 0 : i32
      %dma_wait3A_426 = arith.constant 0 : i32
      %dma_wait3A_427 = tpu.memref_slice %dma_wait3A_424[%dma_wait3A_419, %dma_wait3A_425, %dma_wait3A_426] : memref<4x128x32xf32, #tpu.memory_space<vmem>> -> memref<1x128x32xf32, #tpu.memory_space<vmem>>
      %dma_wait3A_428 = tpu.memref_squeeze %dma_wait3A_427 : memref<1x128x32xf32, #tpu.memory_space<vmem>> -> memref<128x32xf32, #tpu.memory_space<vmem>>
      %dma_wait3A_429 = arith.constant 0 : i32
      %dma_wait3A_430 = tpu.memref_slice %arg8[%add3A_417, %dma_wait3A_429] : memref<80x128xi32, #tpu.memory_space<vmem>> -> memref<1x128xi32, #tpu.memory_space<vmem>>
      %dma_wait3A_431 = tpu.memref_squeeze %dma_wait3A_430 : memref<1x128xi32, #tpu.memory_space<vmem>> -> memref<128xi32, #tpu.memory_space<vmem>>
      %dma_wait3A_432 = arith.constant 0 : i32
      %dma_wait3A_433 = arith.constant 0 : i32
      %dma_wait3A_434 = tpu.memref_slice %arg11[%dma_wait3A_432, %dma_wait3A_433] : memref<10240x32xf32, #tpu.memory_space<vmem_shared>> -> memref<10240x32xf32, #tpu.memory_space<vmem_shared>>
      tpu.wait_indirect_dma semaphore(%arg13 : memref<!tpu.dma_semaphore, #tpu.memory_space<semaphore_mem>>) src(%dma_wait3A_428 : memref<128x32xf32, #tpu.memory_space<vmem>>) dst(%dma_wait3A_434 : memref<10240x32xf32, #tpu.memory_space<vmem_shared>>)
      %mul3A_435 = arith.constant 4 : i32
      %mul3A_436 = arith.muli %mul3A_157, %mul3A_435 : i32
      %add3A_437 = arith.constant 1 : i32
      %add3A_438 = arith.addi %mul3A_436, %add3A_437 : i32
      %dma_wait3A_439 = arith.constant 0 : i32
      %dma_wait3A_440 = arith.constant 1 : i32
      %dma_wait3A_441 = arith.constant 0 : i32
      %dma_wait3A_442 = arith.constant 0 : i32
      %dma_wait3A_443 = arith.constant 0 : i32
      %dma_wait3A_444 = tpu.memref_slice %arg9[%dma_wait3A_439, %dma_wait3A_441, %dma_wait3A_442, %dma_wait3A_443] : memref<2x4x128x32xf32, #tpu.memory_space<vmem>> -> memref<1x4x128x32xf32, #tpu.memory_space<vmem>>
      %dma_wait3A_445 = tpu.memref_squeeze %dma_wait3A_444 : memref<1x4x128x32xf32, #tpu.memory_space<vmem>> -> memref<4x128x32xf32, #tpu.memory_space<vmem>>
      %dma_wait3A_446 = arith.constant 0 : i32
      %dma_wait3A_447 = arith.constant 0 : i32
      %dma_wait3A_448 = tpu.memref_slice %dma_wait3A_445[%dma_wait3A_440, %dma_wait3A_446, %dma_wait3A_447] : memref<4x128x32xf32, #tpu.memory_space<vmem>> -> memref<1x128x32xf32, #tpu.memory_space<vmem>>
      %dma_wait3A_449 = tpu.memref_squeeze %dma_wait3A_448 : memref<1x128x32xf32, #tpu.memory_space<vmem>> -> memref<128x32xf32, #tpu.memory_space<vmem>>
      %dma_wait3A_450 = arith.constant 0 : i32
      %dma_wait3A_451 = tpu.memref_slice %arg8[%add3A_438, %dma_wait3A_450] : memref<80x128xi32, #tpu.memory_space<vmem>> -> memref<1x128xi32, #tpu.memory_space<vmem>>
      %dma_wait3A_452 = tpu.memref_squeeze %dma_wait3A_451 : memref<1x128xi32, #tpu.memory_space<vmem>> -> memref<128xi32, #tpu.memory_space<vmem>>
      %dma_wait3A_453 = arith.constant 0 : i32
      %dma_wait3A_454 = arith.constant 0 : i32
      %dma_wait3A_455 = tpu.memref_slice %arg11[%dma_wait3A_453, %dma_wait3A_454] : memref<10240x32xf32, #tpu.memory_space<vmem_shared>> -> memref<10240x32xf32, #tpu.memory_space<vmem_shared>>
      tpu.wait_indirect_dma semaphore(%arg13 : memref<!tpu.dma_semaphore, #tpu.memory_space<semaphore_mem>>) src(%dma_wait3A_449 : memref<128x32xf32, #tpu.memory_space<vmem>>) dst(%dma_wait3A_455 : memref<10240x32xf32, #tpu.memory_space<vmem_shared>>)
      %mul3A_456 = arith.constant 4 : i32
      %mul3A_457 = arith.muli %mul3A_157, %mul3A_456 : i32
      %add3A_458 = arith.constant 2 : i32
      %add3A_459 = arith.addi %mul3A_457, %add3A_458 : i32
      %dma_wait3A_460 = arith.constant 0 : i32
      %dma_wait3A_461 = arith.constant 2 : i32
      %dma_wait3A_462 = arith.constant 0 : i32
      %dma_wait3A_463 = arith.constant 0 : i32
      %dma_wait3A_464 = arith.constant 0 : i32
      %dma_wait3A_465 = tpu.memref_slice %arg9[%dma_wait3A_460, %dma_wait3A_462, %dma_wait3A_463, %dma_wait3A_464] : memref<2x4x128x32xf32, #tpu.memory_space<vmem>> -> memref<1x4x128x32xf32, #tpu.memory_space<vmem>>
      %dma_wait3A_466 = tpu.memref_squeeze %dma_wait3A_465 : memref<1x4x128x32xf32, #tpu.memory_space<vmem>> -> memref<4x128x32xf32, #tpu.memory_space<vmem>>
      %dma_wait3A_467 = arith.constant 0 : i32
      %dma_wait3A_468 = arith.constant 0 : i32
      %dma_wait3A_469 = tpu.memref_slice %dma_wait3A_466[%dma_wait3A_461, %dma_wait3A_467, %dma_wait3A_468] : memref<4x128x32xf32, #tpu.memory_space<vmem>> -> memref<1x128x32xf32, #tpu.memory_space<vmem>>
      %dma_wait3A_470 = tpu.memref_squeeze %dma_wait3A_469 : memref<1x128x32xf32, #tpu.memory_space<vmem>> -> memref<128x32xf32, #tpu.memory_space<vmem>>
      %dma_wait3A_471 = arith.constant 0 : i32
      %dma_wait3A_472 = tpu.memref_slice %arg8[%add3A_459, %dma_wait3A_471] : memref<80x128xi32, #tpu.memory_space<vmem>> -> memref<1x128xi32, #tpu.memory_space<vmem>>
      %dma_wait3A_473 = tpu.memref_squeeze %dma_wait3A_472 : memref<1x128xi32, #tpu.memory_space<vmem>> -> memref<128xi32, #tpu.memory_space<vmem>>
      %dma_wait3A_474 = arith.constant 0 : i32
      %dma_wait3A_475 = arith.constant 0 : i32
      %dma_wait3A_476 = tpu.memref_slice %arg11[%dma_wait3A_474, %dma_wait3A_475] : memref<10240x32xf32, #tpu.memory_space<vmem_shared>> -> memref<10240x32xf32, #tpu.memory_space<vmem_shared>>
      tpu.wait_indirect_dma semaphore(%arg13 : memref<!tpu.dma_semaphore, #tpu.memory_space<semaphore_mem>>) src(%dma_wait3A_470 : memref<128x32xf32, #tpu.memory_space<vmem>>) dst(%dma_wait3A_476 : memref<10240x32xf32, #tpu.memory_space<vmem_shared>>)
      %mul3A_477 = arith.constant 4 : i32
      %mul3A_478 = arith.muli %mul3A_157, %mul3A_477 : i32
      %add3A_479 = arith.constant 3 : i32
      %add3A_480 = arith.addi %mul3A_478, %add3A_479 : i32
      %dma_wait3A_481 = arith.constant 0 : i32
      %dma_wait3A_482 = arith.constant 3 : i32
      %dma_wait3A_483 = arith.constant 0 : i32
      %dma_wait3A_484 = arith.constant 0 : i32
      %dma_wait3A_485 = arith.constant 0 : i32
      %dma_wait3A_486 = tpu.memref_slice %arg9[%dma_wait3A_481, %dma_wait3A_483, %dma_wait3A_484, %dma_wait3A_485] : memref<2x4x128x32xf32, #tpu.memory_space<vmem>> -> memref<1x4x128x32xf32, #tpu.memory_space<vmem>>
      %dma_wait3A_487 = tpu.memref_squeeze %dma_wait3A_486 : memref<1x4x128x32xf32, #tpu.memory_space<vmem>> -> memref<4x128x32xf32, #tpu.memory_space<vmem>>
      %dma_wait3A_488 = arith.constant 0 : i32
      %dma_wait3A_489 = arith.constant 0 : i32
      %dma_wait3A_490 = tpu.memref_slice %dma_wait3A_487[%dma_wait3A_482, %dma_wait3A_488, %dma_wait3A_489] : memref<4x128x32xf32, #tpu.memory_space<vmem>> -> memref<1x128x32xf32, #tpu.memory_space<vmem>>
      %dma_wait3A_491 = tpu.memref_squeeze %dma_wait3A_490 : memref<1x128x32xf32, #tpu.memory_space<vmem>> -> memref<128x32xf32, #tpu.memory_space<vmem>>
      %dma_wait3A_492 = arith.constant 0 : i32
      %dma_wait3A_493 = tpu.memref_slice %arg8[%add3A_480, %dma_wait3A_492] : memref<80x128xi32, #tpu.memory_space<vmem>> -> memref<1x128xi32, #tpu.memory_space<vmem>>
      %dma_wait3A_494 = tpu.memref_squeeze %dma_wait3A_493 : memref<1x128xi32, #tpu.memory_space<vmem>> -> memref<128xi32, #tpu.memory_space<vmem>>
      %dma_wait3A_495 = arith.constant 0 : i32
      %dma_wait3A_496 = arith.constant 0 : i32
      %dma_wait3A_497 = tpu.memref_slice %arg11[%dma_wait3A_495, %dma_wait3A_496] : memref<10240x32xf32, #tpu.memory_space<vmem_shared>> -> memref<10240x32xf32, #tpu.memory_space<vmem_shared>>
      tpu.wait_indirect_dma semaphore(%arg13 : memref<!tpu.dma_semaphore, #tpu.memory_space<semaphore_mem>>) src(%dma_wait3A_491 : memref<128x32xf32, #tpu.memory_space<vmem>>) dst(%dma_wait3A_497 : memref<10240x32xf32, #tpu.memory_space<vmem_shared>>)
      %lt3A = arith.constant 9 : i32
      %lt3A_498 = arith.cmpi slt, %scan3A_155, %lt3A : i32
      %convert_element_type3A_499 = arith.extui %lt3A_498 : i1 to i32
      %cond3A_500 = arith.constant 0 : i32
      %cond3A_501 = arith.cmpi ne, %convert_element_type3A_499, %cond3A_500 : i32
      scf.if %cond3A_501 {
        %add3A_674 = arith.constant 2 : i32
        %add3A_675 = arith.addi %mul3A_157, %add3A_674 : i32
        %mul3A_676 = arith.constant 4 : i32
        %mul3A_677 = arith.muli %add3A_675, %mul3A_676 : i32
        %add3A_678 = arith.constant 0 : i32
        %add3A_679 = arith.addi %mul3A_677, %add3A_678 : i32
        %dma_start3A_680 = arith.constant 0 : i32
        %dma_start3A_681 = arith.constant 0 : i32
        %dma_start3A_682 = arith.constant 0 : i32
        %dma_start3A_683 = arith.constant 0 : i32
        %dma_start3A_684 = arith.constant 0 : i32
        %dma_start3A_685 = tpu.memref_slice %arg9[%dma_start3A_680, %dma_start3A_682, %dma_start3A_683, %dma_start3A_684] : memref<2x4x128x32xf32, #tpu.memory_space<vmem>> -> memref<1x4x128x32xf32, #tpu.memory_space<vmem>>
        %dma_start3A_686 = tpu.memref_squeeze %dma_start3A_685 : memref<1x4x128x32xf32, #tpu.memory_space<vmem>> -> memref<4x128x32xf32, #tpu.memory_space<vmem>>
        %dma_start3A_687 = arith.constant 0 : i32
        %dma_start3A_688 = arith.constant 0 : i32
        %dma_start3A_689 = tpu.memref_slice %dma_start3A_686[%dma_start3A_681, %dma_start3A_687, %dma_start3A_688] : memref<4x128x32xf32, #tpu.memory_space<vmem>> -> memref<1x128x32xf32, #tpu.memory_space<vmem>>
        %dma_start3A_690 = tpu.memref_squeeze %dma_start3A_689 : memref<1x128x32xf32, #tpu.memory_space<vmem>> -> memref<128x32xf32, #tpu.memory_space<vmem>>
        %dma_start3A_691 = arith.constant 0 : i32
        %dma_start3A_692 = tpu.memref_slice %arg7[%add3A_679, %dma_start3A_691] : memref<80x128xi32, #tpu.memory_space<vmem>> -> memref<1x128xi32, #tpu.memory_space<vmem>>
        %dma_start3A_693 = tpu.memref_squeeze %dma_start3A_692 : memref<1x128xi32, #tpu.memory_space<vmem>> -> memref<128xi32, #tpu.memory_space<vmem>>
        %dma_start3A_694 = arith.constant 0 : i32
        %dma_start3A_695 = arith.constant 0 : i32
        %dma_start3A_696 = tpu.memref_slice %arg2[%dma_start3A_694, %dma_start3A_695] : memref<10240x32xf32, #tpu.memory_space<hbm>> -> memref<10240x32xf32, #tpu.memory_space<hbm>>
        tpu.enqueue_indirect_dma source(%dma_start3A_696 : memref<10240x32xf32, #tpu.memory_space<hbm>>) target(%dma_start3A_690 : memref<128x32xf32, #tpu.memory_space<vmem>>) offsets(%dma_start3A_693 : memref<128xi32, #tpu.memory_space<vmem>>) semaphore(%arg12 : memref<!tpu.dma_semaphore, #tpu.memory_space<semaphore_mem>>)
        %mul3A_697 = arith.constant 4 : i32
        %mul3A_698 = arith.muli %add3A_675, %mul3A_697 : i32
        %add3A_699 = arith.constant 1 : i32
        %add3A_700 = arith.addi %mul3A_698, %add3A_699 : i32
        %dma_start3A_701 = arith.constant 0 : i32
        %dma_start3A_702 = arith.constant 1 : i32
        %dma_start3A_703 = arith.constant 0 : i32
        %dma_start3A_704 = arith.constant 0 : i32
        %dma_start3A_705 = arith.constant 0 : i32
        %dma_start3A_706 = tpu.memref_slice %arg9[%dma_start3A_701, %dma_start3A_703, %dma_start3A_704, %dma_start3A_705] : memref<2x4x128x32xf32, #tpu.memory_space<vmem>> -> memref<1x4x128x32xf32, #tpu.memory_space<vmem>>
        %dma_start3A_707 = tpu.memref_squeeze %dma_start3A_706 : memref<1x4x128x32xf32, #tpu.memory_space<vmem>> -> memref<4x128x32xf32, #tpu.memory_space<vmem>>
        %dma_start3A_708 = arith.constant 0 : i32
        %dma_start3A_709 = arith.constant 0 : i32
        %dma_start3A_710 = tpu.memref_slice %dma_start3A_707[%dma_start3A_702, %dma_start3A_708, %dma_start3A_709] : memref<4x128x32xf32, #tpu.memory_space<vmem>> -> memref<1x128x32xf32, #tpu.memory_space<vmem>>
        %dma_start3A_711 = tpu.memref_squeeze %dma_start3A_710 : memref<1x128x32xf32, #tpu.memory_space<vmem>> -> memref<128x32xf32, #tpu.memory_space<vmem>>
        %dma_start3A_712 = arith.constant 0 : i32
        %dma_start3A_713 = tpu.memref_slice %arg7[%add3A_700, %dma_start3A_712] : memref<80x128xi32, #tpu.memory_space<vmem>> -> memref<1x128xi32, #tpu.memory_space<vmem>>
        %dma_start3A_714 = tpu.memref_squeeze %dma_start3A_713 : memref<1x128xi32, #tpu.memory_space<vmem>> -> memref<128xi32, #tpu.memory_space<vmem>>
        %dma_start3A_715 = arith.constant 0 : i32
        %dma_start3A_716 = arith.constant 0 : i32
        %dma_start3A_717 = tpu.memref_slice %arg2[%dma_start3A_715, %dma_start3A_716] : memref<10240x32xf32, #tpu.memory_space<hbm>> -> memref<10240x32xf32, #tpu.memory_space<hbm>>
        tpu.enqueue_indirect_dma source(%dma_start3A_717 : memref<10240x32xf32, #tpu.memory_space<hbm>>) target(%dma_start3A_711 : memref<128x32xf32, #tpu.memory_space<vmem>>) offsets(%dma_start3A_714 : memref<128xi32, #tpu.memory_space<vmem>>) semaphore(%arg12 : memref<!tpu.dma_semaphore, #tpu.memory_space<semaphore_mem>>)
        %mul3A_718 = arith.constant 4 : i32
        %mul3A_719 = arith.muli %add3A_675, %mul3A_718 : i32
        %add3A_720 = arith.constant 2 : i32
        %add3A_721 = arith.addi %mul3A_719, %add3A_720 : i32
        %dma_start3A_722 = arith.constant 0 : i32
        %dma_start3A_723 = arith.constant 2 : i32
        %dma_start3A_724 = arith.constant 0 : i32
        %dma_start3A_725 = arith.constant 0 : i32
        %dma_start3A_726 = arith.constant 0 : i32
        %dma_start3A_727 = tpu.memref_slice %arg9[%dma_start3A_722, %dma_start3A_724, %dma_start3A_725, %dma_start3A_726] : memref<2x4x128x32xf32, #tpu.memory_space<vmem>> -> memref<1x4x128x32xf32, #tpu.memory_space<vmem>>
        %dma_start3A_728 = tpu.memref_squeeze %dma_start3A_727 : memref<1x4x128x32xf32, #tpu.memory_space<vmem>> -> memref<4x128x32xf32, #tpu.memory_space<vmem>>
        %dma_start3A_729 = arith.constant 0 : i32
        %dma_start3A_730 = arith.constant 0 : i32
        %dma_start3A_731 = tpu.memref_slice %dma_start3A_728[%dma_start3A_723, %dma_start3A_729, %dma_start3A_730] : memref<4x128x32xf32, #tpu.memory_space<vmem>> -> memref<1x128x32xf32, #tpu.memory_space<vmem>>
        %dma_start3A_732 = tpu.memref_squeeze %dma_start3A_731 : memref<1x128x32xf32, #tpu.memory_space<vmem>> -> memref<128x32xf32, #tpu.memory_space<vmem>>
        %dma_start3A_733 = arith.constant 0 : i32
        %dma_start3A_734 = tpu.memref_slice %arg7[%add3A_721, %dma_start3A_733] : memref<80x128xi32, #tpu.memory_space<vmem>> -> memref<1x128xi32, #tpu.memory_space<vmem>>
        %dma_start3A_735 = tpu.memref_squeeze %dma_start3A_734 : memref<1x128xi32, #tpu.memory_space<vmem>> -> memref<128xi32, #tpu.memory_space<vmem>>
        %dma_start3A_736 = arith.constant 0 : i32
        %dma_start3A_737 = arith.constant 0 : i32
        %dma_start3A_738 = tpu.memref_slice %arg2[%dma_start3A_736, %dma_start3A_737] : memref<10240x32xf32, #tpu.memory_space<hbm>> -> memref<10240x32xf32, #tpu.memory_space<hbm>>
        tpu.enqueue_indirect_dma source(%dma_start3A_738 : memref<10240x32xf32, #tpu.memory_space<hbm>>) target(%dma_start3A_732 : memref<128x32xf32, #tpu.memory_space<vmem>>) offsets(%dma_start3A_735 : memref<128xi32, #tpu.memory_space<vmem>>) semaphore(%arg12 : memref<!tpu.dma_semaphore, #tpu.memory_space<semaphore_mem>>)
        %mul3A_739 = arith.constant 4 : i32
        %mul3A_740 = arith.muli %add3A_675, %mul3A_739 : i32
        %add3A_741 = arith.constant 3 : i32
        %add3A_742 = arith.addi %mul3A_740, %add3A_741 : i32
        %dma_start3A_743 = arith.constant 0 : i32
        %dma_start3A_744 = arith.constant 3 : i32
        %dma_start3A_745 = arith.constant 0 : i32
        %dma_start3A_746 = arith.constant 0 : i32
        %dma_start3A_747 = arith.constant 0 : i32
        %dma_start3A_748 = tpu.memref_slice %arg9[%dma_start3A_743, %dma_start3A_745, %dma_start3A_746, %dma_start3A_747] : memref<2x4x128x32xf32, #tpu.memory_space<vmem>> -> memref<1x4x128x32xf32, #tpu.memory_space<vmem>>
        %dma_start3A_749 = tpu.memref_squeeze %dma_start3A_748 : memref<1x4x128x32xf32, #tpu.memory_space<vmem>> -> memref<4x128x32xf32, #tpu.memory_space<vmem>>
        %dma_start3A_750 = arith.constant 0 : i32
        %dma_start3A_751 = arith.constant 0 : i32
        %dma_start3A_752 = tpu.memref_slice %dma_start3A_749[%dma_start3A_744, %dma_start3A_750, %dma_start3A_751] : memref<4x128x32xf32, #tpu.memory_space<vmem>> -> memref<1x128x32xf32, #tpu.memory_space<vmem>>
        %dma_start3A_753 = tpu.memref_squeeze %dma_start3A_752 : memref<1x128x32xf32, #tpu.memory_space<vmem>> -> memref<128x32xf32, #tpu.memory_space<vmem>>
        %dma_start3A_754 = arith.constant 0 : i32
        %dma_start3A_755 = tpu.memref_slice %arg7[%add3A_742, %dma_start3A_754] : memref<80x128xi32, #tpu.memory_space<vmem>> -> memref<1x128xi32, #tpu.memory_space<vmem>>
        %dma_start3A_756 = tpu.memref_squeeze %dma_start3A_755 : memref<1x128xi32, #tpu.memory_space<vmem>> -> memref<128xi32, #tpu.memory_space<vmem>>
        %dma_start3A_757 = arith.constant 0 : i32
        %dma_start3A_758 = arith.constant 0 : i32
        %dma_start3A_759 = tpu.memref_slice %arg2[%dma_start3A_757, %dma_start3A_758] : memref<10240x32xf32, #tpu.memory_space<hbm>> -> memref<10240x32xf32, #tpu.memory_space<hbm>>
        tpu.enqueue_indirect_dma source(%dma_start3A_759 : memref<10240x32xf32, #tpu.memory_space<hbm>>) target(%dma_start3A_753 : memref<128x32xf32, #tpu.memory_space<vmem>>) offsets(%dma_start3A_756 : memref<128xi32, #tpu.memory_space<vmem>>) semaphore(%arg12 : memref<!tpu.dma_semaphore, #tpu.memory_space<semaphore_mem>>)
      } else {
      }
      %add3A_502 = arith.constant 1 : i32
      %add3A_503 = arith.addi %mul3A_157, %add3A_502 : i32
      %mul3A_504 = arith.constant 4 : i32
      %mul3A_505 = arith.muli %add3A_503, %mul3A_504 : i32
      %add3A_506 = arith.constant 0 : i32
      %add3A_507 = arith.addi %mul3A_505, %add3A_506 : i32
      %dma_wait3A_508 = arith.constant 1 : i32
      %dma_wait3A_509 = arith.constant 0 : i32
      %dma_wait3A_510 = arith.constant 0 : i32
      %dma_wait3A_511 = arith.constant 0 : i32
      %dma_wait3A_512 = arith.constant 0 : i32
      %dma_wait3A_513 = tpu.memref_slice %arg9[%dma_wait3A_508, %dma_wait3A_510, %dma_wait3A_511, %dma_wait3A_512] : memref<2x4x128x32xf32, #tpu.memory_space<vmem>> -> memref<1x4x128x32xf32, #tpu.memory_space<vmem>>
      %dma_wait3A_514 = tpu.memref_squeeze %dma_wait3A_513 : memref<1x4x128x32xf32, #tpu.memory_space<vmem>> -> memref<4x128x32xf32, #tpu.memory_space<vmem>>
      %dma_wait3A_515 = arith.constant 0 : i32
      %dma_wait3A_516 = arith.constant 0 : i32
      %dma_wait3A_517 = tpu.memref_slice %dma_wait3A_514[%dma_wait3A_509, %dma_wait3A_515, %dma_wait3A_516] : memref<4x128x32xf32, #tpu.memory_space<vmem>> -> memref<1x128x32xf32, #tpu.memory_space<vmem>>
      %dma_wait3A_518 = tpu.memref_squeeze %dma_wait3A_517 : memref<1x128x32xf32, #tpu.memory_space<vmem>> -> memref<128x32xf32, #tpu.memory_space<vmem>>
      %dma_wait3A_519 = arith.constant 0 : i32
      %dma_wait3A_520 = tpu.memref_slice %arg7[%add3A_507, %dma_wait3A_519] : memref<80x128xi32, #tpu.memory_space<vmem>> -> memref<1x128xi32, #tpu.memory_space<vmem>>
      %dma_wait3A_521 = tpu.memref_squeeze %dma_wait3A_520 : memref<1x128xi32, #tpu.memory_space<vmem>> -> memref<128xi32, #tpu.memory_space<vmem>>
      %dma_wait3A_522 = arith.constant 0 : i32
      %dma_wait3A_523 = arith.constant 0 : i32
      %dma_wait3A_524 = tpu.memref_slice %arg2[%dma_wait3A_522, %dma_wait3A_523] : memref<10240x32xf32, #tpu.memory_space<hbm>> -> memref<10240x32xf32, #tpu.memory_space<hbm>>
      tpu.wait_indirect_dma semaphore(%arg12 : memref<!tpu.dma_semaphore, #tpu.memory_space<semaphore_mem>>) src(%dma_wait3A_524 : memref<10240x32xf32, #tpu.memory_space<hbm>>) dst(%dma_wait3A_518 : memref<128x32xf32, #tpu.memory_space<vmem>>)
      %mul3A_525 = arith.constant 4 : i32
      %mul3A_526 = arith.muli %add3A_503, %mul3A_525 : i32
      %add3A_527 = arith.constant 1 : i32
      %add3A_528 = arith.addi %mul3A_526, %add3A_527 : i32
      %dma_wait3A_529 = arith.constant 1 : i32
      %dma_wait3A_530 = arith.constant 1 : i32
      %dma_wait3A_531 = arith.constant 0 : i32
      %dma_wait3A_532 = arith.constant 0 : i32
      %dma_wait3A_533 = arith.constant 0 : i32
      %dma_wait3A_534 = tpu.memref_slice %arg9[%dma_wait3A_529, %dma_wait3A_531, %dma_wait3A_532, %dma_wait3A_533] : memref<2x4x128x32xf32, #tpu.memory_space<vmem>> -> memref<1x4x128x32xf32, #tpu.memory_space<vmem>>
      %dma_wait3A_535 = tpu.memref_squeeze %dma_wait3A_534 : memref<1x4x128x32xf32, #tpu.memory_space<vmem>> -> memref<4x128x32xf32, #tpu.memory_space<vmem>>
      %dma_wait3A_536 = arith.constant 0 : i32
      %dma_wait3A_537 = arith.constant 0 : i32
      %dma_wait3A_538 = tpu.memref_slice %dma_wait3A_535[%dma_wait3A_530, %dma_wait3A_536, %dma_wait3A_537] : memref<4x128x32xf32, #tpu.memory_space<vmem>> -> memref<1x128x32xf32, #tpu.memory_space<vmem>>
      %dma_wait3A_539 = tpu.memref_squeeze %dma_wait3A_538 : memref<1x128x32xf32, #tpu.memory_space<vmem>> -> memref<128x32xf32, #tpu.memory_space<vmem>>
      %dma_wait3A_540 = arith.constant 0 : i32
      %dma_wait3A_541 = tpu.memref_slice %arg7[%add3A_528, %dma_wait3A_540] : memref<80x128xi32, #tpu.memory_space<vmem>> -> memref<1x128xi32, #tpu.memory_space<vmem>>
      %dma_wait3A_542 = tpu.memref_squeeze %dma_wait3A_541 : memref<1x128xi32, #tpu.memory_space<vmem>> -> memref<128xi32, #tpu.memory_space<vmem>>
      %dma_wait3A_543 = arith.constant 0 : i32
      %dma_wait3A_544 = arith.constant 0 : i32
      %dma_wait3A_545 = tpu.memref_slice %arg2[%dma_wait3A_543, %dma_wait3A_544] : memref<10240x32xf32, #tpu.memory_space<hbm>> -> memref<10240x32xf32, #tpu.memory_space<hbm>>
      tpu.wait_indirect_dma semaphore(%arg12 : memref<!tpu.dma_semaphore, #tpu.memory_space<semaphore_mem>>) src(%dma_wait3A_545 : memref<10240x32xf32, #tpu.memory_space<hbm>>) dst(%dma_wait3A_539 : memref<128x32xf32, #tpu.memory_space<vmem>>)
      %mul3A_546 = arith.constant 4 : i32
      %mul3A_547 = arith.muli %add3A_503, %mul3A_546 : i32
      %add3A_548 = arith.constant 2 : i32
      %add3A_549 = arith.addi %mul3A_547, %add3A_548 : i32
      %dma_wait3A_550 = arith.constant 1 : i32
      %dma_wait3A_551 = arith.constant 2 : i32
      %dma_wait3A_552 = arith.constant 0 : i32
      %dma_wait3A_553 = arith.constant 0 : i32
      %dma_wait3A_554 = arith.constant 0 : i32
      %dma_wait3A_555 = tpu.memref_slice %arg9[%dma_wait3A_550, %dma_wait3A_552, %dma_wait3A_553, %dma_wait3A_554] : memref<2x4x128x32xf32, #tpu.memory_space<vmem>> -> memref<1x4x128x32xf32, #tpu.memory_space<vmem>>
      %dma_wait3A_556 = tpu.memref_squeeze %dma_wait3A_555 : memref<1x4x128x32xf32, #tpu.memory_space<vmem>> -> memref<4x128x32xf32, #tpu.memory_space<vmem>>
      %dma_wait3A_557 = arith.constant 0 : i32
      %dma_wait3A_558 = arith.constant 0 : i32
      %dma_wait3A_559 = tpu.memref_slice %dma_wait3A_556[%dma_wait3A_551, %dma_wait3A_557, %dma_wait3A_558] : memref<4x128x32xf32, #tpu.memory_space<vmem>> -> memref<1x128x32xf32, #tpu.memory_space<vmem>>
      %dma_wait3A_560 = tpu.memref_squeeze %dma_wait3A_559 : memref<1x128x32xf32, #tpu.memory_space<vmem>> -> memref<128x32xf32, #tpu.memory_space<vmem>>
      %dma_wait3A_561 = arith.constant 0 : i32
      %dma_wait3A_562 = tpu.memref_slice %arg7[%add3A_549, %dma_wait3A_561] : memref<80x128xi32, #tpu.memory_space<vmem>> -> memref<1x128xi32, #tpu.memory_space<vmem>>
      %dma_wait3A_563 = tpu.memref_squeeze %dma_wait3A_562 : memref<1x128xi32, #tpu.memory_space<vmem>> -> memref<128xi32, #tpu.memory_space<vmem>>
      %dma_wait3A_564 = arith.constant 0 : i32
      %dma_wait3A_565 = arith.constant 0 : i32
      %dma_wait3A_566 = tpu.memref_slice %arg2[%dma_wait3A_564, %dma_wait3A_565] : memref<10240x32xf32, #tpu.memory_space<hbm>> -> memref<10240x32xf32, #tpu.memory_space<hbm>>
      tpu.wait_indirect_dma semaphore(%arg12 : memref<!tpu.dma_semaphore, #tpu.memory_space<semaphore_mem>>) src(%dma_wait3A_566 : memref<10240x32xf32, #tpu.memory_space<hbm>>) dst(%dma_wait3A_560 : memref<128x32xf32, #tpu.memory_space<vmem>>)
      %mul3A_567 = arith.constant 4 : i32
      %mul3A_568 = arith.muli %add3A_503, %mul3A_567 : i32
      %add3A_569 = arith.constant 3 : i32
      %add3A_570 = arith.addi %mul3A_568, %add3A_569 : i32
      %dma_wait3A_571 = arith.constant 1 : i32
      %dma_wait3A_572 = arith.constant 3 : i32
      %dma_wait3A_573 = arith.constant 0 : i32
      %dma_wait3A_574 = arith.constant 0 : i32
      %dma_wait3A_575 = arith.constant 0 : i32
      %dma_wait3A_576 = tpu.memref_slice %arg9[%dma_wait3A_571, %dma_wait3A_573, %dma_wait3A_574, %dma_wait3A_575] : memref<2x4x128x32xf32, #tpu.memory_space<vmem>> -> memref<1x4x128x32xf32, #tpu.memory_space<vmem>>
      %dma_wait3A_577 = tpu.memref_squeeze %dma_wait3A_576 : memref<1x4x128x32xf32, #tpu.memory_space<vmem>> -> memref<4x128x32xf32, #tpu.memory_space<vmem>>
      %dma_wait3A_578 = arith.constant 0 : i32
      %dma_wait3A_579 = arith.constant 0 : i32
      %dma_wait3A_580 = tpu.memref_slice %dma_wait3A_577[%dma_wait3A_572, %dma_wait3A_578, %dma_wait3A_579] : memref<4x128x32xf32, #tpu.memory_space<vmem>> -> memref<1x128x32xf32, #tpu.memory_space<vmem>>
      %dma_wait3A_581 = tpu.memref_squeeze %dma_wait3A_580 : memref<1x128x32xf32, #tpu.memory_space<vmem>> -> memref<128x32xf32, #tpu.memory_space<vmem>>
      %dma_wait3A_582 = arith.constant 0 : i32
      %dma_wait3A_583 = tpu.memref_slice %arg7[%add3A_570, %dma_wait3A_582] : memref<80x128xi32, #tpu.memory_space<vmem>> -> memref<1x128xi32, #tpu.memory_space<vmem>>
      %dma_wait3A_584 = tpu.memref_squeeze %dma_wait3A_583 : memref<1x128xi32, #tpu.memory_space<vmem>> -> memref<128xi32, #tpu.memory_space<vmem>>
      %dma_wait3A_585 = arith.constant 0 : i32
      %dma_wait3A_586 = arith.constant 0 : i32
      %dma_wait3A_587 = tpu.memref_slice %arg2[%dma_wait3A_585, %dma_wait3A_586] : memref<10240x32xf32, #tpu.memory_space<hbm>> -> memref<10240x32xf32, #tpu.memory_space<hbm>>
      tpu.wait_indirect_dma semaphore(%arg12 : memref<!tpu.dma_semaphore, #tpu.memory_space<semaphore_mem>>) src(%dma_wait3A_587 : memref<10240x32xf32, #tpu.memory_space<hbm>>) dst(%dma_wait3A_581 : memref<128x32xf32, #tpu.memory_space<vmem>>)
      %add3A_588 = arith.constant 1 : i32
      %add3A_589 = arith.addi %mul3A_157, %add3A_588 : i32
      %mul3A_590 = arith.constant 4 : i32
      %mul3A_591 = arith.muli %add3A_589, %mul3A_590 : i32
      %add3A_592 = arith.constant 0 : i32
      %add3A_593 = arith.addi %mul3A_591, %add3A_592 : i32
      %dma_start3A_594 = arith.constant 1 : i32
      %dma_start3A_595 = arith.constant 0 : i32
      %dma_start3A_596 = arith.constant 0 : i32
      %dma_start3A_597 = arith.constant 0 : i32
      %dma_start3A_598 = arith.constant 0 : i32
      %dma_start3A_599 = tpu.memref_slice %arg9[%dma_start3A_594, %dma_start3A_596, %dma_start3A_597, %dma_start3A_598] : memref<2x4x128x32xf32, #tpu.memory_space<vmem>> -> memref<1x4x128x32xf32, #tpu.memory_space<vmem>>
      %dma_start3A_600 = tpu.memref_squeeze %dma_start3A_599 : memref<1x4x128x32xf32, #tpu.memory_space<vmem>> -> memref<4x128x32xf32, #tpu.memory_space<vmem>>
      %dma_start3A_601 = arith.constant 0 : i32
      %dma_start3A_602 = arith.constant 0 : i32
      %dma_start3A_603 = tpu.memref_slice %dma_start3A_600[%dma_start3A_595, %dma_start3A_601, %dma_start3A_602] : memref<4x128x32xf32, #tpu.memory_space<vmem>> -> memref<1x128x32xf32, #tpu.memory_space<vmem>>
      %dma_start3A_604 = tpu.memref_squeeze %dma_start3A_603 : memref<1x128x32xf32, #tpu.memory_space<vmem>> -> memref<128x32xf32, #tpu.memory_space<vmem>>
      %dma_start3A_605 = arith.constant 0 : i32
      %dma_start3A_606 = tpu.memref_slice %arg8[%add3A_593, %dma_start3A_605] : memref<80x128xi32, #tpu.memory_space<vmem>> -> memref<1x128xi32, #tpu.memory_space<vmem>>
      %dma_start3A_607 = tpu.memref_squeeze %dma_start3A_606 : memref<1x128xi32, #tpu.memory_space<vmem>> -> memref<128xi32, #tpu.memory_space<vmem>>
      %dma_start3A_608 = arith.constant 0 : i32
      %dma_start3A_609 = arith.constant 0 : i32
      %dma_start3A_610 = tpu.memref_slice %arg11[%dma_start3A_608, %dma_start3A_609] : memref<10240x32xf32, #tpu.memory_space<vmem_shared>> -> memref<10240x32xf32, #tpu.memory_space<vmem_shared>>
      tpu.enqueue_indirect_dma source(%dma_start3A_604 : memref<128x32xf32, #tpu.memory_space<vmem>>) target(%dma_start3A_610 : memref<10240x32xf32, #tpu.memory_space<vmem_shared>>) offsets(%dma_start3A_607 : memref<128xi32, #tpu.memory_space<vmem>>) semaphore(%arg13 : memref<!tpu.dma_semaphore, #tpu.memory_space<semaphore_mem>>) {add = true}
      %mul3A_611 = arith.constant 4 : i32
      %mul3A_612 = arith.muli %add3A_589, %mul3A_611 : i32
      %add3A_613 = arith.constant 1 : i32
      %add3A_614 = arith.addi %mul3A_612, %add3A_613 : i32
      %dma_start3A_615 = arith.constant 1 : i32
      %dma_start3A_616 = arith.constant 1 : i32
      %dma_start3A_617 = arith.constant 0 : i32
      %dma_start3A_618 = arith.constant 0 : i32
      %dma_start3A_619 = arith.constant 0 : i32
      %dma_start3A_620 = tpu.memref_slice %arg9[%dma_start3A_615, %dma_start3A_617, %dma_start3A_618, %dma_start3A_619] : memref<2x4x128x32xf32, #tpu.memory_space<vmem>> -> memref<1x4x128x32xf32, #tpu.memory_space<vmem>>
      %dma_start3A_621 = tpu.memref_squeeze %dma_start3A_620 : memref<1x4x128x32xf32, #tpu.memory_space<vmem>> -> memref<4x128x32xf32, #tpu.memory_space<vmem>>
      %dma_start3A_622 = arith.constant 0 : i32
      %dma_start3A_623 = arith.constant 0 : i32
      %dma_start3A_624 = tpu.memref_slice %dma_start3A_621[%dma_start3A_616, %dma_start3A_622, %dma_start3A_623] : memref<4x128x32xf32, #tpu.memory_space<vmem>> -> memref<1x128x32xf32, #tpu.memory_space<vmem>>
      %dma_start3A_625 = tpu.memref_squeeze %dma_start3A_624 : memref<1x128x32xf32, #tpu.memory_space<vmem>> -> memref<128x32xf32, #tpu.memory_space<vmem>>
      %dma_start3A_626 = arith.constant 0 : i32
      %dma_start3A_627 = tpu.memref_slice %arg8[%add3A_614, %dma_start3A_626] : memref<80x128xi32, #tpu.memory_space<vmem>> -> memref<1x128xi32, #tpu.memory_space<vmem>>
      %dma_start3A_628 = tpu.memref_squeeze %dma_start3A_627 : memref<1x128xi32, #tpu.memory_space<vmem>> -> memref<128xi32, #tpu.memory_space<vmem>>
      %dma_start3A_629 = arith.constant 0 : i32
      %dma_start3A_630 = arith.constant 0 : i32
      %dma_start3A_631 = tpu.memref_slice %arg11[%dma_start3A_629, %dma_start3A_630] : memref<10240x32xf32, #tpu.memory_space<vmem_shared>> -> memref<10240x32xf32, #tpu.memory_space<vmem_shared>>
      tpu.enqueue_indirect_dma source(%dma_start3A_625 : memref<128x32xf32, #tpu.memory_space<vmem>>) target(%dma_start3A_631 : memref<10240x32xf32, #tpu.memory_space<vmem_shared>>) offsets(%dma_start3A_628 : memref<128xi32, #tpu.memory_space<vmem>>) semaphore(%arg13 : memref<!tpu.dma_semaphore, #tpu.memory_space<semaphore_mem>>) {add = true}
      %mul3A_632 = arith.constant 4 : i32
      %mul3A_633 = arith.muli %add3A_589, %mul3A_632 : i32
      %add3A_634 = arith.constant 2 : i32
      %add3A_635 = arith.addi %mul3A_633, %add3A_634 : i32
      %dma_start3A_636 = arith.constant 1 : i32
      %dma_start3A_637 = arith.constant 2 : i32
      %dma_start3A_638 = arith.constant 0 : i32
      %dma_start3A_639 = arith.constant 0 : i32
      %dma_start3A_640 = arith.constant 0 : i32
      %dma_start3A_641 = tpu.memref_slice %arg9[%dma_start3A_636, %dma_start3A_638, %dma_start3A_639, %dma_start3A_640] : memref<2x4x128x32xf32, #tpu.memory_space<vmem>> -> memref<1x4x128x32xf32, #tpu.memory_space<vmem>>
      %dma_start3A_642 = tpu.memref_squeeze %dma_start3A_641 : memref<1x4x128x32xf32, #tpu.memory_space<vmem>> -> memref<4x128x32xf32, #tpu.memory_space<vmem>>
      %dma_start3A_643 = arith.constant 0 : i32
      %dma_start3A_644 = arith.constant 0 : i32
      %dma_start3A_645 = tpu.memref_slice %dma_start3A_642[%dma_start3A_637, %dma_start3A_643, %dma_start3A_644] : memref<4x128x32xf32, #tpu.memory_space<vmem>> -> memref<1x128x32xf32, #tpu.memory_space<vmem>>
      %dma_start3A_646 = tpu.memref_squeeze %dma_start3A_645 : memref<1x128x32xf32, #tpu.memory_space<vmem>> -> memref<128x32xf32, #tpu.memory_space<vmem>>
      %dma_start3A_647 = arith.constant 0 : i32
      %dma_start3A_648 = tpu.memref_slice %arg8[%add3A_635, %dma_start3A_647] : memref<80x128xi32, #tpu.memory_space<vmem>> -> memref<1x128xi32, #tpu.memory_space<vmem>>
      %dma_start3A_649 = tpu.memref_squeeze %dma_start3A_648 : memref<1x128xi32, #tpu.memory_space<vmem>> -> memref<128xi32, #tpu.memory_space<vmem>>
      %dma_start3A_650 = arith.constant 0 : i32
      %dma_start3A_651 = arith.constant 0 : i32
      %dma_start3A_652 = tpu.memref_slice %arg11[%dma_start3A_650, %dma_start3A_651] : memref<10240x32xf32, #tpu.memory_space<vmem_shared>> -> memref<10240x32xf32, #tpu.memory_space<vmem_shared>>
      tpu.enqueue_indirect_dma source(%dma_start3A_646 : memref<128x32xf32, #tpu.memory_space<vmem>>) target(%dma_start3A_652 : memref<10240x32xf32, #tpu.memory_space<vmem_shared>>) offsets(%dma_start3A_649 : memref<128xi32, #tpu.memory_space<vmem>>) semaphore(%arg13 : memref<!tpu.dma_semaphore, #tpu.memory_space<semaphore_mem>>) {add = true}
      %mul3A_653 = arith.constant 4 : i32
      %mul3A_654 = arith.muli %add3A_589, %mul3A_653 : i32
      %add3A_655 = arith.constant 3 : i32
      %add3A_656 = arith.addi %mul3A_654, %add3A_655 : i32
      %dma_start3A_657 = arith.constant 1 : i32
      %dma_start3A_658 = arith.constant 3 : i32
      %dma_start3A_659 = arith.constant 0 : i32
      %dma_start3A_660 = arith.constant 0 : i32
      %dma_start3A_661 = arith.constant 0 : i32
      %dma_start3A_662 = tpu.memref_slice %arg9[%dma_start3A_657, %dma_start3A_659, %dma_start3A_660, %dma_start3A_661] : memref<2x4x128x32xf32, #tpu.memory_space<vmem>> -> memref<1x4x128x32xf32, #tpu.memory_space<vmem>>
      %dma_start3A_663 = tpu.memref_squeeze %dma_start3A_662 : memref<1x4x128x32xf32, #tpu.memory_space<vmem>> -> memref<4x128x32xf32, #tpu.memory_space<vmem>>
      %dma_start3A_664 = arith.constant 0 : i32
      %dma_start3A_665 = arith.constant 0 : i32
      %dma_start3A_666 = tpu.memref_slice %dma_start3A_663[%dma_start3A_658, %dma_start3A_664, %dma_start3A_665] : memref<4x128x32xf32, #tpu.memory_space<vmem>> -> memref<1x128x32xf32, #tpu.memory_space<vmem>>
      %dma_start3A_667 = tpu.memref_squeeze %dma_start3A_666 : memref<1x128x32xf32, #tpu.memory_space<vmem>> -> memref<128x32xf32, #tpu.memory_space<vmem>>
      %dma_start3A_668 = arith.constant 0 : i32
      %dma_start3A_669 = tpu.memref_slice %arg8[%add3A_656, %dma_start3A_668] : memref<80x128xi32, #tpu.memory_space<vmem>> -> memref<1x128xi32, #tpu.memory_space<vmem>>
      %dma_start3A_670 = tpu.memref_squeeze %dma_start3A_669 : memref<1x128xi32, #tpu.memory_space<vmem>> -> memref<128xi32, #tpu.memory_space<vmem>>
      %dma_start3A_671 = arith.constant 0 : i32
      %dma_start3A_672 = arith.constant 0 : i32
      %dma_start3A_673 = tpu.memref_slice %arg11[%dma_start3A_671, %dma_start3A_672] : memref<10240x32xf32, #tpu.memory_space<vmem_shared>> -> memref<10240x32xf32, #tpu.memory_space<vmem_shared>>
      tpu.enqueue_indirect_dma source(%dma_start3A_667 : memref<128x32xf32, #tpu.memory_space<vmem>>) target(%dma_start3A_673 : memref<10240x32xf32, #tpu.memory_space<vmem_shared>>) offsets(%dma_start3A_670 : memref<128xi32, #tpu.memory_space<vmem>>) semaphore(%arg13 : memref<!tpu.dma_semaphore, #tpu.memory_space<semaphore_mem>>) {add = true}
    }
    %scan3A_78 = arith.constant 10 : i32
    %dma_wait3A = arith.constant 1 : i32
    %dma_wait3A_79 = arith.constant 0 : i32
    %dma_wait3A_80 = arith.constant 76 : i32
    %dma_wait3A_81 = arith.constant 0 : i32
    %dma_wait3A_82 = arith.constant 0 : i32
    %dma_wait3A_83 = arith.constant 0 : i32
    %dma_wait3A_84 = tpu.memref_slice %arg9[%dma_wait3A, %dma_wait3A_81, %dma_wait3A_82, %dma_wait3A_83] : memref<2x4x128x32xf32, #tpu.memory_space<vmem>> -> memref<1x4x128x32xf32, #tpu.memory_space<vmem>>
    %dma_wait3A_85 = tpu.memref_squeeze %dma_wait3A_84 : memref<1x4x128x32xf32, #tpu.memory_space<vmem>> -> memref<4x128x32xf32, #tpu.memory_space<vmem>>
    %dma_wait3A_86 = arith.constant 0 : i32
    %dma_wait3A_87 = arith.constant 0 : i32
    %dma_wait3A_88 = tpu.memref_slice %dma_wait3A_85[%dma_wait3A_79, %dma_wait3A_86, %dma_wait3A_87] : memref<4x128x32xf32, #tpu.memory_space<vmem>> -> memref<1x128x32xf32, #tpu.memory_space<vmem>>
    %dma_wait3A_89 = tpu.memref_squeeze %dma_wait3A_88 : memref<1x128x32xf32, #tpu.memory_space<vmem>> -> memref<128x32xf32, #tpu.memory_space<vmem>>
    %dma_wait3A_90 = arith.constant 0 : i32
    %dma_wait3A_91 = tpu.memref_slice %arg8[%dma_wait3A_80, %dma_wait3A_90] : memref<80x128xi32, #tpu.memory_space<vmem>> -> memref<1x128xi32, #tpu.memory_space<vmem>>
    %dma_wait3A_92 = tpu.memref_squeeze %dma_wait3A_91 : memref<1x128xi32, #tpu.memory_space<vmem>> -> memref<128xi32, #tpu.memory_space<vmem>>
    %dma_wait3A_93 = arith.constant 0 : i32
    %dma_wait3A_94 = arith.constant 0 : i32
    %dma_wait3A_95 = tpu.memref_slice %arg11[%dma_wait3A_93, %dma_wait3A_94] : memref<10240x32xf32, #tpu.memory_space<vmem_shared>> -> memref<10240x32xf32, #tpu.memory_space<vmem_shared>>
    tpu.wait_indirect_dma semaphore(%arg13 : memref<!tpu.dma_semaphore, #tpu.memory_space<semaphore_mem>>) src(%dma_wait3A_89 : memref<128x32xf32, #tpu.memory_space<vmem>>) dst(%dma_wait3A_95 : memref<10240x32xf32, #tpu.memory_space<vmem_shared>>)
    %dma_wait3A_96 = arith.constant 1 : i32
    %dma_wait3A_97 = arith.constant 1 : i32
    %dma_wait3A_98 = arith.constant 77 : i32
    %dma_wait3A_99 = arith.constant 0 : i32
    %dma_wait3A_100 = arith.constant 0 : i32
    %dma_wait3A_101 = arith.constant 0 : i32
    %dma_wait3A_102 = tpu.memref_slice %arg9[%dma_wait3A_96, %dma_wait3A_99, %dma_wait3A_100, %dma_wait3A_101] : memref<2x4x128x32xf32, #tpu.memory_space<vmem>> -> memref<1x4x128x32xf32, #tpu.memory_space<vmem>>
    %dma_wait3A_103 = tpu.memref_squeeze %dma_wait3A_102 : memref<1x4x128x32xf32, #tpu.memory_space<vmem>> -> memref<4x128x32xf32, #tpu.memory_space<vmem>>
    %dma_wait3A_104 = arith.constant 0 : i32
    %dma_wait3A_105 = arith.constant 0 : i32
    %dma_wait3A_106 = tpu.memref_slice %dma_wait3A_103[%dma_wait3A_97, %dma_wait3A_104, %dma_wait3A_105] : memref<4x128x32xf32, #tpu.memory_space<vmem>> -> memref<1x128x32xf32, #tpu.memory_space<vmem>>
    %dma_wait3A_107 = tpu.memref_squeeze %dma_wait3A_106 : memref<1x128x32xf32, #tpu.memory_space<vmem>> -> memref<128x32xf32, #tpu.memory_space<vmem>>
    %dma_wait3A_108 = arith.constant 0 : i32
    %dma_wait3A_109 = tpu.memref_slice %arg8[%dma_wait3A_98, %dma_wait3A_108] : memref<80x128xi32, #tpu.memory_space<vmem>> -> memref<1x128xi32, #tpu.memory_space<vmem>>
    %dma_wait3A_110 = tpu.memref_squeeze %dma_wait3A_109 : memref<1x128xi32, #tpu.memory_space<vmem>> -> memref<128xi32, #tpu.memory_space<vmem>>
    %dma_wait3A_111 = arith.constant 0 : i32
    %dma_wait3A_112 = arith.constant 0 : i32
    %dma_wait3A_113 = tpu.memref_slice %arg11[%dma_wait3A_111, %dma_wait3A_112] : memref<10240x32xf32, #tpu.memory_space<vmem_shared>> -> memref<10240x32xf32, #tpu.memory_space<vmem_shared>>
    tpu.wait_indirect_dma semaphore(%arg13 : memref<!tpu.dma_semaphore, #tpu.memory_space<semaphore_mem>>) src(%dma_wait3A_107 : memref<128x32xf32, #tpu.memory_space<vmem>>) dst(%dma_wait3A_113 : memref<10240x32xf32, #tpu.memory_space<vmem_shared>>)
    %dma_wait3A_114 = arith.constant 1 : i32
    %dma_wait3A_115 = arith.constant 2 : i32
    %dma_wait3A_116 = arith.constant 78 : i32
    %dma_wait3A_117 = arith.constant 0 : i32
    %dma_wait3A_118 = arith.constant 0 : i32
    %dma_wait3A_119 = arith.constant 0 : i32
    %dma_wait3A_120 = tpu.memref_slice %arg9[%dma_wait3A_114, %dma_wait3A_117, %dma_wait3A_118, %dma_wait3A_119] : memref<2x4x128x32xf32, #tpu.memory_space<vmem>> -> memref<1x4x128x32xf32, #tpu.memory_space<vmem>>
    %dma_wait3A_121 = tpu.memref_squeeze %dma_wait3A_120 : memref<1x4x128x32xf32, #tpu.memory_space<vmem>> -> memref<4x128x32xf32, #tpu.memory_space<vmem>>
    %dma_wait3A_122 = arith.constant 0 : i32
    %dma_wait3A_123 = arith.constant 0 : i32
    %dma_wait3A_124 = tpu.memref_slice %dma_wait3A_121[%dma_wait3A_115, %dma_wait3A_122, %dma_wait3A_123] : memref<4x128x32xf32, #tpu.memory_space<vmem>> -> memref<1x128x32xf32, #tpu.memory_space<vmem>>
    %dma_wait3A_125 = tpu.memref_squeeze %dma_wait3A_124 : memref<1x128x32xf32, #tpu.memory_space<vmem>> -> memref<128x32xf32, #tpu.memory_space<vmem>>
    %dma_wait3A_126 = arith.constant 0 : i32
    %dma_wait3A_127 = tpu.memref_slice %arg8[%dma_wait3A_116, %dma_wait3A_126] : memref<80x128xi32, #tpu.memory_space<vmem>> -> memref<1x128xi32, #tpu.memory_space<vmem>>
    %dma_wait3A_128 = tpu.memref_squeeze %dma_wait3A_127 : memref<1x128xi32, #tpu.memory_space<vmem>> -> memref<128xi32, #tpu.memory_space<vmem>>
    %dma_wait3A_129 = arith.constant 0 : i32
    %dma_wait3A_130 = arith.constant 0 : i32
    %dma_wait3A_131 = tpu.memref_slice %arg11[%dma_wait3A_129, %dma_wait3A_130] : memref<10240x32xf32, #tpu.memory_space<vmem_shared>> -> memref<10240x32xf32, #tpu.memory_space<vmem_shared>>
    tpu.wait_indirect_dma semaphore(%arg13 : memref<!tpu.dma_semaphore, #tpu.memory_space<semaphore_mem>>) src(%dma_wait3A_125 : memref<128x32xf32, #tpu.memory_space<vmem>>) dst(%dma_wait3A_131 : memref<10240x32xf32, #tpu.memory_space<vmem_shared>>)
    %dma_wait3A_132 = arith.constant 1 : i32
    %dma_wait3A_133 = arith.constant 3 : i32
    %dma_wait3A_134 = arith.constant 79 : i32
    %dma_wait3A_135 = arith.constant 0 : i32
    %dma_wait3A_136 = arith.constant 0 : i32
    %dma_wait3A_137 = arith.constant 0 : i32
    %dma_wait3A_138 = tpu.memref_slice %arg9[%dma_wait3A_132, %dma_wait3A_135, %dma_wait3A_136, %dma_wait3A_137] : memref<2x4x128x32xf32, #tpu.memory_space<vmem>> -> memref<1x4x128x32xf32, #tpu.memory_space<vmem>>
    %dma_wait3A_139 = tpu.memref_squeeze %dma_wait3A_138 : memref<1x4x128x32xf32, #tpu.memory_space<vmem>> -> memref<4x128x32xf32, #tpu.memory_space<vmem>>
    %dma_wait3A_140 = arith.constant 0 : i32
    %dma_wait3A_141 = arith.constant 0 : i32
    %dma_wait3A_142 = tpu.memref_slice %dma_wait3A_139[%dma_wait3A_133, %dma_wait3A_140, %dma_wait3A_141] : memref<4x128x32xf32, #tpu.memory_space<vmem>> -> memref<1x128x32xf32, #tpu.memory_space<vmem>>
    %dma_wait3A_143 = tpu.memref_squeeze %dma_wait3A_142 : memref<1x128x32xf32, #tpu.memory_space<vmem>> -> memref<128x32xf32, #tpu.memory_space<vmem>>
    %dma_wait3A_144 = arith.constant 0 : i32
    %dma_wait3A_145 = tpu.memref_slice %arg8[%dma_wait3A_134, %dma_wait3A_144] : memref<80x128xi32, #tpu.memory_space<vmem>> -> memref<1x128xi32, #tpu.memory_space<vmem>>
    %dma_wait3A_146 = tpu.memref_squeeze %dma_wait3A_145 : memref<1x128xi32, #tpu.memory_space<vmem>> -> memref<128xi32, #tpu.memory_space<vmem>>
    %dma_wait3A_147 = arith.constant 0 : i32
    %dma_wait3A_148 = arith.constant 0 : i32
    %dma_wait3A_149 = tpu.memref_slice %arg11[%dma_wait3A_147, %dma_wait3A_148] : memref<10240x32xf32, #tpu.memory_space<vmem_shared>> -> memref<10240x32xf32, #tpu.memory_space<vmem_shared>>
    tpu.wait_indirect_dma semaphore(%arg13 : memref<!tpu.dma_semaphore, #tpu.memory_space<semaphore_mem>>) src(%dma_wait3A_143 : memref<128x32xf32, #tpu.memory_space<vmem>>) dst(%dma_wait3A_149 : memref<10240x32xf32, #tpu.memory_space<vmem_shared>>)
    %barrier3A_150 = arith.constant 0 : index
    tpu.barrier barrier_id(%barrier3A_150)
    %mul3A_151 = arith.constant 640 : i32
    %mul3A_152 = arith.muli %arg1, %mul3A_151 : i32
    "tpu.region"() ({
      %run_scoped3A = tpu.sem_alloc : memref<!tpu.dma_semaphore, #tpu.memory_space<semaphore_mem>>
      %dma_start3A_155 = arith.constant 0 : i32
      %dma_start3A_156 = tpu.memref_slice %arg11[%mul3A_152, %dma_start3A_155] : memref<10240x32xf32, #tpu.memory_space<vmem_shared>> -> memref<640x32xf32, #tpu.memory_space<vmem_shared>>
      %dma_start3A_157 = arith.constant 0 : i32
      %dma_start3A_158 = tpu.memref_slice %arg11[%mul3A_152, %dma_start3A_157] : memref<10240x32xf32, #tpu.memory_space<vmem_shared>> -> memref<640x32xf32, #tpu.memory_space<vmem_shared>>
      tpu.enqueue_dma source(%dma_start3A_158 : memref<640x32xf32, #tpu.memory_space<vmem_shared>>) target(%arg10 : memref<640x32xf32, #tpu.memory_space<vmem>>) target_semaphore(%run_scoped3A : memref<!tpu.dma_semaphore, #tpu.memory_space<semaphore_mem>>)
      %dma_wait3A_159 = arith.constant 0 : i32
      %dma_wait3A_160 = tpu.memref_slice %arg11[%mul3A_152, %dma_wait3A_159] : memref<10240x32xf32, #tpu.memory_space<vmem_shared>> -> memref<640x32xf32, #tpu.memory_space<vmem_shared>>
      %dma_wait3A_161 = arith.constant 0 : i32
      %dma_wait3A_162 = tpu.memref_slice %arg11[%mul3A_152, %dma_wait3A_161] : memref<10240x32xf32, #tpu.memory_space<vmem_shared>> -> memref<640x32xf32, #tpu.memory_space<vmem_shared>>
      tpu.wait_dma2 semaphore(%run_scoped3A : memref<!tpu.dma_semaphore, #tpu.memory_space<semaphore_mem>>) src(%dma_wait3A_162 : memref<640x32xf32, #tpu.memory_space<vmem_shared>>) dst(%arg10 : memref<640x32xf32, #tpu.memory_space<vmem>>)
      tpu.yield
    }) : () -> ()
    %mul3A_153 = arith.constant 640 : i32
    %mul3A_154 = arith.muli %arg1, %mul3A_153 : i32
    "tpu.region"() ({
      %run_scoped3A = tpu.sem_alloc : memref<!tpu.dma_semaphore, #tpu.memory_space<semaphore_mem>>
      %dma_start3A_155 = arith.constant 0 : i32
      %dma_start3A_156 = arith.constant 0 : i32
      %dma_start3A_157 = tpu.memref_slice %arg6[%arg0, %dma_start3A_155, %dma_start3A_156] : memref<2x10240x32xf32, #tpu.memory_space<hbm>> -> memref<1x10240x32xf32, #tpu.memory_space<hbm>>
      %dma_start3A_158 = tpu.memref_squeeze %dma_start3A_157 : memref<1x10240x32xf32, #tpu.memory_space<hbm>> -> memref<10240x32xf32, #tpu.memory_space<hbm>>
      %dma_start3A_159 = arith.constant 0 : i32
      %dma_start3A_160 = tpu.memref_slice %dma_start3A_158[%mul3A_154, %dma_start3A_159] : memref<10240x32xf32, #tpu.memory_space<hbm>> -> memref<640x32xf32, #tpu.memory_space<hbm>>
      %dma_start3A_161 = arith.constant 0 : i32
      %dma_start3A_162 = arith.constant 0 : i32
      %dma_start3A_163 = tpu.memref_slice %arg6[%arg0, %dma_start3A_161, %dma_start3A_162] : memref<2x10240x32xf32, #tpu.memory_space<hbm>> -> memref<1x10240x32xf32, #tpu.memory_space<hbm>>
      %dma_start3A_164 = tpu.memref_squeeze %dma_start3A_163 : memref<1x10240x32xf32, #tpu.memory_space<hbm>> -> memref<10240x32xf32, #tpu.memory_space<hbm>>
      %dma_start3A_165 = arith.constant 0 : i32
      %dma_start3A_166 = tpu.memref_slice %dma_start3A_164[%mul3A_154, %dma_start3A_165] : memref<10240x32xf32, #tpu.memory_space<hbm>> -> memref<640x32xf32, #tpu.memory_space<hbm>>
      tpu.enqueue_dma source(%arg10 : memref<640x32xf32, #tpu.memory_space<vmem>>) target(%dma_start3A_166 : memref<640x32xf32, #tpu.memory_space<hbm>>) target_semaphore(%run_scoped3A : memref<!tpu.dma_semaphore, #tpu.memory_space<semaphore_mem>>)
      %dma_wait3A_167 = arith.constant 0 : i32
      %dma_wait3A_168 = arith.constant 0 : i32
      %dma_wait3A_169 = tpu.memref_slice %arg6[%arg0, %dma_wait3A_167, %dma_wait3A_168] : memref<2x10240x32xf32, #tpu.memory_space<hbm>> -> memref<1x10240x32xf32, #tpu.memory_space<hbm>>
      %dma_wait3A_170 = tpu.memref_squeeze %dma_wait3A_169 : memref<1x10240x32xf32, #tpu.memory_space<hbm>> -> memref<10240x32xf32, #tpu.memory_space<hbm>>
      %dma_wait3A_171 = arith.constant 0 : i32
      %dma_wait3A_172 = tpu.memref_slice %dma_wait3A_170[%mul3A_154, %dma_wait3A_171] : memref<10240x32xf32, #tpu.memory_space<hbm>> -> memref<640x32xf32, #tpu.memory_space<hbm>>
      %dma_wait3A_173 = arith.constant 0 : i32
      %dma_wait3A_174 = arith.constant 0 : i32
      %dma_wait3A_175 = tpu.memref_slice %arg6[%arg0, %dma_wait3A_173, %dma_wait3A_174] : memref<2x10240x32xf32, #tpu.memory_space<hbm>> -> memref<1x10240x32xf32, #tpu.memory_space<hbm>>
      %dma_wait3A_176 = tpu.memref_squeeze %dma_wait3A_175 : memref<1x10240x32xf32, #tpu.memory_space<hbm>> -> memref<10240x32xf32, #tpu.memory_space<hbm>>
      %dma_wait3A_177 = arith.constant 0 : i32
      %dma_wait3A_178 = tpu.memref_slice %dma_wait3A_176[%mul3A_154, %dma_wait3A_177] : memref<10240x32xf32, #tpu.memory_space<hbm>> -> memref<640x32xf32, #tpu.memory_space<hbm>>
      tpu.wait_dma2 semaphore(%run_scoped3A : memref<!tpu.dma_semaphore, #tpu.memory_space<semaphore_mem>>) src(%arg10 : memref<640x32xf32, #tpu.memory_space<vmem>>) dst(%dma_wait3A_178 : memref<640x32xf32, #tpu.memory_space<hbm>>)
      tpu.yield
    }) : () -> ()
    return
  }
}

module attributes {stable_mosaic.version = 14 : i64} {
  func.func @_stage_a_body(%arg0: i32, %arg1: memref<2048x128xf32, #tpu.memory_space<vmem>>, %arg2: memref<256x32xf32, #tpu.memory_space<vmem>>, %arg3: memref<256x32xf32, #tpu.memory_space<vmem>>, %arg4: memref<4x32x32xf32, #tpu.memory_space<vmem>>, %arg5: memref<2048x32xf32, #tpu.memory_space<vmem>>) attributes {dimension_semantics = [#tpu.dimension_semantics<arbitrary>], iteration_bounds = array<i64: 5>, scalar_prefetch = 0 : i64, scratch_operands = 0 : i64, tpu.core_type = #tpu.core_type<tc>, window_params = [{transform_indices = @transform_0, window_bounds = array<i64: 2048, 128>}, {pipeline_mode = #tpu.pipeline_mode<synchronous>, transform_indices = @transform_1, window_bounds = array<i64: 256, 32>}, {pipeline_mode = #tpu.pipeline_mode<synchronous>, transform_indices = @transform_2, window_bounds = array<i64: 256, 32>}, {pipeline_mode = #tpu.pipeline_mode<synchronous>, transform_indices = @transform_3, window_bounds = array<i64: 4, 32, 32>}, {transform_indices = @transform_4, window_bounds = array<i64: 2048, 32>}]} {
    %get3A = arith.constant 0 : index
    %get3A_0 = arith.constant 0 : index
    %get3A_1 = vector.load %arg1[%get3A, %get3A_0] : memref<2048x128xf32, #tpu.memory_space<vmem>>, vector<2048x128xf32>
    %mul3A = arith.constant 2.000000e+00 : f32
    %mul3A_2 = vector.broadcast %mul3A : f32 to vector<2048x128xf32>
    %mul3A_3 = arith.mulf %mul3A_2, %get3A_1 : vector<2048x128xf32>
    %cos3A = math.cos %get3A_1 : vector<2048x128xf32>
    %cos3A_4 = math.cos %mul3A_3 : vector<2048x128xf32>
    %concatenate3A = tpu.concatenate %cos3A, %cos3A_4 in 1 : vector<2048x128xf32>, vector<2048x128xf32> -> vector<2048x256xf32>
    %sin3A = math.sin %get3A_1 : vector<2048x128xf32>
    %sin3A_5 = math.sin %mul3A_3 : vector<2048x128xf32>
    %concatenate3A_6 = tpu.concatenate %sin3A, %sin3A_5 in 1 : vector<2048x128xf32>, vector<2048x128xf32> -> vector<2048x256xf32>
    %get3A_7 = arith.constant 0 : index
    %get3A_8 = arith.constant 0 : index
    %get3A_9 = vector.load %arg2[%get3A_7, %get3A_8] : memref<256x32xf32, #tpu.memory_space<vmem>>, vector<256x32xf32>
    %dot_general3A = arith.constant dense<0.000000e+00> : vector<32x2048xf32>
    %dot_general3A_10 = tpu.matmul %get3A_9, %concatenate3A, %dot_general3A {dimension_numbers = #tpu.dot_dimension_numbers<[0], [1], [1], [0], [0, 1, 1, 0], [], []>, transpose_lhs_hint = false} : vector<256x32xf32>, vector<2048x256xf32>, vector<32x2048xf32> -> vector<32x2048xf32>
    %get3A_11 = arith.constant 0 : index
    %get3A_12 = arith.constant 0 : index
    %get3A_13 = vector.load %arg3[%get3A_11, %get3A_12] : memref<256x32xf32, #tpu.memory_space<vmem>>, vector<256x32xf32>
    %dot_general3A_14 = arith.constant dense<0.000000e+00> : vector<32x2048xf32>
    %dot_general3A_15 = tpu.matmul %get3A_13, %concatenate3A_6, %dot_general3A_14 {dimension_numbers = #tpu.dot_dimension_numbers<[0], [1], [1], [0], [0, 1, 1, 0], [], []>, transpose_lhs_hint = false} : vector<256x32xf32>, vector<2048x256xf32>, vector<32x2048xf32> -> vector<32x2048xf32>
    %add3A = arith.addf %dot_general3A_10, %dot_general3A_15 : vector<32x2048xf32>
    %mul3A_16 = arith.constant 2.000000e+00 : f32
    %mul3A_17 = vector.broadcast %mul3A_16 : f32 to vector<32x2048xf32>
    %mul3A_18 = arith.mulf %mul3A_17, %add3A : vector<32x2048xf32>
    %get3A_19 = arith.constant 0 : index
    %get3A_20 = arith.constant 0 : index
    %get3A_21 = arith.constant 0 : index
    %get3A_22 = vector.load %arg4[%get3A_19, %get3A_20, %get3A_21] : memref<4x32x32xf32, #tpu.memory_space<vmem>>, vector<1x32x32xf32>
    %get3A_23 = vector.shape_cast %get3A_22 : vector<1x32x32xf32> to vector<32x32xf32>
    %cos3A_24 = math.cos %add3A : vector<32x2048xf32>
    %dot_general3A_25 = arith.constant dense<0.000000e+00> : vector<32x2048xf32>
    %dot_general3A_26 = tpu.matmul %get3A_23, %cos3A_24, %dot_general3A_25 {dimension_numbers = #tpu.dot_dimension_numbers<[1], [0], [0], [1], [0, 0, 1, 1], [], []>, transpose_lhs_hint = false} : vector<32x32xf32>, vector<32x2048xf32>, vector<32x2048xf32> -> vector<32x2048xf32>
    %get3A_27 = arith.constant 1 : index
    %get3A_28 = arith.constant 0 : index
    %get3A_29 = arith.constant 0 : index
    %get3A_30 = vector.load %arg4[%get3A_27, %get3A_28, %get3A_29] : memref<4x32x32xf32, #tpu.memory_space<vmem>>, vector<1x32x32xf32>
    %get3A_31 = vector.shape_cast %get3A_30 : vector<1x32x32xf32> to vector<32x32xf32>
    %cos3A_32 = math.cos %mul3A_18 : vector<32x2048xf32>
    %dot_general3A_33 = arith.constant dense<0.000000e+00> : vector<32x2048xf32>
    %dot_general3A_34 = tpu.matmul %get3A_31, %cos3A_32, %dot_general3A_33 {dimension_numbers = #tpu.dot_dimension_numbers<[1], [0], [0], [1], [0, 0, 1, 1], [], []>, transpose_lhs_hint = false} : vector<32x32xf32>, vector<32x2048xf32>, vector<32x2048xf32> -> vector<32x2048xf32>
    %add3A_35 = arith.addf %dot_general3A_26, %dot_general3A_34 : vector<32x2048xf32>
    %get3A_36 = arith.constant 2 : index
    %get3A_37 = arith.constant 0 : index
    %get3A_38 = arith.constant 0 : index
    %get3A_39 = vector.load %arg4[%get3A_36, %get3A_37, %get3A_38] : memref<4x32x32xf32, #tpu.memory_space<vmem>>, vector<1x32x32xf32>
    %get3A_40 = vector.shape_cast %get3A_39 : vector<1x32x32xf32> to vector<32x32xf32>
    %sin3A_41 = math.sin %add3A : vector<32x2048xf32>
    %dot_general3A_42 = arith.constant dense<0.000000e+00> : vector<32x2048xf32>
    %dot_general3A_43 = tpu.matmul %get3A_40, %sin3A_41, %dot_general3A_42 {dimension_numbers = #tpu.dot_dimension_numbers<[1], [0], [0], [1], [0, 0, 1, 1], [], []>, transpose_lhs_hint = false} : vector<32x32xf32>, vector<32x2048xf32>, vector<32x2048xf32> -> vector<32x2048xf32>
    %add3A_44 = arith.addf %add3A_35, %dot_general3A_43 : vector<32x2048xf32>
    %get3A_45 = arith.constant 3 : index
    %get3A_46 = arith.constant 0 : index
    %get3A_47 = arith.constant 0 : index
    %get3A_48 = vector.load %arg4[%get3A_45, %get3A_46, %get3A_47] : memref<4x32x32xf32, #tpu.memory_space<vmem>>, vector<1x32x32xf32>
    %get3A_49 = vector.shape_cast %get3A_48 : vector<1x32x32xf32> to vector<32x32xf32>
    %sin3A_50 = math.sin %mul3A_18 : vector<32x2048xf32>
    %dot_general3A_51 = arith.constant dense<0.000000e+00> : vector<32x2048xf32>
    %dot_general3A_52 = tpu.matmul %get3A_49, %sin3A_50, %dot_general3A_51 {dimension_numbers = #tpu.dot_dimension_numbers<[1], [0], [0], [1], [0, 0, 1, 1], [], []>, transpose_lhs_hint = false} : vector<32x32xf32>, vector<32x2048xf32>, vector<32x2048xf32> -> vector<32x2048xf32>
    %add3A_53 = arith.addf %add3A_44, %dot_general3A_52 : vector<32x2048xf32>
    %transpose3A = tpu.transpose %add3A_53, [1, 0] : vector<32x2048xf32> -> vector<2048x32xf32>
    %swap3A = arith.constant 0 : index
    %swap3A_54 = arith.constant 0 : index
    %swap3A_55 = vector.load %arg5[%swap3A, %swap3A_54] : memref<2048x32xf32, #tpu.memory_space<vmem>>, vector<2048x32xf32>
    tpu.vector_store %arg5[%swap3A, %swap3A_54], %transpose3A {strides = array<i32>} : memref<2048x32xf32, #tpu.memory_space<vmem>>, vector<2048x32xf32>,
    return
  }
  func.func @transform_0(%arg0: i32) -> (i32, i32) {
    %c0_i32 = arith.constant 0 : i32
    %c0_i32_0 = arith.constant 0 : i32
    return %arg0, %c0_i32 : i32, i32
  }
  func.func @transform_1(%arg0: i32) -> (i32, i32) {
    %c0_i32 = arith.constant 0 : i32
    %c0_i32_0 = arith.constant 0 : i32
    %c0_i32_1 = arith.constant 0 : i32
    return %c0_i32, %c0_i32_0 : i32, i32
  }
  func.func @transform_2(%arg0: i32) -> (i32, i32) {
    %c0_i32 = arith.constant 0 : i32
    %c0_i32_0 = arith.constant 0 : i32
    %c0_i32_1 = arith.constant 0 : i32
    return %c0_i32, %c0_i32_0 : i32, i32
  }
  func.func @transform_3(%arg0: i32) -> (i32, i32, i32) {
    %c0_i32 = arith.constant 0 : i32
    %c0_i32_0 = arith.constant 0 : i32
    %c0_i32_1 = arith.constant 0 : i32
    %c0_i32_2 = arith.constant 0 : i32
    return %c0_i32, %c0_i32_0, %c0_i32_1 : i32, i32, i32
  }
  func.func @transform_4(%arg0: i32) -> (i32, i32) {
    %c0_i32 = arith.constant 0 : i32
    %c0_i32_0 = arith.constant 0 : i32
    return %arg0, %c0_i32 : i32, i32
  }
}

module attributes {stable_mosaic.version = 14 : i64} {
  func.func @_stage_b_body(%arg0: memref<2x2560x128xf32, #tpu.memory_space<vmem>>, %arg1: memref<4x128x128xf32, #tpu.memory_space<vmem>>, %arg2: memref<2560x128xf32, #tpu.memory_space<vmem>>) attributes {dimension_semantics = [], scalar_prefetch = 0 : i64, scratch_operands = 0 : i64, tpu.core_type = #tpu.core_type<tc>} {
    %get3A = arith.constant 0 : index
    %get3A_0 = arith.constant 0 : index
    %get3A_1 = arith.constant 0 : index
    %get3A_2 = vector.load %arg0[%get3A, %get3A_0, %get3A_1] : memref<2x2560x128xf32, #tpu.memory_space<vmem>>, vector<1x2560x128xf32>
    %get3A_3 = vector.shape_cast %get3A_2 : vector<1x2560x128xf32> to vector<2560x128xf32>
    %get3A_4 = arith.constant 1 : index
    %get3A_5 = arith.constant 0 : index
    %get3A_6 = arith.constant 0 : index
    %get3A_7 = vector.load %arg0[%get3A_4, %get3A_5, %get3A_6] : memref<2x2560x128xf32, #tpu.memory_space<vmem>>, vector<1x2560x128xf32>
    %get3A_8 = vector.shape_cast %get3A_7 : vector<1x2560x128xf32> to vector<2560x128xf32>
    %add3A = arith.addf %get3A_3, %get3A_8 : vector<2560x128xf32>
    %get3A_9 = arith.constant 0 : index
    %get3A_10 = arith.constant 0 : index
    %get3A_11 = arith.constant 0 : index
    %get3A_12 = vector.load %arg1[%get3A_9, %get3A_10, %get3A_11] : memref<4x128x128xf32, #tpu.memory_space<vmem>>, vector<1x128x128xf32>
    %get3A_13 = vector.shape_cast %get3A_12 : vector<1x128x128xf32> to vector<128x128xf32>
    %get3A_14 = arith.constant 1 : index
    %get3A_15 = arith.constant 0 : index
    %get3A_16 = arith.constant 0 : index
    %get3A_17 = vector.load %arg1[%get3A_14, %get3A_15, %get3A_16] : memref<4x128x128xf32, #tpu.memory_space<vmem>>, vector<1x128x128xf32>
    %get3A_18 = vector.shape_cast %get3A_17 : vector<1x128x128xf32> to vector<128x128xf32>
    %get3A_19 = arith.constant 2 : index
    %get3A_20 = arith.constant 0 : index
    %get3A_21 = arith.constant 0 : index
    %get3A_22 = vector.load %arg1[%get3A_19, %get3A_20, %get3A_21] : memref<4x128x128xf32, #tpu.memory_space<vmem>>, vector<1x128x128xf32>
    %get3A_23 = vector.shape_cast %get3A_22 : vector<1x128x128xf32> to vector<128x128xf32>
    %get3A_24 = arith.constant 3 : index
    %get3A_25 = arith.constant 0 : index
    %get3A_26 = arith.constant 0 : index
    %get3A_27 = vector.load %arg1[%get3A_24, %get3A_25, %get3A_26] : memref<4x128x128xf32, #tpu.memory_space<vmem>>, vector<1x128x128xf32>
    %get3A_28 = vector.shape_cast %get3A_27 : vector<1x128x128xf32> to vector<128x128xf32>
    %mul3A = arith.constant 2.000000e+00 : f32
    %mul3A_29 = vector.broadcast %mul3A : f32 to vector<2560x128xf32>
    %mul3A_30 = arith.mulf %mul3A_29, %add3A : vector<2560x128xf32>
    %cos3A = math.cos %add3A : vector<2560x128xf32>
    %dot_general3A = arith.constant dense<0.000000e+00> : vector<2560x128xf32>
    %dot_general3A_31 = tpu.matmul %cos3A, %get3A_13, %dot_general3A {dimension_numbers = #tpu.dot_dimension_numbers<[1], [0], [0], [1], [0, 0, 1, 1], [], []>, transpose_lhs_hint = false} : vector<2560x128xf32>, vector<128x128xf32>, vector<2560x128xf32> -> vector<2560x128xf32>
    %cos3A_32 = math.cos %mul3A_30 : vector<2560x128xf32>
    %dot_general3A_33 = arith.constant dense<0.000000e+00> : vector<2560x128xf32>
    %dot_general3A_34 = tpu.matmul %cos3A_32, %get3A_18, %dot_general3A_33 {dimension_numbers = #tpu.dot_dimension_numbers<[1], [0], [0], [1], [0, 0, 1, 1], [], []>, transpose_lhs_hint = false} : vector<2560x128xf32>, vector<128x128xf32>, vector<2560x128xf32> -> vector<2560x128xf32>
    %add3A_35 = arith.addf %dot_general3A_31, %dot_general3A_34 : vector<2560x128xf32>
    %sin3A = math.sin %add3A : vector<2560x128xf32>
    %dot_general3A_36 = arith.constant dense<0.000000e+00> : vector<2560x128xf32>
    %dot_general3A_37 = tpu.matmul %sin3A, %get3A_23, %dot_general3A_36 {dimension_numbers = #tpu.dot_dimension_numbers<[1], [0], [0], [1], [0, 0, 1, 1], [], []>, transpose_lhs_hint = false} : vector<2560x128xf32>, vector<128x128xf32>, vector<2560x128xf32> -> vector<2560x128xf32>
    %sin3A_38 = math.sin %mul3A_30 : vector<2560x128xf32>
    %dot_general3A_39 = arith.constant dense<0.000000e+00> : vector<2560x128xf32>
    %dot_general3A_40 = tpu.matmul %sin3A_38, %get3A_28, %dot_general3A_39 {dimension_numbers = #tpu.dot_dimension_numbers<[1], [0], [0], [1], [0, 0, 1, 1], [], []>, transpose_lhs_hint = false} : vector<2560x128xf32>, vector<128x128xf32>, vector<2560x128xf32> -> vector<2560x128xf32>
    %add3A_41 = arith.addf %dot_general3A_37, %dot_general3A_40 : vector<2560x128xf32>
    %add3A_42 = arith.addf %add3A_35, %add3A_41 : vector<2560x128xf32>
    %swap3A = arith.constant 0 : index
    %swap3A_43 = arith.constant 0 : index
    %swap3A_44 = vector.load %arg2[%swap3A, %swap3A_43] : memref<2560x128xf32, #tpu.memory_space<vmem>>, vector<2560x128xf32>
    tpu.vector_store %arg2[%swap3A, %swap3A_43], %add3A_42 {strides = array<i32>} : memref<2560x128xf32, #tpu.memory_space<vmem>>, vector<2560x128xf32>,
    return
  }
}

module attributes {stable_mosaic.version = 14 : i64} {
  func.func @_stage_c_body(%arg0: memref<2x2560x128xf32, #tpu.memory_space<vmem>>, %arg1: memref<2560x4xi32, #tpu.memory_space<vmem>>, %arg2: memref<64x32xf32, #tpu.memory_space<vmem>>, %arg3: memref<64x32xf32, #tpu.memory_space<vmem>>, %arg4: memref<64x1xf32, #tpu.memory_space<vmem>>, %arg5: memref<64x1xf32, #tpu.memory_space<vmem>>, %arg6: memref<64x1xf32, #tpu.memory_space<vmem>>) attributes {dimension_semantics = [], scalar_prefetch = 0 : i64, scratch_operands = 0 : i64, tpu.core_type = #tpu.core_type<tc>} {
    %get3A = arith.constant 0 : index
    %get3A_0 = arith.constant 0 : index
    %get3A_1 = arith.constant 0 : index
    %get3A_2 = vector.load %arg0[%get3A, %get3A_0, %get3A_1] : memref<2x2560x128xf32, #tpu.memory_space<vmem>>, vector<1x2560x128xf32>
    %get3A_3 = vector.shape_cast %get3A_2 : vector<1x2560x128xf32> to vector<2560x128xf32>
    %get3A_4 = arith.constant 1 : index
    %get3A_5 = arith.constant 0 : index
    %get3A_6 = arith.constant 0 : index
    %get3A_7 = vector.load %arg0[%get3A_4, %get3A_5, %get3A_6] : memref<2x2560x128xf32, #tpu.memory_space<vmem>>, vector<1x2560x128xf32>
    %get3A_8 = vector.shape_cast %get3A_7 : vector<1x2560x128xf32> to vector<2560x128xf32>
    %add3A = arith.addf %get3A_3, %get3A_8 : vector<2560x128xf32>
    %iota3A = tpu.iota {dimensions = array<i32: 1>} : vector<2560x64xi32>
    %broadcast_in_dim3A = arith.constant 0.000000e+00 : f32
    %broadcast_in_dim3A_9 = vector.broadcast %broadcast_in_dim3A : f32 to vector<64x32xf32>
    %get3A_10 = arith.constant 0 : index
    %get3A_11 = arith.constant 0 : index
    %get3A_12 = vector.load %arg1[%get3A_10, %get3A_11] : memref<2560x4xi32, #tpu.memory_space<vmem>>, vector<2560x1xi32>
    %eq3A = vector.broadcast %get3A_12 : vector<2560x1xi32> to vector<2560x64xi32>
    %eq3A_13 = arith.cmpi eq, %eq3A, %iota3A : vector<2560x64xi32>
    %convert_element_type3A = arith.extui %eq3A_13 : vector<2560x64xi1> to vector<2560x64xi32>
    %convert_element_type3A_14 = arith.sitofp %convert_element_type3A : vector<2560x64xi32> to vector<2560x64xf32>
    %slice3A = vector.extract_strided_slice %add3A {offsets = [0, 0], sizes = [2560, 32], strides = [1, 1]} : vector<2560x128xf32> to vector<2560x32xf32>
    %dot_general3A = arith.constant dense<0.000000e+00> : vector<64x32xf32>
    %dot_general3A_15 = tpu.matmul %convert_element_type3A_14, %slice3A, %dot_general3A {dimension_numbers = #tpu.dot_dimension_numbers<[0], [0], [1], [1], [0, 1, 1, 1], [], []>, precision = #tpu.contract_precision<fp32>, transpose_lhs_hint = false} : vector<2560x64xf32>, vector<2560x32xf32>, vector<64x32xf32> -> vector<64x32xf32>
    %add3A_16 = arith.addf %broadcast_in_dim3A_9, %dot_general3A_15 : vector<64x32xf32>
    %get3A_17 = arith.constant 0 : index
    %get3A_18 = arith.constant 1 : index
    %get3A_19 = vector.load %arg1[%get3A_17, %get3A_18] : memref<2560x4xi32, #tpu.memory_space<vmem>>, vector<2560x1xi32>
    %eq3A_20 = vector.broadcast %get3A_19 : vector<2560x1xi32> to vector<2560x64xi32>
    %eq3A_21 = arith.cmpi eq, %eq3A_20, %iota3A : vector<2560x64xi32>
    %convert_element_type3A_22 = arith.extui %eq3A_21 : vector<2560x64xi1> to vector<2560x64xi32>
    %convert_element_type3A_23 = arith.sitofp %convert_element_type3A_22 : vector<2560x64xi32> to vector<2560x64xf32>
    %slice3A_24 = vector.extract_strided_slice %add3A {offsets = [0, 32], sizes = [2560, 32], strides = [1, 1]} : vector<2560x128xf32> to vector<2560x32xf32>
    %dot_general3A_25 = arith.constant dense<0.000000e+00> : vector<64x32xf32>
    %dot_general3A_26 = tpu.matmul %convert_element_type3A_23, %slice3A_24, %dot_general3A_25 {dimension_numbers = #tpu.dot_dimension_numbers<[0], [0], [1], [1], [0, 1, 1, 1], [], []>, precision = #tpu.contract_precision<fp32>, transpose_lhs_hint = false} : vector<2560x64xf32>, vector<2560x32xf32>, vector<64x32xf32> -> vector<64x32xf32>
    %add3A_27 = arith.addf %add3A_16, %dot_general3A_26 : vector<64x32xf32>
    %get3A_28 = arith.constant 0 : index
    %get3A_29 = arith.constant 2 : index
    %get3A_30 = vector.load %arg1[%get3A_28, %get3A_29] : memref<2560x4xi32, #tpu.memory_space<vmem>>, vector<2560x1xi32>
    %eq3A_31 = vector.broadcast %get3A_30 : vector<2560x1xi32> to vector<2560x64xi32>
    %eq3A_32 = arith.cmpi eq, %eq3A_31, %iota3A : vector<2560x64xi32>
    %convert_element_type3A_33 = arith.extui %eq3A_32 : vector<2560x64xi1> to vector<2560x64xi32>
    %convert_element_type3A_34 = arith.sitofp %convert_element_type3A_33 : vector<2560x64xi32> to vector<2560x64xf32>
    %slice3A_35 = vector.extract_strided_slice %add3A {offsets = [0, 64], sizes = [2560, 32], strides = [1, 1]} : vector<2560x128xf32> to vector<2560x32xf32>
    %dot_general3A_36 = arith.constant dense<0.000000e+00> : vector<64x32xf32>
    %dot_general3A_37 = tpu.matmul %convert_element_type3A_34, %slice3A_35, %dot_general3A_36 {dimension_numbers = #tpu.dot_dimension_numbers<[0], [0], [1], [1], [0, 1, 1, 1], [], []>, precision = #tpu.contract_precision<fp32>, transpose_lhs_hint = false} : vector<2560x64xf32>, vector<2560x32xf32>, vector<64x32xf32> -> vector<64x32xf32>
    %add3A_38 = arith.addf %add3A_27, %dot_general3A_37 : vector<64x32xf32>
    %get3A_39 = arith.constant 0 : index
    %get3A_40 = arith.constant 3 : index
    %get3A_41 = vector.load %arg1[%get3A_39, %get3A_40] : memref<2560x4xi32, #tpu.memory_space<vmem>>, vector<2560x1xi32>
    %eq3A_42 = vector.broadcast %get3A_41 : vector<2560x1xi32> to vector<2560x64xi32>
    %eq3A_43 = arith.cmpi eq, %eq3A_42, %iota3A : vector<2560x64xi32>
    %convert_element_type3A_44 = arith.extui %eq3A_43 : vector<2560x64xi1> to vector<2560x64xi32>
    %convert_element_type3A_45 = arith.sitofp %convert_element_type3A_44 : vector<2560x64xi32> to vector<2560x64xf32>
    %slice3A_46 = vector.extract_strided_slice %add3A {offsets = [0, 96], sizes = [2560, 32], strides = [1, 1]} : vector<2560x128xf32> to vector<2560x32xf32>
    %dot_general3A_47 = arith.constant dense<0.000000e+00> : vector<64x32xf32>
    %dot_general3A_48 = tpu.matmul %convert_element_type3A_45, %slice3A_46, %dot_general3A_47 {dimension_numbers = #tpu.dot_dimension_numbers<[0], [0], [1], [1], [0, 1, 1, 1], [], []>, precision = #tpu.contract_precision<fp32>, transpose_lhs_hint = false} : vector<2560x64xf32>, vector<2560x32xf32>, vector<64x32xf32> -> vector<64x32xf32>
    %add3A_49 = arith.addf %add3A_38, %dot_general3A_48 : vector<64x32xf32>
    %mul3A = arith.constant 2.000000e+00 : f32
    %mul3A_50 = vector.broadcast %mul3A : f32 to vector<64x32xf32>
    %mul3A_51 = arith.mulf %mul3A_50, %add3A_49 : vector<64x32xf32>
    %cos3A = math.cos %add3A_49 : vector<64x32xf32>
    %cos3A_52 = math.cos %mul3A_51 : vector<64x32xf32>
    %concatenate3A = tpu.concatenate %cos3A, %cos3A_52 in 1 : vector<64x32xf32>, vector<64x32xf32> -> vector<64x64xf32>
    %sin3A = math.sin %add3A_49 : vector<64x32xf32>
    %sin3A_53 = math.sin %mul3A_51 : vector<64x32xf32>
    %concatenate3A_54 = tpu.concatenate %sin3A, %sin3A_53 in 1 : vector<64x32xf32>, vector<64x32xf32> -> vector<64x64xf32>
    %get3A_55 = arith.constant 0 : index
    %get3A_56 = arith.constant 0 : index
    %get3A_57 = vector.load %arg2[%get3A_55, %get3A_56] : memref<64x32xf32, #tpu.memory_space<vmem>>, vector<64x32xf32>
    %dot_general3A_58 = arith.constant dense<0.000000e+00> : vector<64x32xf32>
    %dot_general3A_59 = tpu.matmul %concatenate3A, %get3A_57, %dot_general3A_58 {dimension_numbers = #tpu.dot_dimension_numbers<[1], [0], [0], [1], [0, 0, 1, 1], [], []>, transpose_lhs_hint = false} : vector<64x64xf32>, vector<64x32xf32>, vector<64x32xf32> -> vector<64x32xf32>
    %get3A_60 = arith.constant 0 : index
    %get3A_61 = arith.constant 0 : index
    %get3A_62 = vector.load %arg3[%get3A_60, %get3A_61] : memref<64x32xf32, #tpu.memory_space<vmem>>, vector<64x32xf32>
    %dot_general3A_63 = arith.constant dense<0.000000e+00> : vector<64x32xf32>
    %dot_general3A_64 = tpu.matmul %concatenate3A_54, %get3A_62, %dot_general3A_63 {dimension_numbers = #tpu.dot_dimension_numbers<[1], [0], [0], [1], [0, 0, 1, 1], [], []>, transpose_lhs_hint = false} : vector<64x64xf32>, vector<64x32xf32>, vector<64x32xf32> -> vector<64x32xf32>
    %add3A_65 = arith.addf %dot_general3A_59, %dot_general3A_64 : vector<64x32xf32>
    %ge3A = arith.constant 0.000000e+00 : f32
    %ge3A_66 = vector.broadcast %ge3A : f32 to vector<64x32xf32>
    %ge3A_67 = arith.cmpf oge, %add3A_65, %ge3A_66 : vector<64x32xf32>
    %mul3A_68 = arith.constant 0.00999999977 : f32
    %mul3A_69 = vector.broadcast %mul3A_68 : f32 to vector<64x32xf32>
    %mul3A_70 = arith.mulf %mul3A_69, %add3A_65 : vector<64x32xf32>
    %select_n3A = arith.select %ge3A_67, %add3A_65, %mul3A_70 : vector<64x32xi1>, vector<64x32xf32>
    %mul3A_71 = arith.constant 2.000000e+00 : f32
    %mul3A_72 = vector.broadcast %mul3A_71 : f32 to vector<64x32xf32>
    %mul3A_73 = arith.mulf %mul3A_72, %select_n3A : vector<64x32xf32>
    %cos3A_74 = math.cos %select_n3A : vector<64x32xf32>
    %cos3A_75 = math.cos %mul3A_73 : vector<64x32xf32>
    %concatenate3A_76 = tpu.concatenate %cos3A_74, %cos3A_75 in 1 : vector<64x32xf32>, vector<64x32xf32> -> vector<64x64xf32>
    %sin3A_77 = math.sin %select_n3A : vector<64x32xf32>
    %sin3A_78 = math.sin %mul3A_73 : vector<64x32xf32>
    %concatenate3A_79 = tpu.concatenate %sin3A_77, %sin3A_78 in 1 : vector<64x32xf32>, vector<64x32xf32> -> vector<64x64xf32>
    %get3A_80 = arith.constant 0 : index
    %get3A_81 = arith.constant 0 : index
    %get3A_82 = vector.load %arg4[%get3A_80, %get3A_81] : memref<64x1xf32, #tpu.memory_space<vmem>>, vector<64x1xf32>
    %dot_general3A_83 = arith.constant dense<0.000000e+00> : vector<64x1xf32>
    %dot_general3A_84 = tpu.matmul %concatenate3A_76, %get3A_82, %dot_general3A_83 {dimension_numbers = #tpu.dot_dimension_numbers<[1], [0], [0], [1], [0, 0, 1, 1], [], []>, transpose_lhs_hint = false} : vector<64x64xf32>, vector<64x1xf32>, vector<64x1xf32> -> vector<64x1xf32>
    %get3A_85 = arith.constant 0 : index
    %get3A_86 = arith.constant 0 : index
    %get3A_87 = vector.load %arg5[%get3A_85, %get3A_86] : memref<64x1xf32, #tpu.memory_space<vmem>>, vector<64x1xf32>
    %dot_general3A_88 = arith.constant dense<0.000000e+00> : vector<64x1xf32>
    %dot_general3A_89 = tpu.matmul %concatenate3A_79, %get3A_87, %dot_general3A_88 {dimension_numbers = #tpu.dot_dimension_numbers<[1], [0], [0], [1], [0, 0, 1, 1], [], []>, transpose_lhs_hint = false} : vector<64x64xf32>, vector<64x1xf32>, vector<64x1xf32> -> vector<64x1xf32>
    %add3A_90 = arith.addf %dot_general3A_84, %dot_general3A_89 : vector<64x1xf32>
    %logistic3A = arith.negf %add3A_90 : vector<64x1xf32>
    %logistic3A_91 = math.exp %logistic3A : vector<64x1xf32>
    %logistic3A_92 = arith.constant 1.000000e+00 : f32
    %logistic3A_93 = vector.broadcast %logistic3A_92 : f32 to vector<64x1xf32>
    %logistic3A_94 = arith.addf %logistic3A_93, %logistic3A_91 : vector<64x1xf32>
    %logistic3A_95 = arith.divf %logistic3A_93, %logistic3A_94 : vector<64x1xf32>
    %swap3A = arith.constant 0 : index
    %swap3A_96 = arith.constant 0 : index
    %swap3A_97 = vector.load %arg6[%swap3A, %swap3A_96] : memref<64x1xf32, #tpu.memory_space<vmem>>, vector<64x1xf32>
    tpu.vector_store %arg6[%swap3A, %swap3A_96], %logistic3A_95 {strides = array<i32>} : memref<64x1xf32, #tpu.memory_space<vmem>>, vector<64x1xf32>,
    return
  }
}

</mosaic_0001>

<sc_bundles>
// kernel: kernel.10.cloned.1.call-start
scs
__scs_entry_jumppad:
0x0: {  	(pc) =	sbr.rel $0x88, $3  }
0x1: {  	(tag) =	ssettag $0x0;
	lr =	simm.s32 $0x1  }
0x2: {  	[smem:$0x3F99] =	sst lr;
	_ =	strace $0xD0000000  }
0x3: {  	_ = 	snop  }
0x4: {  	_ = 	snop  }
0x5: {  	_ = 	snop  }
0x6: {  	_ = 	snop  }
0x7: {  	_ = 	snop  }
__scs_overlays_trampoline_lowered:
0x8: {  	[smem:$0x3FA8] =	sst s0  }
0x9: {  	[smem:$0x3FA9] =	sst s1  }
0xa: {  	[smem:$0x3FAA] =	sst s2  }
0xb: {  	[smem:$0x3FAB] =	sst s3  }
0xc: {  	[smem:$0x3FAC] =	sst s4  }
0xd: {  	[smem:$0x3FAD] =	sst s5  }
0xe: {  	[smem:$0x3FAE] =	sst s6  }
0xf: {  	[smem:$0x3FAF] =	sst s7  }
0x10: {  	[smem:$0x3FB0] =	sst s8  }
0x11: {  	[smem:$0x3FB1] =	sst s9;
	s0 =	simm.s32 @!p0 $0x0  }
0x12: {  	s1 =	sld [smem:$0x3F97];
	s0 =	simm.s32 @p0 $0x1  }
0x13: {  	[smem:$0x3FB2] =	sst s0;
	s0 =	simm.s32 @!p1 $0x0  }
0x14: {  	s2 =	sld [smem:$0x3F96];
	s0 =	simm.s32 @p1 $0x1  }
0x15: {  	[smem:$0x3FB3] =	sst s0;
	s0 =	simm.s32 @!p2 $0x0  }
0x16: {  	s3 =	sld [smem:$0x3FDB];
	s0 =	simm.s32 @p2 $0x1  }
0x17: {  	s4 =	simm.s32 $0x1BF5;
	[smem:$0x3FB5] =	sst s0  }
0x18: {  	s0 =	sld [smem:$0x3F98];
	_ =	swait.ge [sflag:s4], $0x0  }
0x19: {  	s7 =	sld [smem:$0x3F99]  }
0x1a: {  	s8 =	sadd.s32 $0xFFFFE003, lr  }
0x1b: {  	s9 =	sadd.s32 $0xFFFFFEF7, lr;
	s5 =	simm.s32 $0xFFFFFFFF;
	p2 =	slt.u32 s8, $0xFFFFF086  }
0x1c: {  	p1 =	slt.u32 s9, $0xF7A;
	s5 =	simm.s32 @!p2 $0x0  }
0x1d: {  	s5 =	simm.s32 @p1 $0x1;
	p0 =	seq.s32 s7, s2  }
0x1e: {  	s7 =	smul.u32 @!p0 $0xF7A, s2;
	p2 =	seq.s32 @!p0 s5, $0x0  }
0x1f: {  	s9 =	smul.u32 $0xF7A, s1;
	s8 =	simm.s32 @!p0 $0x1BF5;
	p2 =	por !p2, p0  }
0x20: {  	[sflag:s8] =	ssyncset.s32 @!p0 $0xFFFFF086;
	s6 =	sadd.s32 @!p0 s3, s7;
	s7 =	simm.s32 @!p0 $0x108  }
0x21: {  	s3 =	sadd.s32 s3, s9;
	s6 =	sadd.s32 @!p0 $0x88, s6;
	s7 =	simm.s32 @p2 $0x1082  }
0x22: {  	[simem:s7], [sflag:s8] =	dma.local @!p0 [hbm:s6], $0xF7A  }
0x23: {  	s9 =	sor.u32 $0xD0000000, s2;
	s6 =	simm.s32 $0x108;
	_ =	swait.ge @!p0 [sflag:s8], $0x0  }
0x24: {  	s3 =	sadd.s32 $0x88, s3;
	s6 =	simm.s32 @!p1 $0x1082;
	[sflag:s4] =	ssyncset.s32 $0xFFFFF086  }
0x25: {  	[simem:s6], [sflag:s4] =	dma.local [hbm:s3], $0xF7A  }
0x26: {  	[smem:$0x3F99] =	sst s1;
	(tag) =	ssettag s2;
	_ =	strace s9  }
0x27: {  	s1 =	sld [smem:$0x3FA9]  }
0x28: {  	s2 =	sld [smem:$0x3FAA]  }
0x29: {  	s4 =	sld [smem:$0x3FAC]  }
0x2a: {  	p0 =	seq.s32 s5, $0x0;
	s5 =	sld [smem:$0x3FAD]  }
0x2b: {  	s6 =	sld [smem:$0x3FAE]  }
0x2c: {  	s7 =	sld [smem:$0x3FAF]  }
0x2d: {  	s3 =	simm.s32 $0x108;
	s8 =	sld [smem:$0x3FB0]  }
0x2e: {  	s3 =	simm.s32 @!p0 $0x1082;
	s9 =	sld [smem:$0x3FB1]  }
0x2f: {  	lr =	sadd.s32 s0, s3;
	s0 =	sld [smem:$0x3FA8]  }
0x30: {  	s3 =	sld [smem:$0x3FAB]  }
0x31: {  	[smem:$0x3FB4] =	sst s10  }
0x32: {  	s10 =	sld [smem:$0x3FB2];
	_ =	sdelay $0x3  }
0x33: {  	p0 =	seq.s32 s10, $0x1;
	s10 =	sld [smem:$0x3FB4];
	_ =	sdelay $0x3  }
0x34: {  	[smem:$0x3FB4] =	sst s10  }
0x35: {  	s10 =	sld [smem:$0x3FB3];
	_ =	sdelay $0x3  }
0x36: {  	p1 =	seq.s32 s10, $0x1;
	s10 =	sld [smem:$0x3FB4];
	_ =	sdelay $0x3  }
0x37: {  	[smem:$0x3FB4] =	sst s10  }
0x38: {  	s10 =	sld [smem:$0x3FB5]  }
0x39: {  	_ = 	snop;
	(pc) =	sbr.ind lr, $3  }
0x3a: {  	_ = 	snop  }
0x3b: {  	_ = 	snop  }
0x3c: {  	p2 =	seq.s32 s10, $0x1;
	s10 =	sld [smem:$0x3FB4]  }
0x3d: {  	_ =	shalt  }
0x3e: {  	_ =	shalt  }
0x3f: {  	_ =	shalt  }
0x40: {  	_ =	shalt  }
0x41: {  	_ =	shalt  }
0x42: {  	_ =	shalt  }
0x43: {  	_ =	shalt  }
0x44: {  	_ =	shalt  }
0x45: {  	_ =	shalt  }
0x46: {  	_ =	shalt  }
0x47: {  	_ =	shalt  }
0x48: {  	_ =	shalt  }
0x49: {  	_ =	shalt  }
0x4a: {  	_ =	shalt  }
0x4b: {  	_ =	shalt  }
0x4c: {  	_ =	shalt  }
0x4d: {  	_ =	shalt  }
0x4e: {  	_ =	shalt  }
0x4f: {  	_ =	shalt  }
0x50: {  	_ =	shalt  }
0x51: {  	_ =	shalt  }
0x52: {  	_ =	shalt  }
0x53: {  	_ =	shalt  }
0x54: {  	_ =	shalt  }
0x55: {  	_ =	shalt  }
0x56: {  	_ =	shalt  }
0x57: {  	_ =	shalt  }
0x58: {  	_ =	shalt  }
0x59: {  	_ =	shalt  }
0x5a: {  	_ =	shalt  }
0x5b: {  	_ =	shalt  }
0x5c: {  	_ =	shalt  }
0x5d: {  	_ =	shalt  }
0x5e: {  	_ =	shalt  }
0x5f: {  	_ =	shalt  }
0x60: {  	_ =	shalt  }
0x61: {  	_ =	shalt  }
0x62: {  	_ =	shalt  }
0x63: {  	_ =	shalt  }
0x64: {  	_ =	shalt  }
0x65: {  	_ =	shalt  }
0x66: {  	_ =	shalt  }
0x67: {  	_ =	shalt  }
0x68: {  	_ =	shalt  }
0x69: {  	_ =	shalt  }
0x6a: {  	_ =	shalt  }
0x6b: {  	_ =	shalt  }
0x6c: {  	_ =	shalt  }
0x6d: {  	_ =	shalt  }
0x6e: {  	_ =	shalt  }
0x6f: {  	_ =	shalt  }
0x70: {  	_ =	shalt  }
0x71: {  	_ =	shalt  }
0x72: {  	_ =	shalt  }
0x73: {  	_ =	shalt  }
0x74: {  	_ =	shalt  }
0x75: {  	_ =	shalt  }
0x76: {  	_ =	shalt  }
0x77: {  	_ =	shalt  }
0x78: {  	_ =	shalt  }
0x79: {  	_ =	shalt  }
0x7a: {  	_ =	shalt  }
0x7b: {  	_ =	shalt  }
0x7c: {  	_ =	shalt  }
0x7d: {  	_ =	shalt  }
0x7e: {  	_ =	shalt  }
0x7f: {  	_ =	shalt  }
0x80: {  	_ =	shalt  }
0x81: {  	_ =	shalt  }
0x82: {  	_ =	shalt  }
0x83: {  	_ =	shalt  }
0x84: {  	_ =	shalt  }
0x85: {  	_ =	shalt  }
0x86: {  	_ =	shalt  }
0x87: {  	_ =	shalt  }
.Lfunc_end0:
.L_simem_size_0:
called_computation.1_lowered:
.L_overlay_start_0:
0x88: {  	s2 =	sld [smem:$0x3FD9]  }
0x89: {  	s3 =	sld [smem:$0x3FFE];
	_ =	sdelay $0x1  }
0x8a: {  	s1 =	srdreg.scid  }
0x8b: {  	s0 =	sand.u32 $0x1, s1  }
0x8c: {  	s16 =	sshll.u32 s0, $0xA;
	s2 =	sadd.s32 s3, s2  }
0x8d: {  	s2 =	sadd.s32 s2, s16  }
0x8e: {  	[smem:$0x3FC0] =	sst s2  }
0x8f: {  	_ = 	snop  }
0x90: {  	(tm) =	ssettm $0x1  }
0x91: {  	s17 =	sld [smem:$0x3FFB];
	_ =	sdelay $0x3  }
0x92: {  	_ =	strace s17  }
0x93: {  	s2 =	sld [smem:$0x3FFC];
	_ =	sdelay $0x3  }
0x94: {  	_ =	strace s2  }
0x95: {  	s2 =	sld [smem:$0x3FFD];
	_ =	sdelay $0x3  }
0x96: {  	_ =	strace s2  }
0x97: {  	_ =	strace $0x8FFFFFFF  }
0x98: {  	s18 =	sld [smem:$0x3FDB];
	_ =	sdelay $0x1  }
0x99: {  	s19 =	simm.s32 $_scs_section_size  }
0x9a: {  	s4 =	simm.s32 $_size__tile_overlayer_lowered;
	s5 =	simm.s32 $_tile_overlayer_lowered  }
0x9b: {  	s22 =	simm.s32 $0x1BFF;
	s21 =	sshll.u32 s5, $0x1;
	s2 =	sadd.s32 s19, s18  }
0x9c: {  	s6 =	simm.s32 $0x0;
	s20 =	sshll.u32 s4, $0x1;
	s4 =	sadd.s32 s21, s2  }
0x9d: {  	[timem:s6], [sflag:s22] =	dma.local [hbm:s4], s20  }
0x9e: {  	_ =	swait.ge [sflag:s22], s20  }
0x9f: {  	s3 =	ssub.s32 $0x0, s20;
	[sflag:s22] =	ssyncset.done $0x0  }
0xa0: {  	[sflag:s22] =	ssyncadd.s32 s3;
	_ =	sdelay $0x1  }
0xa1: {  	s23 =	simm.s32 $0x1B8B  }
0xa2: {  	_ =	swait.ge [sflag:s23], $0x1  }
0xa3: {  	[sflag:s23] =	ssyncset.done $0x0  }
0xa4: {  	s25 =	simm.s32 $0x1B8E;
	s24 =	sld [smem:$0x3FFE];
	[sflag:s23] =	ssyncadd.s32 $0xFFFFFFFF  }
0xa5: {  	s26 =	simm.s32 $execute0_lowered;
	[smem:$0x3FD2] =	sst s25  }
0xa6: {  	s4 =	sshll.u32 s26, $0x1;
	_ =	strace $0x80000049;
	[dreg:$0x1] =	wrdreg $0xFFFFFFFF  }
0xa7: {  	s28 =	simm.s32 $_size_execute0_lowered;
	s2 =	sadd.s32 s2, s4;
	[dreg:$0x0] =	wrdreg $0x0  }
0xa8: {  	s4 =	sshll.u32 s28, $0x1;
	[dreg:$0x2] =	wrdreg s2  }
0xa9: {  	[dreg:$0x3] =	wrdreg s4  }
0xaa: {  	[dreg:$0x4] =	wrdreg $0xC0  }
0xab: {  	_ =	task [dreg:s6], $0x5FFFF  }
0xac: {  	[dreg:$0x1] =	wrdreg $0xFFFFFFFF  }
0xad: {  	[dreg:$0x0] =	wrdreg $0x60  }
0xae: {  	[dreg:$0x2] =	wrdreg s24  }
0xaf: {  	[dreg:$0x3] =	wrdreg $0x120000  }
0xb0: {  	[dreg:$0x4] =	wrdreg $0x9  }
0xb1: {  	_ =	task.clear_ibuf [dreg:s6], $0x5FFFF;
	_ =	strace $0x90000049  }
0xb2: {  	s29 =	simm.s32 $0x9;
	_ =	strace $0x8000004B  }
0xb3: {  	_ =	swait.ge [sflag:s29], $0x1  }
0xb4: {  	[sflag:s29] =	ssyncadd.s32 $0xFFFFFFFF  }
0xb5: {  	_ =	strace $0x9000004B  }
0xb6: {  	_ =	sfence  }
0xb7: {  	s30 =	sld [smem:$0x0];
	_ =	sdelay $0x2  }
0xb8: {  	s31 =	sshll.u32 s1, $0xD;
	s1 =	sshrl.u32 s1, $0x2  }
0xb9: {  	s3 =	sand.u32 $0x4000, s31;
	s1 =	sadd.s32 s1, s30  }
0xba: {  	s0 =	sor.u32 s3, s0;
	s1 =	sshll.u32 s1, $0x11  }
0xbb: {  	s0 =	sor.u32 s1, s0  }
0xbc: {  	s0 =	sadd.s32 $0x8F2B, s0  }
0xbd: {  	[sflag:s0] =	ssyncadd.remote.s32 $0x1  }
0xbe: {  	_ =	sfence.sel $0xFFFF  }
0xbf: {  	[dreg:$0x0] =	wrdreg $0xFFFFFFFF;
	(pc) =	sbr.abs _section_cstart, $3  }
0xc0: {  	[dreg:$0x1] =	wrdreg $0xFFFFFFFF  }
0xc1: {  	_ =	task.clear_ibuf [dreg:s6], $0x2FFFF;
	_ =	strace $0x9FFFFFFF  }
0xc2: {  	(tm) =	ssettm $0x7FFFFFFF  }
0xc3: {  	_ =	shalt  }
tec
execute0_lowered:
.L_overlay_start_1:
0x0: {  	(tag) =	ssettag $0x1  }
0x1: {  	s0 =	rddreg [dreg:$0x0]  }
0x2: {  	s1 =	rddreg [dreg:$0x1];
	s2 =	simm.s32 $0x0;
	s3 =	srdreg.scid  }
0x3: {  	s8 =	stileid.u32;
	s10 =	simm.s32 $0xD000;
	s11 =	simm.s32 $0x3  }
0x4: {  	s12 =	simm.s32 $0x80;
	s13 =	simm.s32 $0x1000;
	s15 =	simm.s32 $0x5000  }
0x5: {  	s16 =	simm.s32 $0x6000;
	s18 =	simm.s32 $0x7000;
	s20 =	simm.s32 $0x8000  }
0x6: {  	s21 =	simm.s32 $0x9000;
	s22 =	simm.s32 $0xA000;
	s23 =	simm.s32 $0xB000  }
0x7: {  	s25 =	simm.s32 $0xC000;
	s28 =	simm.s32 $0x2;
	s29 =	simm.s32 $0x0  }
0x8: {  	[smem:$0x7FF] =	sst s2;
	s4 =	sadd.s32 $0x2200, s0;
	s3 =	sand.u32 $0x1, s3  }
0x9: {  	s6 =	sshll.u32 s8, $0x4;
	s9 =	smul.u32 $0x5000, s8;
	s30 =	sadd.s32 $0x20200, s0  }
0xa: {  	_ =	strace $0x8000004A;
	s5 =	sshll.u32 s3, $0x8;
	s7 =	smul.u32 $0xA000, s3  }
0xb: {  	s3 =	ssub.s32 $0x2, s3;
	[dreg:$0x3] =	wrdreg s30;
	s5 =	sor.u32 s6, s5  }
0xc: {  	s31 =	sshrl.u32 s3, $0x1;
	s6 =	sadd.s32 s9, s1;
	s24 =	sshrl.u32 s9, $0x3  }
0xd: {  	s26 =	sadd.s32 s5, s0;
	s0 =	sadd.s32 s7, s0;
	s3 =	ssub.s32 s3, s31  }
0xe: {  	s7 =	sadd.s32 $0xC200, s26;
	s8 =	sadd.s32 $0x16200, s26;
	s0 =	sadd.s32 $0x20C00, s0  }
0xf: {  	s9 =	smax.u32 s3, $0x1;
	s26 =	simm.s32 $0x1;
	s24 =	sadd.s32 s24, s0  }
.LBB2_1:
0x10: {  	s0 =	rddreg [dreg:$0x3]  }
0x11: {  	[tilespmem:s10], [sflag:$0x3] =	stream.linear.gather [hbm4b:s0+s2], $0x5000, $0x38;
	[tilespmem:$0x17000] =	vst v63  }
0x12: {  	_ =	swait.ge [sflag:s11], $0x5000  }
0x13: {  	[sflag:s11] =	ssyncset.done $0x0  }
0x14: {  	[sflag:s11] =	ssyncadd.s32 $0xFFFFB000  }
0x15: {  	[spmem:s6] =	stream.linear.scatter [tilespmem:s10], [sflag:$0x3], $0x5000, $0x38;
	[tilespmem:$0x17000] =	vst v63  }
0x16: {  	_ =	swait.ge [sflag:s11], $0x5000  }
0x17: {  	[sflag:s11] =	ssyncset.done $0x0  }
0x18: {  	[sflag:s11] =	ssyncadd.s32 $0xFFFFB000  }
0x19: {  	[tilespmem:s2], [sflag:$0x3] =	stream.strided.gather [hbm4b:s7+s12], $0x2800, s13, s12, $0x38;
	[tilespmem:$0x17000] =	vst v63  }
0x1a: {  	_ =	swait.ge [sflag:s11], $0x2800  }
0x1b: {  	[sflag:s11] =	ssyncset.done $0x0  }
0x1c: {  	s5 =	simm.s32 $0x2800;
	[sflag:s11] =	ssyncadd.s32 $0xFFFFD800  }
0x1d: {  	[tilespmem:s5], [sflag:$0x3] =	stream.strided.gather [hbm4b:s8+s12], $0x2800, s13, s12, $0x38;
	[tilespmem:$0x17000] =	vst v63  }
0x1e: {  	_ =	swait.ge [sflag:s11], $0x2800  }
0x1f: {  	[sflag:s11] =	ssyncset.done $0x0  }
0x20: {  	[sflag:s11] =	ssyncadd.s32 $0xFFFFD800  }
0x21: {  	[bflag:$0x0] =	sbarrier.arrive $0xFFFF  }
0x22: {  	[tilespmem:s15], [sflag:$0x1] =	stream.indirect.gather [hbm4b:s4+s12], $0x20, s2, s12, $0xb8;
	[tilespmem:$0x17000] =	vst v63  }
0x23: {  	p0 =	por $0x1, $0x1  }
0x24: {  	[tilespmem:s16], [sflag:$0x1] =	stream.indirect.gather [hbm4b:s4+s12], $0x20, s12, s12, $0xb8;
	[tilespmem:$0x17000] =	vst v63  }
0x25: {  	s14 =	simm.s32 $0x100;
	p0 =	por p0, p0  }
0x26: {  	[tilespmem:s18], [sflag:$0x1] =	stream.indirect.gather [hbm4b:s4+s12], $0x20, s14, s12, $0xb8;
	[tilespmem:$0x17000] =	vst v63  }
0x27: {  	s17 =	simm.s32 $0x180;
	s0 =	simm.s32 @!p0 $0x2  }
0x28: {  	[tilespmem:s20], [sflag:$0x1] =	stream.indirect.gather [hbm4b:s4+s12], $0x20, s17, s12, $0xb8;
	[tilespmem:$0x17000] =	vst v63  }
0x29: {  	_ =	swait.ge @!p0 [sflag:s0], $0x1000  }
0x2a: {  	[sflag:s0] =	ssyncset.done @!p0 $0x0  }
0x2b: {  	[sflag:s0] =	ssyncadd.s32 @!p0 $0xFFFFF000  }
0x2c: {  	_ =	swait.ge @!p0 [sflag:s0], $0x1000  }
0x2d: {  	[sflag:s0] =	ssyncset.done @!p0 $0x0  }
0x2e: {  	[sflag:s0] =	ssyncadd.s32 @!p0 $0xFFFFF000  }
0x2f: {  	_ =	swait.ge @!p0 [sflag:s0], $0x1000  }
0x30: {  	[sflag:s0] =	ssyncset.done @!p0 $0x0  }
0x31: {  	[sflag:s0] =	ssyncadd.s32 @!p0 $0xFFFFF000  }
0x32: {  	_ =	swait.ge @!p0 [sflag:s0], $0x1000  }
0x33: {  	[sflag:s0] =	ssyncset.done @!p0 $0x0  }
0x34: {  	s19 =	simm.s32 $0x200;
	[sflag:s0] =	ssyncadd.s32 @!p0 $0xFFFFF000  }
0x35: {  	[tilespmem:s21], [sflag:$0x1] =	stream.indirect.gather [hbm4b:s4+s12], $0x20, s19, s12, $0xb8;
	[tilespmem:$0x17000] =	vst v63  }
0x36: {  	s3 =	simm.s32 $0x280  }
0x37: {  	[tilespmem:s22], [sflag:$0x1] =	stream.indirect.gather [hbm4b:s4+s12], $0x20, s3, s12, $0xb8;
	[tilespmem:$0x17000] =	vst v63  }
0x38: {  	s5 =	simm.s32 $0x300  }
0x39: {  	[tilespmem:s23], [sflag:$0x1] =	stream.indirect.gather [hbm4b:s4+s12], $0x20, s5, s12, $0xb8;
	[tilespmem:$0x17000] =	vst v63  }
0x3a: {  	s14 =	simm.s32 $0x380  }
0x3b: {  	[tilespmem:s25], [sflag:$0x1] =	stream.indirect.gather [hbm4b:s4+s12], $0x20, s14, s12, $0xb8;
	[tilespmem:$0x17000] =	vst v63  }
0x3c: {  	_ =	swait.ge [sflag:s26], $0x1000  }
0x3d: {  	[sflag:s26] =	ssyncset.done $0x0  }
0x3e: {  	[sflag:s26] =	ssyncadd.s32 $0xFFFFF000  }
0x3f: {  	_ =	swait.ge [sflag:s26], $0x1000  }
0x40: {  	[sflag:s26] =	ssyncset.done $0x0  }
0x41: {  	[sflag:s26] =	ssyncadd.s32 $0xFFFFF000  }
0x42: {  	_ =	swait.ge [sflag:s26], $0x1000  }
0x43: {  	[sflag:s26] =	ssyncset.done $0x0  }
0x44: {  	[sflag:s26] =	ssyncadd.s32 $0xFFFFF000  }
0x45: {  	_ =	swait.ge [sflag:s26], $0x1000  }
0x46: {  	[sflag:s26] =	ssyncset.done $0x0  }
0x47: {  	s17 =	simm.s32 $0x2800;
	[sflag:s26] =	ssyncadd.s32 $0xFFFFF000  }
0x48: {  	[spmem:s1] =	stream.indirect.scatter.add.f32 [tilespmem:s15], [sflag:$0x2], $0x20, s17, s12, $0xb8;
	[tilespmem:$0x17000] =	vst v63  }
0x49: {  	s19 =	simm.s32 $0x2880  }
0x4a: {  	[spmem:s1] =	stream.indirect.scatter.add.f32 [tilespmem:s16], [sflag:$0x2], $0x20, s19, s12, $0xb8;
	[tilespmem:$0x17000] =	vst v63  }
0x4b: {  	s3 =	simm.s32 $0x2900  }
0x4c: {  	[spmem:s1] =	stream.indirect.scatter.add.f32 [tilespmem:s18], [sflag:$0x2], $0x20, s3, s12, $0xb8;
	[tilespmem:$0x17000] =	vst v63  }
0x4d: {  	s5 =	simm.s32 $0x2980  }
0x4e: {  	[spmem:s1] =	stream.indirect.scatter.add.f32 [tilespmem:s20], [sflag:$0x2], $0x20, s5, s12, $0xb8;
	[tilespmem:$0x17000] =	vst v63  }
0x4f: {  	_ =	swait.ge [sflag:s28], $0x1000  }
0x50: {  	[sflag:s28] =	ssyncset.done $0x0  }
0x51: {  	[sflag:s28] =	ssyncadd.s32 $0xFFFFF000  }
0x52: {  	_ =	swait.ge [sflag:s28], $0x1000  }
0x53: {  	[sflag:s28] =	ssyncset.done $0x0  }
0x54: {  	[sflag:s28] =	ssyncadd.s32 $0xFFFFF000  }
0x55: {  	_ =	swait.ge [sflag:s28], $0x1000  }
0x56: {  	[sflag:s28] =	ssyncset.done $0x0  }
0x57: {  	[sflag:s28] =	ssyncadd.s32 $0xFFFFF000  }
0x58: {  	p0 =	por $0x0, $0x0;
	_ =	swait.ge [sflag:s28], $0x1000  }
0x59: {  	s0 =	simm.s32 @!p0 $0x5000;
	[sflag:s28] =	ssyncset.done $0x0  }
0x5a: {  	s30 =	simm.s32 @!p0 $0x80;
	s3 =	simm.s32 @!p0 $0x400;
	[sflag:s28] =	ssyncadd.s32 $0xFFFFF000  }
0x5b: {  	[tilespmem:s0], [sflag:$0x1] =	stream.indirect.gather @!p0 [hbm4b:s4+s30], $0x20, s3, s30, $0xb8;
	[tilespmem:$0x17000] =	vst v63  }
0x5c: {  	s0 =	simm.s32 @!p0 $0x480;
	s3 =	simm.s32 @!p0 $0x6000  }
0x5d: {  	[tilespmem:s3], [sflag:$0x1] =	stream.indirect.gather @!p0 [hbm4b:s4+s30], $0x20, s0, s30, $0xb8;
	[tilespmem:$0x17000] =	vst v63  }
0x5e: {  	s0 =	simm.s32 @!p0 $0x500;
	s3 =	simm.s32 @!p0 $0x7000  }
0x5f: {  	[tilespmem:s3], [sflag:$0x1] =	stream.indirect.gather @!p0 [hbm4b:s4+s30], $0x20, s0, s30, $0xb8;
	[tilespmem:$0x17000] =	vst v63  }
0x60: {  	s0 =	simm.s32 @!p0 $0x580;
	s3 =	simm.s32 @!p0 $0x8000  }
0x61: {  	[tilespmem:s3], [sflag:$0x1] =	stream.indirect.gather @!p0 [hbm4b:s4+s30], $0x20, s0, s30, $0xb8;
	[tilespmem:$0x17000] =	vst v63  }
0x62: {  	_ =	swait.ge [sflag:s26], $0x1000  }
0x63: {  	[sflag:s26] =	ssyncset.done $0x0  }
0x64: {  	[sflag:s26] =	ssyncadd.s32 $0xFFFFF000  }
0x65: {  	_ =	swait.ge [sflag:s26], $0x1000  }
0x66: {  	[sflag:s26] =	ssyncset.done $0x0  }
0x67: {  	[sflag:s26] =	ssyncadd.s32 $0xFFFFF000  }
0x68: {  	_ =	swait.ge [sflag:s26], $0x1000  }
0x69: {  	[sflag:s26] =	ssyncset.done $0x0  }
0x6a: {  	[sflag:s26] =	ssyncadd.s32 $0xFFFFF000  }
0x6b: {  	_ =	swait.ge [sflag:s26], $0x1000  }
0x6c: {  	[sflag:s26] =	ssyncset.done $0x0  }
0x6d: {  	p6 =	por $0x0, $0x0;
	s14 =	simm.s32 $0x2A00;
	[sflag:s26] =	ssyncadd.s32 $0xFFFFF000  }
0x6e: {  	[spmem:s1] =	stream.indirect.scatter.add.f32 [tilespmem:s21], [sflag:$0x2], $0x20, s14, s12, $0xb8;
	[tilespmem:$0x17000] =	vst v63  }
0x6f: {  	s31 =	simm.s32 $0x2000;
	s17 =	simm.s32 $0x2A80;
	s19 =	simm.s32 $0x2B00  }
0x70: {  	[spmem:s1] =	stream.indirect.scatter.add.f32 [tilespmem:s22], [sflag:$0x2], $0x20, s17, s12, $0xb8;
	[tilespmem:$0x17000] =	vst v63  }
0x71: {  	s30 =	simm.s32 $0x1000;
	p0 =	por p6, p6;
	s0 =	simm.s32 $0x2B80  }
0x72: {  	[spmem:s1] =	stream.indirect.scatter.add.f32 [tilespmem:s23], [sflag:$0x2], $0x20, s19, s12, $0xb8;
	[tilespmem:$0x17000] =	vst v63  }
.LBB2_2:
0x73: {  	[spmem:s1] =	stream.indirect.scatter.add.f32 [tilespmem:s25], [sflag:$0x2], $0x20, s0, s12, $0xb8;
	[tilespmem:$0x17000] =	vst v63  }
0x74: {  	s3 =	smov.u32 s31  }
0x75: {  	s31 =	sadd.s32 $0x1000, s31;
	s14 =	simm.s32 @!p0 $0x2;
	p2 =	seq.s32 s3, $0x0  }
0x76: {  	p1 =	sne.s32 s31, $0xA000;
	_ =	swait.ge @!p0 [sflag:s14], $0x1000  }
0x77: {  	[sflag:s14] =	ssyncset.done @!p0 $0x0  }
0x78: {  	[sflag:s14] =	ssyncadd.s32 @!p0 $0xFFFFF000  }
0x79: {  	_ =	swait.ge @!p0 [sflag:s14], $0x1000  }
0x7a: {  	[sflag:s14] =	ssyncset.done @!p0 $0x0  }
0x7b: {  	[sflag:s14] =	ssyncadd.s32 @!p0 $0xFFFFF000  }
0x7c: {  	_ =	swait.ge @!p0 [sflag:s14], $0x1000  }
0x7d: {  	[sflag:s14] =	ssyncset.done @!p0 $0x0  }
0x7e: {  	[sflag:s14] =	ssyncadd.s32 @!p0 $0xFFFFF000  }
0x7f: {  	_ =	swait.ge @!p0 [sflag:s14], $0x1000  }
0x80: {  	s0 =	sshra.s32 s30, $0x2;
	[sflag:s14] =	ssyncset.done @!p0 $0x0  }
0x81: {  	[sflag:s14] =	ssyncadd.s32 @!p0 $0xFFFFF000;
	s14 =	sadd.s32 $0x200, s0;
	p0 =	por p2, p2  }
0x82: {  	[tilespmem:s21], [sflag:$0x1] =	stream.indirect.gather [hbm4b:s4+s12], $0x20, s14, s12, $0xb8;
	[tilespmem:$0x17000] =	vst v63  }
0x83: {  	s14 =	sadd.s32 $0x280, s0  }
0x84: {  	[tilespmem:s22], [sflag:$0x1] =	stream.indirect.gather [hbm4b:s4+s12], $0x20, s14, s12, $0xb8;
	[tilespmem:$0x17000] =	vst v63  }
0x85: {  	s14 =	sadd.s32 $0x300, s0  }
0x86: {  	[tilespmem:s23], [sflag:$0x1] =	stream.indirect.gather [hbm4b:s4+s12], $0x20, s14, s12, $0xb8;
	[tilespmem:$0x17000] =	vst v63  }
0x87: {  	s14 =	sadd.s32 $0x380, s0  }
0x88: {  	[tilespmem:s25], [sflag:$0x1] =	stream.indirect.gather [hbm4b:s4+s12], $0x20, s14, s12, $0xb8;
	[tilespmem:$0x17000] =	vst v63  }
0x89: {  	_ =	swait.ge [sflag:s26], $0x1000  }
0x8a: {  	[sflag:s26] =	ssyncset.done $0x0  }
0x8b: {  	[sflag:s26] =	ssyncadd.s32 $0xFFFFF000  }
0x8c: {  	_ =	swait.ge [sflag:s26], $0x1000  }
0x8d: {  	[sflag:s26] =	ssyncset.done $0x0  }
0x8e: {  	[sflag:s26] =	ssyncadd.s32 $0xFFFFF000  }
0x8f: {  	_ =	swait.ge [sflag:s26], $0x1000  }
0x90: {  	[sflag:s26] =	ssyncset.done $0x0  }
0x91: {  	[sflag:s26] =	ssyncadd.s32 $0xFFFFF000  }
0x92: {  	_ =	swait.ge [sflag:s26], $0x1000  }
0x93: {  	[sflag:s26] =	ssyncset.done $0x0  }
0x94: {  	s14 =	sadd.s32 $0x2800, s0;
	[sflag:s26] =	ssyncadd.s32 $0xFFFFF000  }
0x95: {  	[spmem:s1] =	stream.indirect.scatter.add.f32 [tilespmem:s15], [sflag:$0x2], $0x20, s14, s12, $0xb8;
	[tilespmem:$0x17000] =	vst v63  }
0x96: {  	s14 =	sadd.s32 $0x2880, s0  }
0x97: {  	[spmem:s1] =	stream.indirect.scatter.add.f32 [tilespmem:s16], [sflag:$0x2], $0x20, s14, s12, $0xb8;
	[tilespmem:$0x17000] =	vst v63  }
0x98: {  	s14 =	sadd.s32 $0x2900, s0  }
0x99: {  	[spmem:s1] =	stream.indirect.scatter.add.f32 [tilespmem:s18], [sflag:$0x2], $0x20, s14, s12, $0xb8;
	[tilespmem:$0x17000] =	vst v63  }
0x9a: {  	s14 =	sadd.s32 $0x2980, s0  }
0x9b: {  	[spmem:s1] =	stream.indirect.scatter.add.f32 [tilespmem:s20], [sflag:$0x2], $0x20, s14, s12, $0xb8;
	[tilespmem:$0x17000] =	vst v63  }
0x9c: {  	_ =	swait.ge [sflag:s28], $0x1000  }
0x9d: {  	[sflag:s28] =	ssyncset.done $0x0  }
0x9e: {  	[sflag:s28] =	ssyncadd.s32 $0xFFFFF000  }
0x9f: {  	_ =	swait.ge [sflag:s28], $0x1000  }
0xa0: {  	[sflag:s28] =	ssyncset.done $0x0  }
0xa1: {  	[sflag:s28] =	ssyncadd.s32 $0xFFFFF000  }
0xa2: {  	_ =	swait.ge [sflag:s28], $0x1000  }
0xa3: {  	[sflag:s28] =	ssyncset.done $0x0  }
0xa4: {  	[sflag:s28] =	ssyncadd.s32 $0xFFFFF000  }
0xa5: {  	p2 =	seq.s32 s30, $0x9000;
	_ =	swait.ge [sflag:s28], $0x1000  }
0xa6: {  	s14 =	sshra.s32 @!p2 s30, $0x2;
	s30 =	simm.s32 @!p2 $0x5000;
	[sflag:s28] =	ssyncset.done $0x0  }
0xa7: {  	s19 =	simm.s32 @!p2 $0x80;
	s17 =	sadd.s32 @!p2 $0x400, s14;
	[sflag:s28] =	ssyncadd.s32 $0xFFFFF000  }
0xa8: {  	[tilespmem:s30], [sflag:$0x1] =	stream.indirect.gather @!p2 [hbm4b:s4+s19], $0x20, s17, s19, $0xb8;
	[tilespmem:$0x17000] =	vst v63  }
0xa9: {  	s5 =	sadd.s32 @!p2 $0x500, s14;
	s17 =	sadd.s32 @!p2 $0x480, s14;
	s30 =	simm.s32 @!p2 $0x6000  }
0xaa: {  	[tilespmem:s30], [sflag:$0x1] =	stream.indirect.gather @!p2 [hbm4b:s4+s19], $0x20, s17, s19, $0xb8;
	[tilespmem:$0x17000] =	vst v63  }
0xab: {  	s14 =	sadd.s32 @!p2 $0x580, s14;
	s17 =	simm.s32 @!p2 $0x7000;
	s30 =	smov.u32 s3  }
0xac: {  	[tilespmem:s17], [sflag:$0x1] =	stream.indirect.gather @!p2 [hbm4b:s4+s19], $0x20, s5, s19, $0xb8;
	[tilespmem:$0x17000] =	vst v63  }
0xad: {  	s3 =	simm.s32 @!p2 $0x8000  }
0xae: {  	[tilespmem:s3], [sflag:$0x1] =	stream.indirect.gather @!p2 [hbm4b:s4+s19], $0x20, s14, s19, $0xb8;
	[tilespmem:$0x17000] =	vst v63  }
0xaf: {  	_ =	swait.ge [sflag:s26], $0x1000  }
0xb0: {  	[sflag:s26] =	ssyncset.done $0x0  }
0xb1: {  	[sflag:s26] =	ssyncadd.s32 $0xFFFFF000  }
0xb2: {  	_ =	swait.ge [sflag:s26], $0x1000  }
0xb3: {  	[sflag:s26] =	ssyncset.done $0x0  }
0xb4: {  	[sflag:s26] =	ssyncadd.s32 $0xFFFFF000  }
0xb5: {  	_ =	swait.ge [sflag:s26], $0x1000  }
0xb6: {  	[sflag:s26] =	ssyncset.done $0x0  }
0xb7: {  	[sflag:s26] =	ssyncadd.s32 $0xFFFFF000  }
0xb8: {  	_ =	swait.ge [sflag:s26], $0x1000  }
0xb9: {  	[sflag:s26] =	ssyncset.done $0x0  }
0xba: {  	s3 =	sadd.s32 $0x2A00, s0;
	[sflag:s26] =	ssyncadd.s32 $0xFFFFF000  }
0xbb: {  	[spmem:s1] =	stream.indirect.scatter.add.f32 [tilespmem:s21], [sflag:$0x2], $0x20, s3, s12, $0xb8;
	[tilespmem:$0x17000] =	vst v63  }
.Ltmp0:
0xbc: {  	s3 =	sadd.s32 $0x2A80, s0;
	(pc) =	sbr.rel @p1 .LBB2_2-.Ltmp0, $4  }
0xbd: {  	[spmem:s1] =	stream.indirect.scatter.add.f32 [tilespmem:s22], [sflag:$0x2], $0x20, s3, s12, $0xb8;
	[tilespmem:$0x17000] =	vst v63  }
0xbe: {  	s3 =	sadd.s32 $0x2B00, s0  }
0xbf: {  	[spmem:s1] =	stream.indirect.scatter.add.f32 [tilespmem:s23], [sflag:$0x2], $0x20, s3, s12, $0xb8;
	[tilespmem:$0x17000] =	vst v63  }
0xc0: {  	s0 =	sadd.s32 $0x2B80, s0  }
0xc1: {  	[spmem:s1] =	stream.indirect.scatter.add.f32 [tilespmem:s25], [sflag:$0x2], $0x20, s0, s12, $0xb8;
	[tilespmem:$0x17000] =	vst v63  }
0xc2: {  	s3 =	simm.s32 @!p0 $0x2  }
0xc3: {  	_ =	swait.ge @!p0 [sflag:s3], $0x1000  }
0xc4: {  	[sflag:s3] =	ssyncset.done @!p0 $0x0  }
0xc5: {  	[sflag:s3] =	ssyncadd.s32 @!p0 $0xFFFFF000  }
0xc6: {  	_ =	swait.ge @!p0 [sflag:s3], $0x1000  }
0xc7: {  	[sflag:s3] =	ssyncset.done @!p0 $0x0  }
0xc8: {  	[sflag:s3] =	ssyncadd.s32 @!p0 $0xFFFFF000  }
0xc9: {  	_ =	swait.ge @!p0 [sflag:s3], $0x1000  }
0xca: {  	[sflag:s3] =	ssyncset.done @!p0 $0x0  }
0xcb: {  	[sflag:s3] =	ssyncadd.s32 @!p0 $0xFFFFF000  }
0xcc: {  	_ =	swait.ge @!p0 [sflag:s3], $0x1000  }
0xcd: {  	s0 =	sshra.s32 s30, $0x2;
	[sflag:s3] =	ssyncset.done @!p0 $0x0  }
0xce: {  	s5 =	sadd.s32 $0x200, s0;
	[sflag:s3] =	ssyncadd.s32 @!p0 $0xFFFFF000  }
0xcf: {  	[tilespmem:s21], [sflag:$0x1] =	stream.indirect.gather [hbm4b:s4+s12], $0x20, s5, s12, $0xb8;
	[tilespmem:$0x17000] =	vst v63  }
0xd0: {  	s14 =	sadd.s32 $0x280, s0  }
0xd1: {  	[tilespmem:s22], [sflag:$0x1] =	stream.indirect.gather [hbm4b:s4+s12], $0x20, s14, s12, $0xb8;
	[tilespmem:$0x17000] =	vst v63  }
0xd2: {  	s17 =	sadd.s32 $0x300, s0  }
0xd3: {  	[tilespmem:s23], [sflag:$0x1] =	stream.indirect.gather [hbm4b:s4+s12], $0x20, s17, s12, $0xb8;
	[tilespmem:$0x17000] =	vst v63  }
0xd4: {  	s19 =	sadd.s32 $0x380, s0  }
0xd5: {  	[tilespmem:s25], [sflag:$0x1] =	stream.indirect.gather [hbm4b:s4+s12], $0x20, s19, s12, $0xb8;
	[tilespmem:$0x17000] =	vst v63  }
0xd6: {  	_ =	swait.ge [sflag:s26], $0x1000  }
0xd7: {  	[sflag:s26] =	ssyncset.done $0x0  }
0xd8: {  	[sflag:s26] =	ssyncadd.s32 $0xFFFFF000  }
0xd9: {  	_ =	swait.ge [sflag:s26], $0x1000  }
0xda: {  	[sflag:s26] =	ssyncset.done $0x0  }
0xdb: {  	[sflag:s26] =	ssyncadd.s32 $0xFFFFF000  }
0xdc: {  	_ =	swait.ge [sflag:s26], $0x1000  }
0xdd: {  	[sflag:s26] =	ssyncset.done $0x0  }
0xde: {  	[sflag:s26] =	ssyncadd.s32 $0xFFFFF000  }
0xdf: {  	_ =	swait.ge [sflag:s26], $0x1000  }
0xe0: {  	[sflag:s26] =	ssyncset.done $0x0  }
0xe1: {  	s31 =	sadd.s32 $0x2800, s0;
	[sflag:s26] =	ssyncadd.s32 $0xFFFFF000  }
0xe2: {  	[spmem:s1] =	stream.indirect.scatter.add.f32 [tilespmem:s15], [sflag:$0x2], $0x20, s31, s12, $0xb8;
	[tilespmem:$0x17000] =	vst v63  }
0xe3: {  	s5 =	sadd.s32 $0x2880, s0  }
0xe4: {  	[spmem:s1] =	stream.indirect.scatter.add.f32 [tilespmem:s16], [sflag:$0x2], $0x20, s5, s12, $0xb8;
	[tilespmem:$0x17000] =	vst v63  }
0xe5: {  	s14 =	sadd.s32 $0x2900, s0  }
0xe6: {  	[spmem:s1] =	stream.indirect.scatter.add.f32 [tilespmem:s18], [sflag:$0x2], $0x20, s14, s12, $0xb8;
	[tilespmem:$0x17000] =	vst v63  }
0xe7: {  	s17 =	sadd.s32 $0x2980, s0  }
0xe8: {  	[spmem:s1] =	stream.indirect.scatter.add.f32 [tilespmem:s20], [sflag:$0x2], $0x20, s17, s12, $0xb8;
	[tilespmem:$0x17000] =	vst v63  }
0xe9: {  	_ =	swait.ge [sflag:s28], $0x1000  }
0xea: {  	[sflag:s28] =	ssyncset.done $0x0  }
0xeb: {  	[sflag:s28] =	ssyncadd.s32 $0xFFFFF000  }
0xec: {  	_ =	swait.ge [sflag:s28], $0x1000  }
0xed: {  	[sflag:s28] =	ssyncset.done $0x0  }
0xee: {  	[sflag:s28] =	ssyncadd.s32 $0xFFFFF000  }
0xef: {  	_ =	swait.ge [sflag:s28], $0x1000  }
0xf0: {  	[sflag:s28] =	ssyncset.done $0x0  }
0xf1: {  	[sflag:s28] =	ssyncadd.s32 $0xFFFFF000  }
0xf2: {  	p0 =	seq.s32 s30, $0x9000;
	_ =	swait.ge [sflag:s28], $0x1000  }
0xf3: {  	s3 =	sshra.s32 @!p0 s30, $0x2;
	s5 =	simm.s32 @!p0 $0x5000;
	[sflag:s28] =	ssyncset.done $0x0  }
0xf4: {  	s14 =	sadd.s32 @!p0 $0x400, s3;
	s17 =	simm.s32 @!p0 $0x80;
	[sflag:s28] =	ssyncadd.s32 $0xFFFFF000  }
0xf5: {  	[tilespmem:s5], [sflag:$0x1] =	stream.indirect.gather @!p0 [hbm4b:s4+s17], $0x20, s14, s17, $0xb8;
	[tilespmem:$0x17000] =	vst v63  }
0xf6: {  	s5 =	sadd.s32 @!p0 $0x480, s3;
	s14 =	simm.s32 @!p0 $0x6000  }
0xf7: {  	[tilespmem:s14], [sflag:$0x1] =	stream.indirect.gather @!p0 [hbm4b:s4+s17], $0x20, s5, s17, $0xb8;
	[tilespmem:$0x17000] =	vst v63  }
0xf8: {  	s5 =	sadd.s32 @!p0 $0x500, s3;
	s14 =	simm.s32 @!p0 $0x7000  }
0xf9: {  	[tilespmem:s14], [sflag:$0x1] =	stream.indirect.gather @!p0 [hbm4b:s4+s17], $0x20, s5, s17, $0xb8;
	[tilespmem:$0x17000] =	vst v63  }
0xfa: {  	s3 =	sadd.s32 @!p0 $0x580, s3;
	s5 =	simm.s32 @!p0 $0x8000  }
0xfb: {  	[tilespmem:s5], [sflag:$0x1] =	stream.indirect.gather @!p0 [hbm4b:s4+s17], $0x20, s3, s17, $0xb8;
	[tilespmem:$0x17000] =	vst v63  }
0xfc: {  	_ =	swait.ge [sflag:s26], $0x1000  }
0xfd: {  	[sflag:s26] =	ssyncset.done $0x0  }
0xfe: {  	[sflag:s26] =	ssyncadd.s32 $0xFFFFF000  }
0xff: {  	_ =	swait.ge [sflag:s26], $0x1000  }
0x100: {  	[sflag:s26] =	ssyncset.done $0x0  }
0x101: {  	[sflag:s26] =	ssyncadd.s32 $0xFFFFF000  }
0x102: {  	_ =	swait.ge [sflag:s26], $0x1000  }
0x103: {  	[sflag:s26] =	ssyncset.done $0x0  }
0x104: {  	[sflag:s26] =	ssyncadd.s32 $0xFFFFF000  }
0x105: {  	_ =	swait.ge [sflag:s26], $0x1000  }
0x106: {  	[sflag:s26] =	ssyncset.done $0x0  }
0x107: {  	s19 =	sadd.s32 $0x2A00, s0;
	[sflag:s26] =	ssyncadd.s32 $0xFFFFF000  }
0x108: {  	[spmem:s1] =	stream.indirect.scatter.add.f32 [tilespmem:s21], [sflag:$0x2], $0x20, s19, s12, $0xb8;
	[tilespmem:$0x17000] =	vst v63  }
0x109: {  	s30 =	sadd.s32 $0x2A80, s0  }
0x10a: {  	[spmem:s1] =	stream.indirect.scatter.add.f32 [tilespmem:s22], [sflag:$0x2], $0x20, s30, s12, $0xb8;
	[tilespmem:$0x17000] =	vst v63  }
0x10b: {  	s31 =	sadd.s32 $0x2B00, s0  }
0x10c: {  	[spmem:s1] =	stream.indirect.scatter.add.f32 [tilespmem:s23], [sflag:$0x2], $0x20, s31, s12, $0xb8;
	[tilespmem:$0x17000] =	vst v63  }
0x10d: {  	s0 =	sadd.s32 $0x2B80, s0  }
0x10e: {  	[spmem:s1] =	stream.indirect.scatter.add.f32 [tilespmem:s25], [sflag:$0x2], $0x20, s0, s12, $0xb8;
	[tilespmem:$0x17000] =	vst v63  }
0x10f: {  	_ =	swait.ge [sflag:s28], $0x1000  }
0x110: {  	[sflag:s28] =	ssyncset.done $0x0  }
0x111: {  	[sflag:s28] =	ssyncadd.s32 $0xFFFFF000  }
0x112: {  	_ =	swait.ge [sflag:s28], $0x1000  }
0x113: {  	[sflag:s28] =	ssyncset.done $0x0  }
0x114: {  	[sflag:s28] =	ssyncadd.s32 $0xFFFFF000  }
0x115: {  	_ =	swait.ge [sflag:s28], $0x1000  }
0x116: {  	[sflag:s28] =	ssyncset.done $0x0  }
0x117: {  	[sflag:s28] =	ssyncadd.s32 $0xFFFFF000  }
0x118: {  	_ =	swait.ge [sflag:s28], $0x1000  }
0x119: {  	[sflag:s28] =	ssyncset.done $0x0  }
0x11a: {  	[sflag:s28] =	ssyncadd.s32 $0xFFFFF000  }
0x11b: {  	[bflag:$0x0] =	sbarrier.arrive $0xFFFF  }
0x11c: {  	[tilespmem:s10], [sflag:$0x3] =	stream.linear.gather [spmem:s6], $0x5000, $0x38;
	[tilespmem:$0x17000] =	vst v63  }
0x11d: {  	s29 =	sadd.s32 $0x1, s29;
	_ =	swait.ge [sflag:s11], $0x5000  }
0x11e: {  	p0 =	sne.s32 s29, s9;
	[sflag:s11] =	ssyncset.done $0x0  }
.Ltmp1:
0x11f: {  	[sflag:s11] =	ssyncadd.s32 $0xFFFFB000;
	(pc) =	sbr.rel @p0 .LBB2_1-.Ltmp1, $4  }
0x120: {  	[hbm4b:s24+s2] =	stream.linear.scatter [tilespmem:s10], [sflag:$0x3], $0x5000, $0x38;
	[tilespmem:$0x17000] =	vst v63  }
0x121: {  	_ =	swait.ge [sflag:s11], $0x5000  }
0x122: {  	[sflag:s11] =	ssyncset.done $0x0  }
0x123: {  	[sflag:s11] =	ssyncadd.s32 $0xFFFFB000  }
0x124: {  	_ =	sfence.sel $0x180000  }
0x125: {  	[bflag:$0x0] =	sbarrier.arrive $0xFFFF  }
0x126: {  	_ =	strace $0x9000004A  }
0x127: {  	s0 =	stileid.u32;
	[bflag:$0x2] =	sbarrier.arrive $0xFFFF  }
0x128: {  	p0 =	sne.s32 s0, $0x0;
	s0 =	rddreg [dreg:$0x2]  }
0x129: {  	s0 =	sadd.s32 @!p0 $0x100000, s0  }
0x12a: {  	[sflag:s0] =	ssyncadd.tile.s32 @!p0 $0x1;
	_ =	shalt  }
.Lfunc_end2:
_tile_overlayer_lowered:
.L_overlay_start_2:
0x12b: {  	(tag) =	ssettag $0x2  }
0x12c: {  	s0 =	rddreg [dreg:$0x0];
	s2 =	stileid.u32  }
0x12d: {  	s1 =	rddreg [dreg:$0x1];
	p0 =	sne.s32 s2, $0x0  }
0x12e: {  	s3 =	rddreg [dreg:$0x2];
	[bflag:$0x3] =	sbarrier.arrive $0xFFFF;
	s2 =	simm.s32 @!p0 $0x1C03  }
0x12f: {  	[timem:s3], [sflag:s2] =	dma.local @!p0 [hbm:s0], s1  }
0x130: {  	s0 =	simm.s32 @!p0 $0x3  }
0x131: {  	_ =	swait.ge @!p0 [sflag:s0], s1  }
0x132: {  	s1 =	ssub.s32 @!p0 $0x0, s1;
	[sflag:s0] =	ssyncset.done @!p0 $0x0  }
0x133: {  	[sflag:s0] =	ssyncadd.s32 @!p0 s1  }
0x134: {  	[bflag:$0x3] =	sbarrier.arrive $0xFFFF  }
0x135: {  	_ =	shalt  }

// kernel: kernel.7.cloned.1.call-start
scs
__scs_entry_jumppad:
0x0: {  	(pc) =	sbr.rel $0x88, $3  }
0x1: {  	(tag) =	ssettag $0x0;
	lr =	simm.s32 $0x1  }
0x2: {  	[smem:$0x3F99] =	sst lr;
	_ =	strace $0xD0000000  }
0x3: {  	_ = 	snop  }
0x4: {  	_ = 	snop  }
0x5: {  	_ = 	snop  }
0x6: {  	_ = 	snop  }
0x7: {  	_ = 	snop  }
__scs_overlays_trampoline_lowered:
0x8: {  	[smem:$0x3FA8] =	sst s0  }
0x9: {  	[smem:$0x3FA9] =	sst s1  }
0xa: {  	[smem:$0x3FAA] =	sst s2  }
0xb: {  	[smem:$0x3FAB] =	sst s3  }
0xc: {  	[smem:$0x3FAC] =	sst s4  }
0xd: {  	[smem:$0x3FAD] =	sst s5  }
0xe: {  	[smem:$0x3FAE] =	sst s6  }
0xf: {  	[smem:$0x3FAF] =	sst s7  }
0x10: {  	[smem:$0x3FB0] =	sst s8  }
0x11: {  	[smem:$0x3FB1] =	sst s9;
	s0 =	simm.s32 @!p0 $0x0  }
0x12: {  	s1 =	sld [smem:$0x3F97];
	s0 =	simm.s32 @p0 $0x1  }
0x13: {  	[smem:$0x3FB2] =	sst s0;
	s0 =	simm.s32 @!p1 $0x0  }
0x14: {  	s2 =	sld [smem:$0x3F96];
	s0 =	simm.s32 @p1 $0x1  }
0x15: {  	[smem:$0x3FB3] =	sst s0;
	s0 =	simm.s32 @!p2 $0x0  }
0x16: {  	s3 =	sld [smem:$0x3FDB];
	s0 =	simm.s32 @p2 $0x1  }
0x17: {  	s4 =	simm.s32 $0x1BF5;
	[smem:$0x3FB5] =	sst s0  }
0x18: {  	s0 =	sld [smem:$0x3F98];
	_ =	swait.ge [sflag:s4], $0x0  }
0x19: {  	s7 =	sld [smem:$0x3F99]  }
0x1a: {  	s8 =	sadd.s32 $0xFFFFE003, lr  }
0x1b: {  	s9 =	sadd.s32 $0xFFFFFEF7, lr;
	s5 =	simm.s32 $0xFFFFFFFF;
	p2 =	slt.u32 s8, $0xFFFFF086  }
0x1c: {  	p1 =	slt.u32 s9, $0xF7A;
	s5 =	simm.s32 @!p2 $0x0  }
0x1d: {  	s5 =	simm.s32 @p1 $0x1;
	p0 =	seq.s32 s7, s2  }
0x1e: {  	s7 =	smul.u32 @!p0 $0xF7A, s2;
	p2 =	seq.s32 @!p0 s5, $0x0  }
0x1f: {  	s9 =	smul.u32 $0xF7A, s1;
	s8 =	simm.s32 @!p0 $0x1BF5;
	p2 =	por !p2, p0  }
0x20: {  	[sflag:s8] =	ssyncset.s32 @!p0 $0xFFFFF086;
	s6 =	sadd.s32 @!p0 s3, s7;
	s7 =	simm.s32 @!p0 $0x108  }
0x21: {  	s3 =	sadd.s32 s3, s9;
	s6 =	sadd.s32 @!p0 $0x88, s6;
	s7 =	simm.s32 @p2 $0x1082  }
0x22: {  	[simem:s7], [sflag:s8] =	dma.local @!p0 [hbm:s6], $0xF7A  }
0x23: {  	s9 =	sor.u32 $0xD0000000, s2;
	s6 =	simm.s32 $0x108;
	_ =	swait.ge @!p0 [sflag:s8], $0x0  }
0x24: {  	s3 =	sadd.s32 $0x88, s3;
	s6 =	simm.s32 @!p1 $0x1082;
	[sflag:s4] =	ssyncset.s32 $0xFFFFF086  }
0x25: {  	[simem:s6], [sflag:s4] =	dma.local [hbm:s3], $0xF7A  }
0x26: {  	[smem:$0x3F99] =	sst s1;
	(tag) =	ssettag s2;
	_ =	strace s9  }
0x27: {  	s1 =	sld [smem:$0x3FA9]  }
0x28: {  	s2 =	sld [smem:$0x3FAA]  }
0x29: {  	s4 =	sld [smem:$0x3FAC]  }
0x2a: {  	p0 =	seq.s32 s5, $0x0;
	s5 =	sld [smem:$0x3FAD]  }
0x2b: {  	s6 =	sld [smem:$0x3FAE]  }
0x2c: {  	s7 =	sld [smem:$0x3FAF]  }
0x2d: {  	s3 =	simm.s32 $0x108;
	s8 =	sld [smem:$0x3FB0]  }
0x2e: {  	s3 =	simm.s32 @!p0 $0x1082;
	s9 =	sld [smem:$0x3FB1]  }
0x2f: {  	lr =	sadd.s32 s0, s3;
	s0 =	sld [smem:$0x3FA8]  }
0x30: {  	s3 =	sld [smem:$0x3FAB]  }
0x31: {  	[smem:$0x3FB4] =	sst s10  }
0x32: {  	s10 =	sld [smem:$0x3FB2];
	_ =	sdelay $0x3  }
0x33: {  	p0 =	seq.s32 s10, $0x1;
	s10 =	sld [smem:$0x3FB4];
	_ =	sdelay $0x3  }
0x34: {  	[smem:$0x3FB4] =	sst s10  }
0x35: {  	s10 =	sld [smem:$0x3FB3];
	_ =	sdelay $0x3  }
0x36: {  	p1 =	seq.s32 s10, $0x1;
	s10 =	sld [smem:$0x3FB4];
	_ =	sdelay $0x3  }
0x37: {  	[smem:$0x3FB4] =	sst s10  }
0x38: {  	s10 =	sld [smem:$0x3FB5]  }
0x39: {  	_ = 	snop;
	(pc) =	sbr.ind lr, $3  }
0x3a: {  	_ = 	snop  }
0x3b: {  	_ = 	snop  }
0x3c: {  	p2 =	seq.s32 s10, $0x1;
	s10 =	sld [smem:$0x3FB4]  }
0x3d: {  	_ =	shalt  }
0x3e: {  	_ =	shalt  }
0x3f: {  	_ =	shalt  }
0x40: {  	_ =	shalt  }
0x41: {  	_ =	shalt  }
0x42: {  	_ =	shalt  }
0x43: {  	_ =	shalt  }
0x44: {  	_ =	shalt  }
0x45: {  	_ =	shalt  }
0x46: {  	_ =	shalt  }
0x47: {  	_ =	shalt  }
0x48: {  	_ =	shalt  }
0x49: {  	_ =	shalt  }
0x4a: {  	_ =	shalt  }
0x4b: {  	_ =	shalt  }
0x4c: {  	_ =	shalt  }
0x4d: {  	_ =	shalt  }
0x4e: {  	_ =	shalt  }
0x4f: {  	_ =	shalt  }
0x50: {  	_ =	shalt  }
0x51: {  	_ =	shalt  }
0x52: {  	_ =	shalt  }
0x53: {  	_ =	shalt  }
0x54: {  	_ =	shalt  }
0x55: {  	_ =	shalt  }
0x56: {  	_ =	shalt  }
0x57: {  	_ =	shalt  }
0x58: {  	_ =	shalt  }
0x59: {  	_ =	shalt  }
0x5a: {  	_ =	shalt  }
0x5b: {  	_ =	shalt  }
0x5c: {  	_ =	shalt  }
0x5d: {  	_ =	shalt  }
0x5e: {  	_ =	shalt  }
0x5f: {  	_ =	shalt  }
0x60: {  	_ =	shalt  }
0x61: {  	_ =	shalt  }
0x62: {  	_ =	shalt  }
0x63: {  	_ =	shalt  }
0x64: {  	_ =	shalt  }
0x65: {  	_ =	shalt  }
0x66: {  	_ =	shalt  }
0x67: {  	_ =	shalt  }
0x68: {  	_ =	shalt  }
0x69: {  	_ =	shalt  }
0x6a: {  	_ =	shalt  }
0x6b: {  	_ =	shalt  }
0x6c: {  	_ =	shalt  }
0x6d: {  	_ =	shalt  }
0x6e: {  	_ =	shalt  }
0x6f: {  	_ =	shalt  }
0x70: {  	_ =	shalt  }
0x71: {  	_ =	shalt  }
0x72: {  	_ =	shalt  }
0x73: {  	_ =	shalt  }
0x74: {  	_ =	shalt  }
0x75: {  	_ =	shalt  }
0x76: {  	_ =	shalt  }
0x77: {  	_ =	shalt  }
0x78: {  	_ =	shalt  }
0x79: {  	_ =	shalt  }
0x7a: {  	_ =	shalt  }
0x7b: {  	_ =	shalt  }
0x7c: {  	_ =	shalt  }
0x7d: {  	_ =	shalt  }
0x7e: {  	_ =	shalt  }
0x7f: {  	_ =	shalt  }
0x80: {  	_ =	shalt  }
0x81: {  	_ =	shalt  }
0x82: {  	_ =	shalt  }
0x83: {  	_ =	shalt  }
0x84: {  	_ =	shalt  }
0x85: {  	_ =	shalt  }
0x86: {  	_ =	shalt  }
0x87: {  	_ =	shalt  }
.Lfunc_end0:
.L_simem_size_0:
called_computation_lowered:
.L_overlay_start_0:
0x88: {  	s2 =	sld [smem:$0x3FD9]  }
0x89: {  	s3 =	sld [smem:$0x3FFE];
	_ =	sdelay $0x1  }
0x8a: {  	s1 =	srdreg.scid  }
0x8b: {  	s0 =	sand.u32 $0x1, s1  }
0x8c: {  	s16 =	sshll.u32 s0, $0xA;
	s2 =	sadd.s32 s3, s2  }
0x8d: {  	s2 =	sadd.s32 s2, s16  }
0x8e: {  	[smem:$0x3FC0] =	sst s2  }
0x8f: {  	_ = 	snop  }
0x90: {  	(tm) =	ssettm $0x1  }
0x91: {  	s17 =	sld [smem:$0x3FFB];
	_ =	sdelay $0x3  }
0x92: {  	_ =	strace s17  }
0x93: {  	s2 =	sld [smem:$0x3FFC];
	_ =	sdelay $0x3  }
0x94: {  	_ =	strace s2  }
0x95: {  	s2 =	sld [smem:$0x3FFD];
	_ =	sdelay $0x3  }
0x96: {  	_ =	strace s2  }
0x97: {  	_ =	strace $0x8FFFFFFF  }
0x98: {  	s18 =	sld [smem:$0x3FDB];
	_ =	sdelay $0x1  }
0x99: {  	s19 =	simm.s32 $_scs_section_size  }
0x9a: {  	s4 =	simm.s32 $_size__tile_overlayer_lowered;
	s5 =	simm.s32 $_tile_overlayer_lowered  }
0x9b: {  	s22 =	simm.s32 $0x1BFF;
	s21 =	sshll.u32 s5, $0x1;
	s2 =	sadd.s32 s19, s18  }
0x9c: {  	s6 =	simm.s32 $0x0;
	s20 =	sshll.u32 s4, $0x1;
	s4 =	sadd.s32 s21, s2  }
0x9d: {  	[timem:s6], [sflag:s22] =	dma.local [hbm:s4], s20  }
0x9e: {  	_ =	swait.ge [sflag:s22], s20  }
0x9f: {  	s3 =	ssub.s32 $0x0, s20;
	[sflag:s22] =	ssyncset.done $0x0  }
0xa0: {  	[sflag:s22] =	ssyncadd.s32 s3;
	_ =	sdelay $0x1  }
0xa1: {  	s23 =	simm.s32 $0x1B8B  }
0xa2: {  	_ =	swait.ge [sflag:s23], $0x1  }
0xa3: {  	[sflag:s23] =	ssyncset.done $0x0  }
0xa4: {  	s25 =	simm.s32 $0x1B8E;
	s24 =	sld [smem:$0x3FFE];
	[sflag:s23] =	ssyncadd.s32 $0xFFFFFFFF  }
0xa5: {  	s26 =	simm.s32 $execute0_lowered;
	[smem:$0x3FD2] =	sst s25  }
0xa6: {  	s4 =	sshll.u32 s26, $0x1;
	_ =	strace $0x80000046;
	[dreg:$0x1] =	wrdreg $0xFFFFFFFF  }
0xa7: {  	s28 =	simm.s32 $_size_execute0_lowered;
	s2 =	sadd.s32 s2, s4;
	[dreg:$0x0] =	wrdreg $0x0  }
0xa8: {  	s4 =	sshll.u32 s28, $0x1;
	[dreg:$0x2] =	wrdreg s2  }
0xa9: {  	[dreg:$0x3] =	wrdreg s4  }
0xaa: {  	[dreg:$0x4] =	wrdreg $0xC0  }
0xab: {  	_ =	task [dreg:s6], $0x5FFFF  }
0xac: {  	[dreg:$0x1] =	wrdreg $0xFFFFFFFF  }
0xad: {  	[dreg:$0x0] =	wrdreg $0x60  }
0xae: {  	[dreg:$0x2] =	wrdreg s24  }
0xaf: {  	[dreg:$0x3] =	wrdreg $0x120000  }
0xb0: {  	[dreg:$0x4] =	wrdreg $0x9  }
0xb1: {  	_ =	task.clear_ibuf [dreg:s6], $0x5FFFF;
	_ =	strace $0x90000046  }
0xb2: {  	s29 =	simm.s32 $0x9;
	_ =	strace $0x80000048  }
0xb3: {  	_ =	swait.ge [sflag:s29], $0x1  }
0xb4: {  	[sflag:s29] =	ssyncadd.s32 $0xFFFFFFFF  }
0xb5: {  	_ =	strace $0x90000048  }
0xb6: {  	_ =	sfence  }
0xb7: {  	s30 =	sld [smem:$0x0];
	_ =	sdelay $0x2  }
0xb8: {  	s31 =	sshll.u32 s1, $0xD;
	s1 =	sshrl.u32 s1, $0x2  }
0xb9: {  	s3 =	sand.u32 $0x4000, s31;
	s1 =	sadd.s32 s1, s30  }
0xba: {  	s0 =	sor.u32 s3, s0;
	s1 =	sshll.u32 s1, $0x11  }
0xbb: {  	s0 =	sor.u32 s1, s0  }
0xbc: {  	s0 =	sadd.s32 $0x8F2B, s0  }
0xbd: {  	[sflag:s0] =	ssyncadd.remote.s32 $0x1  }
0xbe: {  	_ =	sfence.sel $0xFFFF  }
0xbf: {  	[dreg:$0x0] =	wrdreg $0xFFFFFFFF;
	(pc) =	sbr.abs _section_cstart, $3  }
0xc0: {  	[dreg:$0x1] =	wrdreg $0xFFFFFFFF  }
0xc1: {  	_ =	task.clear_ibuf [dreg:s6], $0x2FFFF;
	_ =	strace $0x9FFFFFFF  }
0xc2: {  	(tm) =	ssettm $0x7FFFFFFF  }
0xc3: {  	_ =	shalt  }
tec
execute0_lowered:
.L_overlay_start_1:
0x0: {  	(tag) =	ssettag $0x1  }
0x1: {  	s0 =	rddreg [dreg:$0x0]  }
0x2: {  	s1 =	rddreg [dreg:$0x1];
	s2 =	simm.s32 $0x0;
	s3 =	srdreg.scid  }
0x3: {  	s8 =	stileid.u32;
	s10 =	simm.s32 $0xD000;
	s11 =	simm.s32 $0x3  }
0x4: {  	s12 =	simm.s32 $0x80;
	s13 =	simm.s32 $0x1000;
	s15 =	simm.s32 $0x5000  }
0x5: {  	s16 =	simm.s32 $0x6000;
	s18 =	simm.s32 $0x7000;
	s20 =	simm.s32 $0x8000  }
0x6: {  	s21 =	simm.s32 $0x9000;
	s22 =	simm.s32 $0xA000;
	s23 =	simm.s32 $0xB000  }
0x7: {  	s25 =	simm.s32 $0xC000;
	s28 =	simm.s32 $0x2;
	s29 =	simm.s32 $0x0  }
0x8: {  	[smem:$0x7FF] =	sst s2;
	s4 =	sadd.s32 $0x2200, s0;
	s3 =	sand.u32 $0x1, s3  }
0x9: {  	s6 =	sshll.u32 s8, $0x4;
	s9 =	smul.u32 $0x5000, s8;
	s30 =	sadd.s32 $0x20200, s0  }
0xa: {  	_ =	strace $0x80000047;
	s5 =	sshll.u32 s3, $0x8;
	s7 =	smul.u32 $0xA000, s3  }
0xb: {  	s3 =	ssub.s32 $0x2, s3;
	[dreg:$0x3] =	wrdreg s30;
	s5 =	sor.u32 s6, s5  }
0xc: {  	s31 =	sshrl.u32 s3, $0x1;
	s6 =	sadd.s32 s9, s1;
	s24 =	sshrl.u32 s9, $0x3  }
0xd: {  	s26 =	sadd.s32 s5, s0;
	s0 =	sadd.s32 s7, s0;
	s3 =	ssub.s32 s3, s31  }
0xe: {  	s7 =	sadd.s32 $0xC200, s26;
	s8 =	sadd.s32 $0x16200, s26;
	s0 =	sadd.s32 $0x20C00, s0  }
0xf: {  	s9 =	smax.u32 s3, $0x1;
	s26 =	simm.s32 $0x1;
	s24 =	sadd.s32 s24, s0  }
.LBB2_1:
0x10: {  	s0 =	rddreg [dreg:$0x3]  }
0x11: {  	[tilespmem:s10], [sflag:$0x3] =	stream.linear.gather [hbm4b:s0+s2], $0x5000, $0x38;
	[tilespmem:$0x17000] =	vst v63  }
0x12: {  	_ =	swait.ge [sflag:s11], $0x5000  }
0x13: {  	[sflag:s11] =	ssyncset.done $0x0  }
0x14: {  	[sflag:s11] =	ssyncadd.s32 $0xFFFFB000  }
0x15: {  	[spmem:s6] =	stream.linear.scatter [tilespmem:s10], [sflag:$0x3], $0x5000, $0x38;
	[tilespmem:$0x17000] =	vst v63  }
0x16: {  	_ =	swait.ge [sflag:s11], $0x5000  }
0x17: {  	[sflag:s11] =	ssyncset.done $0x0  }
0x18: {  	[sflag:s11] =	ssyncadd.s32 $0xFFFFB000  }
0x19: {  	[tilespmem:s2], [sflag:$0x3] =	stream.strided.gather [hbm4b:s7+s12], $0x2800, s13, s12, $0x38;
	[tilespmem:$0x17000] =	vst v63  }
0x1a: {  	_ =	swait.ge [sflag:s11], $0x2800  }
0x1b: {  	[sflag:s11] =	ssyncset.done $0x0  }
0x1c: {  	s5 =	simm.s32 $0x2800;
	[sflag:s11] =	ssyncadd.s32 $0xFFFFD800  }
0x1d: {  	[tilespmem:s5], [sflag:$0x3] =	stream.strided.gather [hbm4b:s8+s12], $0x2800, s13, s12, $0x38;
	[tilespmem:$0x17000] =	vst v63  }
0x1e: {  	_ =	swait.ge [sflag:s11], $0x2800  }
0x1f: {  	[sflag:s11] =	ssyncset.done $0x0  }
0x20: {  	[sflag:s11] =	ssyncadd.s32 $0xFFFFD800  }
0x21: {  	[bflag:$0x0] =	sbarrier.arrive $0xFFFF  }
0x22: {  	[tilespmem:s15], [sflag:$0x1] =	stream.indirect.gather [hbm4b:s4+s12], $0x20, s2, s12, $0xb8;
	[tilespmem:$0x17000] =	vst v63  }
0x23: {  	p0 =	por $0x1, $0x1  }
0x24: {  	[tilespmem:s16], [sflag:$0x1] =	stream.indirect.gather [hbm4b:s4+s12], $0x20, s12, s12, $0xb8;
	[tilespmem:$0x17000] =	vst v63  }
0x25: {  	s14 =	simm.s32 $0x100;
	p0 =	por p0, p0  }
0x26: {  	[tilespmem:s18], [sflag:$0x1] =	stream.indirect.gather [hbm4b:s4+s12], $0x20, s14, s12, $0xb8;
	[tilespmem:$0x17000] =	vst v63  }
0x27: {  	s17 =	simm.s32 $0x180;
	s0 =	simm.s32 @!p0 $0x2  }
0x28: {  	[tilespmem:s20], [sflag:$0x1] =	stream.indirect.gather [hbm4b:s4+s12], $0x20, s17, s12, $0xb8;
	[tilespmem:$0x17000] =	vst v63  }
0x29: {  	_ =	swait.ge @!p0 [sflag:s0], $0x1000  }
0x2a: {  	[sflag:s0] =	ssyncset.done @!p0 $0x0  }
0x2b: {  	[sflag:s0] =	ssyncadd.s32 @!p0 $0xFFFFF000  }
0x2c: {  	_ =	swait.ge @!p0 [sflag:s0], $0x1000  }
0x2d: {  	[sflag:s0] =	ssyncset.done @!p0 $0x0  }
0x2e: {  	[sflag:s0] =	ssyncadd.s32 @!p0 $0xFFFFF000  }
0x2f: {  	_ =	swait.ge @!p0 [sflag:s0], $0x1000  }
0x30: {  	[sflag:s0] =	ssyncset.done @!p0 $0x0  }
0x31: {  	[sflag:s0] =	ssyncadd.s32 @!p0 $0xFFFFF000  }
0x32: {  	_ =	swait.ge @!p0 [sflag:s0], $0x1000  }
0x33: {  	[sflag:s0] =	ssyncset.done @!p0 $0x0  }
0x34: {  	s19 =	simm.s32 $0x200;
	[sflag:s0] =	ssyncadd.s32 @!p0 $0xFFFFF000  }
0x35: {  	[tilespmem:s21], [sflag:$0x1] =	stream.indirect.gather [hbm4b:s4+s12], $0x20, s19, s12, $0xb8;
	[tilespmem:$0x17000] =	vst v63  }
0x36: {  	s3 =	simm.s32 $0x280  }
0x37: {  	[tilespmem:s22], [sflag:$0x1] =	stream.indirect.gather [hbm4b:s4+s12], $0x20, s3, s12, $0xb8;
	[tilespmem:$0x17000] =	vst v63  }
0x38: {  	s5 =	simm.s32 $0x300  }
0x39: {  	[tilespmem:s23], [sflag:$0x1] =	stream.indirect.gather [hbm4b:s4+s12], $0x20, s5, s12, $0xb8;
	[tilespmem:$0x17000] =	vst v63  }
0x3a: {  	s14 =	simm.s32 $0x380  }
0x3b: {  	[tilespmem:s25], [sflag:$0x1] =	stream.indirect.gather [hbm4b:s4+s12], $0x20, s14, s12, $0xb8;
	[tilespmem:$0x17000] =	vst v63  }
0x3c: {  	_ =	swait.ge [sflag:s26], $0x1000  }
0x3d: {  	[sflag:s26] =	ssyncset.done $0x0  }
0x3e: {  	[sflag:s26] =	ssyncadd.s32 $0xFFFFF000  }
0x3f: {  	_ =	swait.ge [sflag:s26], $0x1000  }
0x40: {  	[sflag:s26] =	ssyncset.done $0x0  }
0x41: {  	[sflag:s26] =	ssyncadd.s32 $0xFFFFF000  }
0x42: {  	_ =	swait.ge [sflag:s26], $0x1000  }
0x43: {  	[sflag:s26] =	ssyncset.done $0x0  }
0x44: {  	[sflag:s26] =	ssyncadd.s32 $0xFFFFF000  }
0x45: {  	_ =	swait.ge [sflag:s26], $0x1000  }
0x46: {  	[sflag:s26] =	ssyncset.done $0x0  }
0x47: {  	s17 =	simm.s32 $0x2800;
	[sflag:s26] =	ssyncadd.s32 $0xFFFFF000  }
0x48: {  	[spmem:s1] =	stream.indirect.scatter.add.f32 [tilespmem:s15], [sflag:$0x2], $0x20, s17, s12, $0xb8;
	[tilespmem:$0x17000] =	vst v63  }
0x49: {  	s19 =	simm.s32 $0x2880  }
0x4a: {  	[spmem:s1] =	stream.indirect.scatter.add.f32 [tilespmem:s16], [sflag:$0x2], $0x20, s19, s12, $0xb8;
	[tilespmem:$0x17000] =	vst v63  }
0x4b: {  	s3 =	simm.s32 $0x2900  }
0x4c: {  	[spmem:s1] =	stream.indirect.scatter.add.f32 [tilespmem:s18], [sflag:$0x2], $0x20, s3, s12, $0xb8;
	[tilespmem:$0x17000] =	vst v63  }
0x4d: {  	s5 =	simm.s32 $0x2980  }
0x4e: {  	[spmem:s1] =	stream.indirect.scatter.add.f32 [tilespmem:s20], [sflag:$0x2], $0x20, s5, s12, $0xb8;
	[tilespmem:$0x17000] =	vst v63  }
0x4f: {  	_ =	swait.ge [sflag:s28], $0x1000  }
0x50: {  	[sflag:s28] =	ssyncset.done $0x0  }
0x51: {  	[sflag:s28] =	ssyncadd.s32 $0xFFFFF000  }
0x52: {  	_ =	swait.ge [sflag:s28], $0x1000  }
0x53: {  	[sflag:s28] =	ssyncset.done $0x0  }
0x54: {  	[sflag:s28] =	ssyncadd.s32 $0xFFFFF000  }
0x55: {  	_ =	swait.ge [sflag:s28], $0x1000  }
0x56: {  	[sflag:s28] =	ssyncset.done $0x0  }
0x57: {  	[sflag:s28] =	ssyncadd.s32 $0xFFFFF000  }
0x58: {  	p0 =	por $0x0, $0x0;
	_ =	swait.ge [sflag:s28], $0x1000  }
0x59: {  	s0 =	simm.s32 @!p0 $0x5000;
	[sflag:s28] =	ssyncset.done $0x0  }
0x5a: {  	s30 =	simm.s32 @!p0 $0x80;
	s3 =	simm.s32 @!p0 $0x400;
	[sflag:s28] =	ssyncadd.s32 $0xFFFFF000  }
0x5b: {  	[tilespmem:s0], [sflag:$0x1] =	stream.indirect.gather @!p0 [hbm4b:s4+s30], $0x20, s3, s30, $0xb8;
	[tilespmem:$0x17000] =	vst v63  }
0x5c: {  	s0 =	simm.s32 @!p0 $0x480;
	s3 =	simm.s32 @!p0 $0x6000  }
0x5d: {  	[tilespmem:s3], [sflag:$0x1] =	stream.indirect.gather @!p0 [hbm4b:s4+s30], $0x20, s0, s30, $0xb8;
	[tilespmem:$0x17000] =	vst v63  }
0x5e: {  	s0 =	simm.s32 @!p0 $0x500;
	s3 =	simm.s32 @!p0 $0x7000  }
0x5f: {  	[tilespmem:s3], [sflag:$0x1] =	stream.indirect.gather @!p0 [hbm4b:s4+s30], $0x20, s0, s30, $0xb8;
	[tilespmem:$0x17000] =	vst v63  }
0x60: {  	s0 =	simm.s32 @!p0 $0x580;
	s3 =	simm.s32 @!p0 $0x8000  }
0x61: {  	[tilespmem:s3], [sflag:$0x1] =	stream.indirect.gather @!p0 [hbm4b:s4+s30], $0x20, s0, s30, $0xb8;
	[tilespmem:$0x17000] =	vst v63  }
0x62: {  	_ =	swait.ge [sflag:s26], $0x1000  }
0x63: {  	[sflag:s26] =	ssyncset.done $0x0  }
0x64: {  	[sflag:s26] =	ssyncadd.s32 $0xFFFFF000  }
0x65: {  	_ =	swait.ge [sflag:s26], $0x1000  }
0x66: {  	[sflag:s26] =	ssyncset.done $0x0  }
0x67: {  	[sflag:s26] =	ssyncadd.s32 $0xFFFFF000  }
0x68: {  	_ =	swait.ge [sflag:s26], $0x1000  }
0x69: {  	[sflag:s26] =	ssyncset.done $0x0  }
0x6a: {  	[sflag:s26] =	ssyncadd.s32 $0xFFFFF000  }
0x6b: {  	_ =	swait.ge [sflag:s26], $0x1000  }
0x6c: {  	[sflag:s26] =	ssyncset.done $0x0  }
0x6d: {  	p6 =	por $0x0, $0x0;
	s14 =	simm.s32 $0x2A00;
	[sflag:s26] =	ssyncadd.s32 $0xFFFFF000  }
0x6e: {  	[spmem:s1] =	stream.indirect.scatter.add.f32 [tilespmem:s21], [sflag:$0x2], $0x20, s14, s12, $0xb8;
	[tilespmem:$0x17000] =	vst v63  }
0x6f: {  	s31 =	simm.s32 $0x2000;
	s17 =	simm.s32 $0x2A80;
	s19 =	simm.s32 $0x2B00  }
0x70: {  	[spmem:s1] =	stream.indirect.scatter.add.f32 [tilespmem:s22], [sflag:$0x2], $0x20, s17, s12, $0xb8;
	[tilespmem:$0x17000] =	vst v63  }
0x71: {  	s30 =	simm.s32 $0x1000;
	p0 =	por p6, p6;
	s0 =	simm.s32 $0x2B80  }
0x72: {  	[spmem:s1] =	stream.indirect.scatter.add.f32 [tilespmem:s23], [sflag:$0x2], $0x20, s19, s12, $0xb8;
	[tilespmem:$0x17000] =	vst v63  }
.LBB2_2:
0x73: {  	[spmem:s1] =	stream.indirect.scatter.add.f32 [tilespmem:s25], [sflag:$0x2], $0x20, s0, s12, $0xb8;
	[tilespmem:$0x17000] =	vst v63  }
0x74: {  	s3 =	smov.u32 s31  }
0x75: {  	s31 =	sadd.s32 $0x1000, s31;
	s14 =	simm.s32 @!p0 $0x2;
	p2 =	seq.s32 s3, $0x0  }
0x76: {  	p1 =	sne.s32 s31, $0xA000;
	_ =	swait.ge @!p0 [sflag:s14], $0x1000  }
0x77: {  	[sflag:s14] =	ssyncset.done @!p0 $0x0  }
0x78: {  	[sflag:s14] =	ssyncadd.s32 @!p0 $0xFFFFF000  }
0x79: {  	_ =	swait.ge @!p0 [sflag:s14], $0x1000  }
0x7a: {  	[sflag:s14] =	ssyncset.done @!p0 $0x0  }
0x7b: {  	[sflag:s14] =	ssyncadd.s32 @!p0 $0xFFFFF000  }
0x7c: {  	_ =	swait.ge @!p0 [sflag:s14], $0x1000  }
0x7d: {  	[sflag:s14] =	ssyncset.done @!p0 $0x0  }
0x7e: {  	[sflag:s14] =	ssyncadd.s32 @!p0 $0xFFFFF000  }
0x7f: {  	_ =	swait.ge @!p0 [sflag:s14], $0x1000  }
0x80: {  	s0 =	sshra.s32 s30, $0x2;
	[sflag:s14] =	ssyncset.done @!p0 $0x0  }
0x81: {  	[sflag:s14] =	ssyncadd.s32 @!p0 $0xFFFFF000;
	s14 =	sadd.s32 $0x200, s0;
	p0 =	por p2, p2  }
0x82: {  	[tilespmem:s21], [sflag:$0x1] =	stream.indirect.gather [hbm4b:s4+s12], $0x20, s14, s12, $0xb8;
	[tilespmem:$0x17000] =	vst v63  }
0x83: {  	s14 =	sadd.s32 $0x280, s0  }
0x84: {  	[tilespmem:s22], [sflag:$0x1] =	stream.indirect.gather [hbm4b:s4+s12], $0x20, s14, s12, $0xb8;
	[tilespmem:$0x17000] =	vst v63  }
0x85: {  	s14 =	sadd.s32 $0x300, s0  }
0x86: {  	[tilespmem:s23], [sflag:$0x1] =	stream.indirect.gather [hbm4b:s4+s12], $0x20, s14, s12, $0xb8;
	[tilespmem:$0x17000] =	vst v63  }
0x87: {  	s14 =	sadd.s32 $0x380, s0  }
0x88: {  	[tilespmem:s25], [sflag:$0x1] =	stream.indirect.gather [hbm4b:s4+s12], $0x20, s14, s12, $0xb8;
	[tilespmem:$0x17000] =	vst v63  }
0x89: {  	_ =	swait.ge [sflag:s26], $0x1000  }
0x8a: {  	[sflag:s26] =	ssyncset.done $0x0  }
0x8b: {  	[sflag:s26] =	ssyncadd.s32 $0xFFFFF000  }
0x8c: {  	_ =	swait.ge [sflag:s26], $0x1000  }
0x8d: {  	[sflag:s26] =	ssyncset.done $0x0  }
0x8e: {  	[sflag:s26] =	ssyncadd.s32 $0xFFFFF000  }
0x8f: {  	_ =	swait.ge [sflag:s26], $0x1000  }
0x90: {  	[sflag:s26] =	ssyncset.done $0x0  }
0x91: {  	[sflag:s26] =	ssyncadd.s32 $0xFFFFF000  }
0x92: {  	_ =	swait.ge [sflag:s26], $0x1000  }
0x93: {  	[sflag:s26] =	ssyncset.done $0x0  }
0x94: {  	s14 =	sadd.s32 $0x2800, s0;
	[sflag:s26] =	ssyncadd.s32 $0xFFFFF000  }
0x95: {  	[spmem:s1] =	stream.indirect.scatter.add.f32 [tilespmem:s15], [sflag:$0x2], $0x20, s14, s12, $0xb8;
	[tilespmem:$0x17000] =	vst v63  }
0x96: {  	s14 =	sadd.s32 $0x2880, s0  }
0x97: {  	[spmem:s1] =	stream.indirect.scatter.add.f32 [tilespmem:s16], [sflag:$0x2], $0x20, s14, s12, $0xb8;
	[tilespmem:$0x17000] =	vst v63  }
0x98: {  	s14 =	sadd.s32 $0x2900, s0  }
0x99: {  	[spmem:s1] =	stream.indirect.scatter.add.f32 [tilespmem:s18], [sflag:$0x2], $0x20, s14, s12, $0xb8;
	[tilespmem:$0x17000] =	vst v63  }
0x9a: {  	s14 =	sadd.s32 $0x2980, s0  }
0x9b: {  	[spmem:s1] =	stream.indirect.scatter.add.f32 [tilespmem:s20], [sflag:$0x2], $0x20, s14, s12, $0xb8;
	[tilespmem:$0x17000] =	vst v63  }
0x9c: {  	_ =	swait.ge [sflag:s28], $0x1000  }
0x9d: {  	[sflag:s28] =	ssyncset.done $0x0  }
0x9e: {  	[sflag:s28] =	ssyncadd.s32 $0xFFFFF000  }
0x9f: {  	_ =	swait.ge [sflag:s28], $0x1000  }
0xa0: {  	[sflag:s28] =	ssyncset.done $0x0  }
0xa1: {  	[sflag:s28] =	ssyncadd.s32 $0xFFFFF000  }
0xa2: {  	_ =	swait.ge [sflag:s28], $0x1000  }
0xa3: {  	[sflag:s28] =	ssyncset.done $0x0  }
0xa4: {  	[sflag:s28] =	ssyncadd.s32 $0xFFFFF000  }
0xa5: {  	p2 =	seq.s32 s30, $0x9000;
	_ =	swait.ge [sflag:s28], $0x1000  }
0xa6: {  	s14 =	sshra.s32 @!p2 s30, $0x2;
	s30 =	simm.s32 @!p2 $0x5000;
	[sflag:s28] =	ssyncset.done $0x0  }
0xa7: {  	s19 =	simm.s32 @!p2 $0x80;
	s17 =	sadd.s32 @!p2 $0x400, s14;
	[sflag:s28] =	ssyncadd.s32 $0xFFFFF000  }
0xa8: {  	[tilespmem:s30], [sflag:$0x1] =	stream.indirect.gather @!p2 [hbm4b:s4+s19], $0x20, s17, s19, $0xb8;
	[tilespmem:$0x17000] =	vst v63  }
0xa9: {  	s5 =	sadd.s32 @!p2 $0x500, s14;
	s17 =	sadd.s32 @!p2 $0x480, s14;
	s30 =	simm.s32 @!p2 $0x6000  }
0xaa: {  	[tilespmem:s30], [sflag:$0x1] =	stream.indirect.gather @!p2 [hbm4b:s4+s19], $0x20, s17, s19, $0xb8;
	[tilespmem:$0x17000] =	vst v63  }
0xab: {  	s14 =	sadd.s32 @!p2 $0x580, s14;
	s17 =	simm.s32 @!p2 $0x7000;
	s30 =	smov.u32 s3  }
0xac: {  	[tilespmem:s17], [sflag:$0x1] =	stream.indirect.gather @!p2 [hbm4b:s4+s19], $0x20, s5, s19, $0xb8;
	[tilespmem:$0x17000] =	vst v63  }
0xad: {  	s3 =	simm.s32 @!p2 $0x8000  }
0xae: {  	[tilespmem:s3], [sflag:$0x1] =	stream.indirect.gather @!p2 [hbm4b:s4+s19], $0x20, s14, s19, $0xb8;
	[tilespmem:$0x17000] =	vst v63  }
0xaf: {  	_ =	swait.ge [sflag:s26], $0x1000  }
0xb0: {  	[sflag:s26] =	ssyncset.done $0x0  }
0xb1: {  	[sflag:s26] =	ssyncadd.s32 $0xFFFFF000  }
0xb2: {  	_ =	swait.ge [sflag:s26], $0x1000  }
0xb3: {  	[sflag:s26] =	ssyncset.done $0x0  }
0xb4: {  	[sflag:s26] =	ssyncadd.s32 $0xFFFFF000  }
0xb5: {  	_ =	swait.ge [sflag:s26], $0x1000  }
0xb6: {  	[sflag:s26] =	ssyncset.done $0x0  }
0xb7: {  	[sflag:s26] =	ssyncadd.s32 $0xFFFFF000  }
0xb8: {  	_ =	swait.ge [sflag:s26], $0x1000  }
0xb9: {  	[sflag:s26] =	ssyncset.done $0x0  }
0xba: {  	s3 =	sadd.s32 $0x2A00, s0;
	[sflag:s26] =	ssyncadd.s32 $0xFFFFF000  }
0xbb: {  	[spmem:s1] =	stream.indirect.scatter.add.f32 [tilespmem:s21], [sflag:$0x2], $0x20, s3, s12, $0xb8;
	[tilespmem:$0x17000] =	vst v63  }
.Ltmp0:
0xbc: {  	s3 =	sadd.s32 $0x2A80, s0;
	(pc) =	sbr.rel @p1 .LBB2_2-.Ltmp0, $4  }
0xbd: {  	[spmem:s1] =	stream.indirect.scatter.add.f32 [tilespmem:s22], [sflag:$0x2], $0x20, s3, s12, $0xb8;
	[tilespmem:$0x17000] =	vst v63  }
0xbe: {  	s3 =	sadd.s32 $0x2B00, s0  }
0xbf: {  	[spmem:s1] =	stream.indirect.scatter.add.f32 [tilespmem:s23], [sflag:$0x2], $0x20, s3, s12, $0xb8;
	[tilespmem:$0x17000] =	vst v63  }
0xc0: {  	s0 =	sadd.s32 $0x2B80, s0  }
0xc1: {  	[spmem:s1] =	stream.indirect.scatter.add.f32 [tilespmem:s25], [sflag:$0x2], $0x20, s0, s12, $0xb8;
	[tilespmem:$0x17000] =	vst v63  }
0xc2: {  	s3 =	simm.s32 @!p0 $0x2  }
0xc3: {  	_ =	swait.ge @!p0 [sflag:s3], $0x1000  }
0xc4: {  	[sflag:s3] =	ssyncset.done @!p0 $0x0  }
0xc5: {  	[sflag:s3] =	ssyncadd.s32 @!p0 $0xFFFFF000  }
0xc6: {  	_ =	swait.ge @!p0 [sflag:s3], $0x1000  }
0xc7: {  	[sflag:s3] =	ssyncset.done @!p0 $0x0  }
0xc8: {  	[sflag:s3] =	ssyncadd.s32 @!p0 $0xFFFFF000  }
0xc9: {  	_ =	swait.ge @!p0 [sflag:s3], $0x1000  }
0xca: {  	[sflag:s3] =	ssyncset.done @!p0 $0x0  }
0xcb: {  	[sflag:s3] =	ssyncadd.s32 @!p0 $0xFFFFF000  }
0xcc: {  	_ =	swait.ge @!p0 [sflag:s3], $0x1000  }
0xcd: {  	s0 =	sshra.s32 s30, $0x2;
	[sflag:s3] =	ssyncset.done @!p0 $0x0  }
0xce: {  	s5 =	sadd.s32 $0x200, s0;
	[sflag:s3] =	ssyncadd.s32 @!p0 $0xFFFFF000  }
0xcf: {  	[tilespmem:s21], [sflag:$0x1] =	stream.indirect.gather [hbm4b:s4+s12], $0x20, s5, s12, $0xb8;
	[tilespmem:$0x17000] =	vst v63  }
0xd0: {  	s14 =	sadd.s32 $0x280, s0  }
0xd1: {  	[tilespmem:s22], [sflag:$0x1] =	stream.indirect.gather [hbm4b:s4+s12], $0x20, s14, s12, $0xb8;
	[tilespmem:$0x17000] =	vst v63  }
0xd2: {  	s17 =	sadd.s32 $0x300, s0  }
0xd3: {  	[tilespmem:s23], [sflag:$0x1] =	stream.indirect.gather [hbm4b:s4+s12], $0x20, s17, s12, $0xb8;
	[tilespmem:$0x17000] =	vst v63  }
0xd4: {  	s19 =	sadd.s32 $0x380, s0  }
0xd5: {  	[tilespmem:s25], [sflag:$0x1] =	stream.indirect.gather [hbm4b:s4+s12], $0x20, s19, s12, $0xb8;
	[tilespmem:$0x17000] =	vst v63  }
0xd6: {  	_ =	swait.ge [sflag:s26], $0x1000  }
0xd7: {  	[sflag:s26] =	ssyncset.done $0x0  }
0xd8: {  	[sflag:s26] =	ssyncadd.s32 $0xFFFFF000  }
0xd9: {  	_ =	swait.ge [sflag:s26], $0x1000  }
0xda: {  	[sflag:s26] =	ssyncset.done $0x0  }
0xdb: {  	[sflag:s26] =	ssyncadd.s32 $0xFFFFF000  }
0xdc: {  	_ =	swait.ge [sflag:s26], $0x1000  }
0xdd: {  	[sflag:s26] =	ssyncset.done $0x0  }
0xde: {  	[sflag:s26] =	ssyncadd.s32 $0xFFFFF000  }
0xdf: {  	_ =	swait.ge [sflag:s26], $0x1000  }
0xe0: {  	[sflag:s26] =	ssyncset.done $0x0  }
0xe1: {  	s31 =	sadd.s32 $0x2800, s0;
	[sflag:s26] =	ssyncadd.s32 $0xFFFFF000  }
0xe2: {  	[spmem:s1] =	stream.indirect.scatter.add.f32 [tilespmem:s15], [sflag:$0x2], $0x20, s31, s12, $0xb8;
	[tilespmem:$0x17000] =	vst v63  }
0xe3: {  	s5 =	sadd.s32 $0x2880, s0  }
0xe4: {  	[spmem:s1] =	stream.indirect.scatter.add.f32 [tilespmem:s16], [sflag:$0x2], $0x20, s5, s12, $0xb8;
	[tilespmem:$0x17000] =	vst v63  }
0xe5: {  	s14 =	sadd.s32 $0x2900, s0  }
0xe6: {  	[spmem:s1] =	stream.indirect.scatter.add.f32 [tilespmem:s18], [sflag:$0x2], $0x20, s14, s12, $0xb8;
	[tilespmem:$0x17000] =	vst v63  }
0xe7: {  	s17 =	sadd.s32 $0x2980, s0  }
0xe8: {  	[spmem:s1] =	stream.indirect.scatter.add.f32 [tilespmem:s20], [sflag:$0x2], $0x20, s17, s12, $0xb8;
	[tilespmem:$0x17000] =	vst v63  }
0xe9: {  	_ =	swait.ge [sflag:s28], $0x1000  }
0xea: {  	[sflag:s28] =	ssyncset.done $0x0  }
0xeb: {  	[sflag:s28] =	ssyncadd.s32 $0xFFFFF000  }
0xec: {  	_ =	swait.ge [sflag:s28], $0x1000  }
0xed: {  	[sflag:s28] =	ssyncset.done $0x0  }
0xee: {  	[sflag:s28] =	ssyncadd.s32 $0xFFFFF000  }
0xef: {  	_ =	swait.ge [sflag:s28], $0x1000  }
0xf0: {  	[sflag:s28] =	ssyncset.done $0x0  }
0xf1: {  	[sflag:s28] =	ssyncadd.s32 $0xFFFFF000  }
0xf2: {  	p0 =	seq.s32 s30, $0x9000;
	_ =	swait.ge [sflag:s28], $0x1000  }
0xf3: {  	s3 =	sshra.s32 @!p0 s30, $0x2;
	s5 =	simm.s32 @!p0 $0x5000;
	[sflag:s28] =	ssyncset.done $0x0  }
0xf4: {  	s14 =	sadd.s32 @!p0 $0x400, s3;
	s17 =	simm.s32 @!p0 $0x80;
	[sflag:s28] =	ssyncadd.s32 $0xFFFFF000  }
0xf5: {  	[tilespmem:s5], [sflag:$0x1] =	stream.indirect.gather @!p0 [hbm4b:s4+s17], $0x20, s14, s17, $0xb8;
	[tilespmem:$0x17000] =	vst v63  }
0xf6: {  	s5 =	sadd.s32 @!p0 $0x480, s3;
	s14 =	simm.s32 @!p0 $0x6000  }
0xf7: {  	[tilespmem:s14], [sflag:$0x1] =	stream.indirect.gather @!p0 [hbm4b:s4+s17], $0x20, s5, s17, $0xb8;
	[tilespmem:$0x17000] =	vst v63  }
0xf8: {  	s5 =	sadd.s32 @!p0 $0x500, s3;
	s14 =	simm.s32 @!p0 $0x7000  }
0xf9: {  	[tilespmem:s14], [sflag:$0x1] =	stream.indirect.gather @!p0 [hbm4b:s4+s17], $0x20, s5, s17, $0xb8;
	[tilespmem:$0x17000] =	vst v63  }
0xfa: {  	s3 =	sadd.s32 @!p0 $0x580, s3;
	s5 =	simm.s32 @!p0 $0x8000  }
0xfb: {  	[tilespmem:s5], [sflag:$0x1] =	stream.indirect.gather @!p0 [hbm4b:s4+s17], $0x20, s3, s17, $0xb8;
	[tilespmem:$0x17000] =	vst v63  }
0xfc: {  	_ =	swait.ge [sflag:s26], $0x1000  }
0xfd: {  	[sflag:s26] =	ssyncset.done $0x0  }
0xfe: {  	[sflag:s26] =	ssyncadd.s32 $0xFFFFF000  }
0xff: {  	_ =	swait.ge [sflag:s26], $0x1000  }
0x100: {  	[sflag:s26] =	ssyncset.done $0x0  }
0x101: {  	[sflag:s26] =	ssyncadd.s32 $0xFFFFF000  }
0x102: {  	_ =	swait.ge [sflag:s26], $0x1000  }
0x103: {  	[sflag:s26] =	ssyncset.done $0x0  }
0x104: {  	[sflag:s26] =	ssyncadd.s32 $0xFFFFF000  }
0x105: {  	_ =	swait.ge [sflag:s26], $0x1000  }
0x106: {  	[sflag:s26] =	ssyncset.done $0x0  }
0x107: {  	s19 =	sadd.s32 $0x2A00, s0;
	[sflag:s26] =	ssyncadd.s32 $0xFFFFF000  }
0x108: {  	[spmem:s1] =	stream.indirect.scatter.add.f32 [tilespmem:s21], [sflag:$0x2], $0x20, s19, s12, $0xb8;
	[tilespmem:$0x17000] =	vst v63  }
0x109: {  	s30 =	sadd.s32 $0x2A80, s0  }
0x10a: {  	[spmem:s1] =	stream.indirect.scatter.add.f32 [tilespmem:s22], [sflag:$0x2], $0x20, s30, s12, $0xb8;
	[tilespmem:$0x17000] =	vst v63  }
0x10b: {  	s31 =	sadd.s32 $0x2B00, s0  }
0x10c: {  	[spmem:s1] =	stream.indirect.scatter.add.f32 [tilespmem:s23], [sflag:$0x2], $0x20, s31, s12, $0xb8;
	[tilespmem:$0x17000] =	vst v63  }
0x10d: {  	s0 =	sadd.s32 $0x2B80, s0  }
0x10e: {  	[spmem:s1] =	stream.indirect.scatter.add.f32 [tilespmem:s25], [sflag:$0x2], $0x20, s0, s12, $0xb8;
	[tilespmem:$0x17000] =	vst v63  }
0x10f: {  	_ =	swait.ge [sflag:s28], $0x1000  }
0x110: {  	[sflag:s28] =	ssyncset.done $0x0  }
0x111: {  	[sflag:s28] =	ssyncadd.s32 $0xFFFFF000  }
0x112: {  	_ =	swait.ge [sflag:s28], $0x1000  }
0x113: {  	[sflag:s28] =	ssyncset.done $0x0  }
0x114: {  	[sflag:s28] =	ssyncadd.s32 $0xFFFFF000  }
0x115: {  	_ =	swait.ge [sflag:s28], $0x1000  }
0x116: {  	[sflag:s28] =	ssyncset.done $0x0  }
0x117: {  	[sflag:s28] =	ssyncadd.s32 $0xFFFFF000  }
0x118: {  	_ =	swait.ge [sflag:s28], $0x1000  }
0x119: {  	[sflag:s28] =	ssyncset.done $0x0  }
0x11a: {  	[sflag:s28] =	ssyncadd.s32 $0xFFFFF000  }
0x11b: {  	[bflag:$0x0] =	sbarrier.arrive $0xFFFF  }
0x11c: {  	[tilespmem:s10], [sflag:$0x3] =	stream.linear.gather [spmem:s6], $0x5000, $0x38;
	[tilespmem:$0x17000] =	vst v63  }
0x11d: {  	s29 =	sadd.s32 $0x1, s29;
	_ =	swait.ge [sflag:s11], $0x5000  }
0x11e: {  	p0 =	sne.s32 s29, s9;
	[sflag:s11] =	ssyncset.done $0x0  }
.Ltmp1:
0x11f: {  	[sflag:s11] =	ssyncadd.s32 $0xFFFFB000;
	(pc) =	sbr.rel @p0 .LBB2_1-.Ltmp1, $4  }
0x120: {  	[hbm4b:s24+s2] =	stream.linear.scatter [tilespmem:s10], [sflag:$0x3], $0x5000, $0x38;
	[tilespmem:$0x17000] =	vst v63  }
0x121: {  	_ =	swait.ge [sflag:s11], $0x5000  }
0x122: {  	[sflag:s11] =	ssyncset.done $0x0  }
0x123: {  	[sflag:s11] =	ssyncadd.s32 $0xFFFFB000  }
0x124: {  	_ =	sfence.sel $0x180000  }
0x125: {  	[bflag:$0x0] =	sbarrier.arrive $0xFFFF  }
0x126: {  	_ =	strace $0x90000047  }
0x127: {  	s0 =	stileid.u32;
	[bflag:$0x2] =	sbarrier.arrive $0xFFFF  }
0x128: {  	p0 =	sne.s32 s0, $0x0;
	s0 =	rddreg [dreg:$0x2]  }
0x129: {  	s0 =	sadd.s32 @!p0 $0x100000, s0  }
0x12a: {  	[sflag:s0] =	ssyncadd.tile.s32 @!p0 $0x1;
	_ =	shalt  }
.Lfunc_end2:
_tile_overlayer_lowered:
.L_overlay_start_2:
0x12b: {  	(tag) =	ssettag $0x2  }
0x12c: {  	s0 =	rddreg [dreg:$0x0];
	s2 =	stileid.u32  }
0x12d: {  	s1 =	rddreg [dreg:$0x1];
	p0 =	sne.s32 s2, $0x0  }
0x12e: {  	s3 =	rddreg [dreg:$0x2];
	[bflag:$0x3] =	sbarrier.arrive $0xFFFF;
	s2 =	simm.s32 @!p0 $0x1C03  }
0x12f: {  	[timem:s3], [sflag:s2] =	dma.local @!p0 [hbm:s0], s1  }
0x130: {  	s0 =	simm.s32 @!p0 $0x3  }
0x131: {  	_ =	swait.ge @!p0 [sflag:s0], s1  }
0x132: {  	s1 =	ssub.s32 @!p0 $0x0, s1;
	[sflag:s0] =	ssyncset.done @!p0 $0x0  }
0x133: {  	[sflag:s0] =	ssyncadd.s32 @!p0 s1  }
0x134: {  	[bflag:$0x3] =	sbarrier.arrive $0xFFFF  }
0x135: {  	_ =	shalt  }

</sc_bundles>
